<compile_context>
chip_gen: v7x
topology: tpu7x:2x2x1
jax: 0.10.2.dev20260603
libtpu: 0.0.44.dev20260713+nightly
codegen_flags: <defaults>
</compile_context>

<pallas_src>
import dataclasses
import functools
import jax
import jax.numpy as jnp
from jax import lax
from jax.experimental import pallas as pl
from jax.experimental.pallas import tpu as pltpu
from jax.experimental.pallas import tpu_sc as plsc

B, T, IN = 16, 4096, 1
E, K = 8, 64
N = B * T
BLK = 2048
L = 16
NC, NS = 2, 16
NW = NC * NS
N_SC = 8192
CH = N_SC // NW


TT = 512


def _tc_body(a_ref, d_ref, wg_ref, wh_ref, bh_ref, out_ref):
    xa_row = a_ref[0, 0:1, :]
    xd_row = d_ref[0, 0:1, :]

    la = [xa_row * wg_ref[0, e] + wg_ref[1, e] for e in range(E)]
    ld = [xd_row * wg_ref[0, E + e] + wg_ref[1, E + e] for e in range(E)]
    ma = la[0]
    md = ld[0]
    for e in range(1, E):
        ma = jnp.maximum(ma, la[e])
        md = jnp.maximum(md, ld[e])
    ea = [jnp.exp(v - ma) for v in la]
    ed = [jnp.exp(v - md) for v in ld]
    sa = ea[0]
    sd = ed[0]
    for e in range(1, E):
        sa = sa + ea[e]
        sd = sd + ed[e]
    ra = 1.0 / sa
    rd = 1.0 / sd
    ga = [v * ra for v in ea]
    gd = [v * rd for v in ed]

    rmask = jax.lax.broadcasted_iota(jnp.int32, (2 * K, 128), 0) < K

    for g in range(TT // 128):
        sl = slice(g * 128, (g + 1) * 128)
        xab = jnp.broadcast_to(xa_row[:, sl], (2 * K, 128))
        xdb = jnp.broadcast_to(xd_row[:, sl], (2 * K, 128))
        xv = jnp.where(rmask, xab, xdb)
        acc = jnp.zeros((2 * K, 128), jnp.float32)
        for e in range(E):
            zh = xv * wh_ref[e] + bh_ref[e]
            s = zh + zh * jnp.tanh(zh)
            ge = jnp.where(
                rmask,
                jnp.broadcast_to(ga[e][:, sl], (2 * K, 128)),
                jnp.broadcast_to(gd[e][:, sl], (2 * K, 128)))
            acc = acc + ge * s
        out_ref[pl.ds(g * 128, 128), :] = acc.T


def _tc_part(a3, d3, wgp, wh, bh, n_tc):
    return pl.pallas_call(
        _tc_body,
        grid=(n_tc // TT,),
        in_specs=[
            pl.BlockSpec((1, 1, TT), lambda i: (i, 0, 0)),
            pl.BlockSpec((1, 1, TT), lambda i: (i, 0, 0)),
            pl.BlockSpec(memory_space=pltpu.SMEM),
            pl.BlockSpec((E, 2 * K, 128), lambda i: (0, 0, 0)),
            pl.BlockSpec((E, 2 * K, 128), lambda i: (0, 0, 0)),
        ],
        out_specs=pl.BlockSpec((TT, 2 * K), lambda i: (i, 0)),
        out_shape=jax.ShapeDtypeStruct((n_tc, 2 * K), jnp.float32),
    )(a3, d3, wgp, wh, bh)


_P_WC = 64
_P_BC = 64 + E * 2 * K


def _sc_body(xa_hbm, xd_hbm, par_hbm, out_hbm,
             par_v, xa_v, xd_v, out_v, sem):
    wid = lax.axis_index("s") * NC + lax.axis_index("c")
    base = wid * CH
    pltpu.sync_copy(par_hbm, par_v)
    pltpu.sync_copy(xa_hbm.at[pl.ds(base, CH)], xa_v.at[pl.ds(0, CH)])
    pltpu.sync_copy(xd_hbm.at[pl.ds(base, CH)], xd_v.at[pl.ds(0, CH)])

    @pl.loop(0, CH)
    def _(t):
        xa = xa_v[pl.ds(t, L)][0]
        xd = xd_v[pl.ds(t, L)][0]
        xav = jnp.full((L,), xa, jnp.float32)
        xdv = jnp.full((L,), xd, jnp.float32)

        la = xav * par_v[pl.ds(0, L)] + par_v[pl.ds(16, L)]
        ld = xdv * par_v[pl.ds(32, L)] + par_v[pl.ds(48, L)]
        ea = jnp.exp(la - jnp.max(la))
        ed = jnp.exp(ld - jnp.max(ld))
        ga = ea / jnp.full((L,), jnp.sum(ea), jnp.float32)
        gd = ed / jnp.full((L,), jnp.sum(ed), jnp.float32)

        gav = [jnp.full((L,), ga[e], jnp.float32) for e in range(E)]
        gdv = [jnp.full((L,), gd[e], jnp.float32) for e in range(E)]

        for kv in range(2 * K // L):
            xv = xav if kv < K // L else xdv
            gv = gav if kv < K // L else gdv
            acc = jnp.zeros((L,), jnp.float32)
            for e in range(E):
                off = e * 2 * K + kv * L
                z = xv * par_v[pl.ds(_P_WC + off, L)] \
                    + par_v[pl.ds(_P_BC + off, L)]
                s = z / (1.0 + jnp.exp(-z))
                acc = acc + gv[e] * s
            out_v[t, pl.ds(kv * L, L)] = acc

    pltpu.sync_copy(out_v, out_hbm.at[pl.ds(base, CH)])


def _sc_part(xa, xd, par):
    mesh = plsc.VectorSubcoreMesh(core_axis_name="c", subcore_axis_name="s")
    cp = pltpu.CompilerParams()
    if "needs_layout_passes" in pltpu.CompilerParams.__dataclass_fields__:
        cp = dataclasses.replace(cp, needs_layout_passes=False)
    run = functools.partial(
        pl.kernel, mesh=mesh, compiler_params=cp,
        out_type=jax.ShapeDtypeStruct((N_SC, 2 * K), jnp.float32),
        scratch_types=[
            pltpu.VMEM((_P_BC + E * 2 * K,), jnp.float32),
            pltpu.VMEM((CH + L,), jnp.float32),
            pltpu.VMEM((CH + L,), jnp.float32),
            pltpu.VMEM((CH, 2 * K), jnp.float32),
            pltpu.SemaphoreType.DMA,
        ],
    )(_sc_body)
    return run(xa, xd, par)


def kernel(a, d, Wg_t, bg_t, We_t, be_t, Wg_d, bg_d, We_d, be_d):
    af = a.reshape(N)
    df = d.reshape(N)
    wgp = jnp.stack([jnp.concatenate([Wg_t[0], Wg_d[0]]),
                     jnp.concatenate([bg_t, bg_d])])
    wc = jnp.concatenate([We_t[:, 0, :], We_d[:, 0, :]], axis=1)
    bc = jnp.concatenate([be_t, be_d], axis=1)
    wh = jnp.broadcast_to((0.5 * wc)[:, :, None], (E, 2 * K, 128))
    bh = jnp.broadcast_to((0.5 * bc)[:, :, None], (E, 2 * K, 128))

    n_tc = N - N_SC
    a3 = af[:n_tc].reshape(n_tc // TT, 1, TT)
    d3 = df[:n_tc].reshape(n_tc // TT, 1, TT)
    out_tc = _tc_part(a3, d3, wgp, wh, bh, n_tc)

    zpad = jnp.zeros((E,), jnp.float32)
    npad = jnp.full((E,), -1e30, jnp.float32)
    par = jnp.concatenate([
        Wg_t[0], zpad, bg_t, npad,
        Wg_d[0], zpad, bg_d, npad,
        wc.reshape(-1), bc.reshape(-1),
    ])
    out_sc = _sc_part(af[n_tc:], df[n_tc:], par)

    out = jnp.concatenate([out_tc, out_sc], axis=0)
    return out.reshape(B, T, 2 * K)

# --- scband reference (transcript-rebuilt; emitter-appended) ---
"""Pipeline reference for scband-anomaly-encoder-74758200754444 (READ-ONLY COPY).

The authoritative reference and input builder live on the scoring server;
editing this copy changes nothing except your own understanding.
"""

import jax, jax.numpy as jnp
import numpy as np

B, T, IN = 16, 4096, 1
E, K = 8, 64


def setup_inputs(seed: int = 0) -> dict:
    key = jax.random.key(seed)
    ks = jax.random.split(key, 12)
    s = 0.1
    return {
        "a": jax.random.normal(ks[0], (B, T, IN), dtype=jnp.float32),
        "d": jax.random.normal(ks[1], (B, T, IN), dtype=jnp.float32),
        "Wg_t": jax.random.normal(ks[2], (IN, E), dtype=jnp.float32) * s,
        "bg_t": jnp.zeros((E,), dtype=jnp.float32),
        "We_t": jax.random.normal(ks[3], (E, IN, K), dtype=jnp.float32) * s,
        "be_t": jnp.zeros((E, K), dtype=jnp.float32),
        "Wg_d": jax.random.normal(ks[4], (IN, E), dtype=jnp.float32) * s,
        "bg_d": jnp.zeros((E,), dtype=jnp.float32),
        "We_d": jax.random.normal(ks[5], (E, IN, K), dtype=jnp.float32) * s,
        "be_d": jnp.zeros((E, K), dtype=jnp.float32),
    }


def _kan_moe(x, Wg, bg, We, be):
    # x: [B, T, IN]
    logits = jnp.einsum('bti,ie->bte', x, Wg) + bg            # [B, T, E]
    gates = jax.nn.softmax(logits, axis=-1)                   # [B, T, E]
    expert_out = jnp.einsum('bti,eik->btek', x, We) + be      # [B, T, E, K]
    expert_out = jax.nn.silu(expert_out)                      # spline-like expert nonlinearity
    out = jnp.einsum('bte,btek->btk', gates, expert_out)      # [B, T, K]
    return out


def reference(a, d, Wg_t, bg_t, We_t, be_t, Wg_d, bg_d, We_d, be_d):
    learned_a = _kan_moe(a, Wg_t, bg_t, We_t, be_t)
    learned_d = _kan_moe(d, Wg_d, bg_d, We_d, be_d)
    return jnp.concatenate([learned_a, learned_d], axis=-1)   # [B, T, 2K]

if __name__ == "__main__":
    import jax
    _d = setup_inputs()
    print(jax.jit(kernel)(*tuple(_d.values())))

</pallas_src>

<mosaic_0001>
#map = affine_map<(d0, d1) -> (0)>
#map1 = affine_map<(d0, d1) -> (0, 0)>
module attributes {stable_mosaic.version = 14 : i64} {
  func.func @_sc_body(%arg0: i32, %arg1: i32, %arg2: memref<8192xf32, #tpu.memory_space<hbm>>, %arg3: memref<8192xf32, #tpu.memory_space<hbm>>, %arg4: memref<2112xf32, #tpu.memory_space<hbm>>, %arg5: memref<8192x128xf32, #tpu.memory_space<hbm>>, %arg6: memref<2112xf32, #tpu.memory_space<vmem>>, %arg7: memref<272xf32, #tpu.memory_space<vmem>>, %arg8: memref<272xf32, #tpu.memory_space<vmem>>, %arg9: memref<256x128xf32, #tpu.memory_space<vmem>>, %arg10: memref<!tpu.dma_semaphore, #tpu.memory_space<semaphore_mem>>) attributes {dimension_semantics = [#tpu.dimension_semantics<core_parallel>, #tpu.dimension_semantics<subcore_parallel>], iteration_bounds = array<i64: 2, 16>, scalar_prefetch = 0 : i64, scratch_operands = 5 : i64, tpu.core_type = #tpu.core_type<sc_vector_subcore>, window_params = [{transform_indices = #map}, {transform_indices = #map}, {transform_indices = #map}, {transform_indices = #map1}]} {
    %mul3A = arith.constant 2 : i32
    %mul3A_0 = arith.muli %arg1, %mul3A : i32
    %add3A = arith.addi %mul3A_0, %arg0 : i32
    %mul3A_1 = arith.constant 256 : i32
    %mul3A_2 = arith.muli %add3A, %mul3A_1 : i32
    "tpu.region"() ({
      %run_scoped3A = tpu.sem_alloc : memref<!tpu.dma_semaphore, #tpu.memory_space<semaphore_mem>>
      tpu.enqueue_dma source(%arg4 : memref<2112xf32, #tpu.memory_space<hbm>>) target(%arg6 : memref<2112xf32, #tpu.memory_space<vmem>>) target_semaphore(%run_scoped3A : memref<!tpu.dma_semaphore, #tpu.memory_space<semaphore_mem>>)
      tpu.wait_dma2 semaphore(%run_scoped3A : memref<!tpu.dma_semaphore, #tpu.memory_space<semaphore_mem>>) src(%arg4 : memref<2112xf32, #tpu.memory_space<hbm>>) dst(%arg6 : memref<2112xf32, #tpu.memory_space<vmem>>)
      tpu.yield
    }) : () -> ()
    "tpu.region"() ({
      %run_scoped3A = tpu.sem_alloc : memref<!tpu.dma_semaphore, #tpu.memory_space<semaphore_mem>>
      %dma_start3A = arith.constant 0 : i32
      %dma_start3A_7 = tpu.memref_slice %arg7[%dma_start3A] : memref<272xf32, #tpu.memory_space<vmem>> -> memref<256xf32, #tpu.memory_space<vmem>>
      %dma_start3A_8 = tpu.memref_slice %arg2[%mul3A_2] : memref<8192xf32, #tpu.memory_space<hbm>> -> memref<256xf32, #tpu.memory_space<hbm>>
      %dma_start3A_9 = arith.constant 0 : i32
      %dma_start3A_10 = tpu.memref_slice %arg7[%dma_start3A_9] : memref<272xf32, #tpu.memory_space<vmem>> -> memref<256xf32, #tpu.memory_space<vmem>>
      %dma_start3A_11 = tpu.memref_slice %arg2[%mul3A_2] : memref<8192xf32, #tpu.memory_space<hbm>> -> memref<256xf32, #tpu.memory_space<hbm>>
      tpu.enqueue_dma source(%dma_start3A_11 : memref<256xf32, #tpu.memory_space<hbm>>) target(%dma_start3A_10 : memref<256xf32, #tpu.memory_space<vmem>>) target_semaphore(%run_scoped3A : memref<!tpu.dma_semaphore, #tpu.memory_space<semaphore_mem>>)
      %dma_wait3A = arith.constant 0 : i32
      %dma_wait3A_12 = tpu.memref_slice %arg7[%dma_wait3A] : memref<272xf32, #tpu.memory_space<vmem>> -> memref<256xf32, #tpu.memory_space<vmem>>
      %dma_wait3A_13 = tpu.memref_slice %arg2[%mul3A_2] : memref<8192xf32, #tpu.memory_space<hbm>> -> memref<256xf32, #tpu.memory_space<hbm>>
      %dma_wait3A_14 = arith.constant 0 : i32
      %dma_wait3A_15 = tpu.memref_slice %arg7[%dma_wait3A_14] : memref<272xf32, #tpu.memory_space<vmem>> -> memref<256xf32, #tpu.memory_space<vmem>>
      %dma_wait3A_16 = tpu.memref_slice %arg2[%mul3A_2] : memref<8192xf32, #tpu.memory_space<hbm>> -> memref<256xf32, #tpu.memory_space<hbm>>
      tpu.wait_dma2 semaphore(%run_scoped3A : memref<!tpu.dma_semaphore, #tpu.memory_space<semaphore_mem>>) src(%dma_wait3A_16 : memref<256xf32, #tpu.memory_space<hbm>>) dst(%dma_wait3A_15 : memref<256xf32, #tpu.memory_space<vmem>>)
      tpu.yield
    }) : () -> ()
    "tpu.region"() ({
      %run_scoped3A = tpu.sem_alloc : memref<!tpu.dma_semaphore, #tpu.memory_space<semaphore_mem>>
      %dma_start3A = arith.constant 0 : i32
      %dma_start3A_7 = tpu.memref_slice %arg8[%dma_start3A] : memref<272xf32, #tpu.memory_space<vmem>> -> memref<256xf32, #tpu.memory_space<vmem>>
      %dma_start3A_8 = tpu.memref_slice %arg3[%mul3A_2] : memref<8192xf32, #tpu.memory_space<hbm>> -> memref<256xf32, #tpu.memory_space<hbm>>
      %dma_start3A_9 = arith.constant 0 : i32
      %dma_start3A_10 = tpu.memref_slice %arg8[%dma_start3A_9] : memref<272xf32, #tpu.memory_space<vmem>> -> memref<256xf32, #tpu.memory_space<vmem>>
      %dma_start3A_11 = tpu.memref_slice %arg3[%mul3A_2] : memref<8192xf32, #tpu.memory_space<hbm>> -> memref<256xf32, #tpu.memory_space<hbm>>
      tpu.enqueue_dma source(%dma_start3A_11 : memref<256xf32, #tpu.memory_space<hbm>>) target(%dma_start3A_10 : memref<256xf32, #tpu.memory_space<vmem>>) target_semaphore(%run_scoped3A : memref<!tpu.dma_semaphore, #tpu.memory_space<semaphore_mem>>)
      %dma_wait3A = arith.constant 0 : i32
      %dma_wait3A_12 = tpu.memref_slice %arg8[%dma_wait3A] : memref<272xf32, #tpu.memory_space<vmem>> -> memref<256xf32, #tpu.memory_space<vmem>>
      %dma_wait3A_13 = tpu.memref_slice %arg3[%mul3A_2] : memref<8192xf32, #tpu.memory_space<hbm>> -> memref<256xf32, #tpu.memory_space<hbm>>
      %dma_wait3A_14 = arith.constant 0 : i32
      %dma_wait3A_15 = tpu.memref_slice %arg8[%dma_wait3A_14] : memref<272xf32, #tpu.memory_space<vmem>> -> memref<256xf32, #tpu.memory_space<vmem>>
      %dma_wait3A_16 = tpu.memref_slice %arg3[%mul3A_2] : memref<8192xf32, #tpu.memory_space<hbm>> -> memref<256xf32, #tpu.memory_space<hbm>>
      tpu.wait_dma2 semaphore(%run_scoped3A : memref<!tpu.dma_semaphore, #tpu.memory_space<semaphore_mem>>) src(%dma_wait3A_16 : memref<256xf32, #tpu.memory_space<hbm>>) dst(%dma_wait3A_15 : memref<256xf32, #tpu.memory_space<vmem>>)
      tpu.yield
    }) : () -> ()
    %scan3A = arith.constant 0 : i32
    %scan3A_3 = arith.constant 256 : i32
    %scan3A_4 = arith.addi %scan3A, %scan3A_3 : i32
    %scan3A_5 = arith.constant 1 : i32
    scf.for %scan3A_7 = %scan3A to %scan3A_4 step %scan3A_5  : i32 {
      %mul3A_8 = arith.constant 1 : i32
      %mul3A_9 = arith.muli %scan3A_7, %mul3A_8 : i32
      %add3A_10 = arith.constant 0 : i32
      %add3A_11 = arith.addi %add3A_10, %mul3A_9 : i32
      %get3A = arith.index_cast %add3A_11 : i32 to index
      %get3A_12 = tpu.vector_load %arg7[%get3A] {strides = array<i32>} : memref<272xf32, #tpu.memory_space<vmem>>, vector<16xf32>,
      %slice3A = vector.extract_strided_slice %get3A_12 {offsets = [0], sizes = [1], strides = [1]} : vector<16xf32> to vector<1xf32>
      %squeeze3A = vector.extract %slice3A[0] : f32 from vector<1xf32>
      %get3A_13 = arith.index_cast %add3A_11 : i32 to index
      %get3A_14 = tpu.vector_load %arg8[%get3A_13] {strides = array<i32>} : memref<272xf32, #tpu.memory_space<vmem>>, vector<16xf32>,
      %slice3A_15 = vector.extract_strided_slice %get3A_14 {offsets = [0], sizes = [1], strides = [1]} : vector<16xf32> to vector<1xf32>
      %squeeze3A_16 = vector.extract %slice3A_15[0] : f32 from vector<1xf32>
      %broadcast_in_dim3A = vector.broadcast %squeeze3A : f32 to vector<16xf32>
      %broadcast_in_dim3A_17 = vector.broadcast %squeeze3A_16 : f32 to vector<16xf32>
      %get3A_18 = arith.constant 0 : index
      %get3A_19 = tpu.vector_load %arg6[%get3A_18] {strides = array<i32>} : memref<2112xf32, #tpu.memory_space<vmem>>, vector<16xf32>,
      %mul3A_20 = arith.mulf %broadcast_in_dim3A, %get3A_19 : vector<16xf32>
      %get3A_21 = arith.constant 16 : index
      %get3A_22 = tpu.vector_load %arg6[%get3A_21] {strides = array<i32>} : memref<2112xf32, #tpu.memory_space<vmem>>, vector<16xf32>,
      %add3A_23 = arith.addf %mul3A_20, %get3A_22 : vector<16xf32>
      %get3A_24 = arith.constant 32 : index
      %get3A_25 = tpu.vector_load %arg6[%get3A_24] {strides = array<i32>} : memref<2112xf32, #tpu.memory_space<vmem>>, vector<16xf32>,
      %mul3A_26 = arith.mulf %broadcast_in_dim3A_17, %get3A_25 : vector<16xf32>
      %get3A_27 = arith.constant 48 : index
      %get3A_28 = tpu.vector_load %arg6[%get3A_27] {strides = array<i32>} : memref<2112xf32, #tpu.memory_space<vmem>>, vector<16xf32>,
      %add3A_29 = arith.addf %mul3A_26, %get3A_28 : vector<16xf32>
      %reduce_max3A = arith.constant true
      %reduce_max3A_30 = vector.broadcast %reduce_max3A : i1 to vector<16xi1>
      %reduce_max3A_31 = tpu.scan <max>, %add3A_23 masked %reduce_max3A_30 : vector<16xf32>, vector<16xi1> -> vector<16xf32>
      %reduce_max3A_32 = vector.extract %reduce_max3A_31[15] : f32 from vector<16xf32>
      %sub3A = vector.broadcast %reduce_max3A_32 : f32 to vector<16xf32>
      %sub3A_33 = arith.subf %add3A_23, %sub3A : vector<16xf32>
      %exp3A = math.exp %sub3A_33 : vector<16xf32>
      %reduce_max3A_34 = arith.constant true
      %reduce_max3A_35 = vector.broadcast %reduce_max3A_34 : i1 to vector<16xi1>
      %reduce_max3A_36 = tpu.scan <max>, %add3A_29 masked %reduce_max3A_35 : vector<16xf32>, vector<16xi1> -> vector<16xf32>
      %reduce_max3A_37 = vector.extract %reduce_max3A_36[15] : f32 from vector<16xf32>
      %sub3A_38 = vector.broadcast %reduce_max3A_37 : f32 to vector<16xf32>
      %sub3A_39 = arith.subf %add3A_29, %sub3A_38 : vector<16xf32>
      %exp3A_40 = math.exp %sub3A_39 : vector<16xf32>
      %reduce_sum3A = arith.constant true
      %reduce_sum3A_41 = vector.broadcast %reduce_sum3A : i1 to vector<16xi1>
      %reduce_sum3A_42 = tpu.scan <sum>, %exp3A masked %reduce_sum3A_41 : vector<16xf32>, vector<16xi1> -> vector<16xf32>
      %reduce_sum3A_43 = vector.extract %reduce_sum3A_42[15] : f32 from vector<16xf32>
      %broadcast_in_dim3A_44 = vector.broadcast %reduce_sum3A_43 : f32 to vector<16xf32>
      %div3A = arith.divf %exp3A, %broadcast_in_dim3A_44 : vector<16xf32>
      %reduce_sum3A_45 = arith.constant true
      %reduce_sum3A_46 = vector.broadcast %reduce_sum3A_45 : i1 to vector<16xi1>
      %reduce_sum3A_47 = tpu.scan <sum>, %exp3A_40 masked %reduce_sum3A_46 : vector<16xf32>, vector<16xi1> -> vector<16xf32>
      %reduce_sum3A_48 = vector.extract %reduce_sum3A_47[15] : f32 from vector<16xf32>
      %broadcast_in_dim3A_49 = vector.broadcast %reduce_sum3A_48 : f32 to vector<16xf32>
      %div3A_50 = arith.divf %exp3A_40, %broadcast_in_dim3A_49 : vector<16xf32>
      %slice3A_51 = vector.extract_strided_slice %div3A {offsets = [0], sizes = [1], strides = [1]} : vector<16xf32> to vector<1xf32>
      %squeeze3A_52 = vector.extract %slice3A_51[0] : f32 from vector<1xf32>
      %broadcast_in_dim3A_53 = vector.broadcast %squeeze3A_52 : f32 to vector<16xf32>
      %slice3A_54 = vector.extract_strided_slice %div3A {offsets = [1], sizes = [1], strides = [1]} : vector<16xf32> to vector<1xf32>
      %squeeze3A_55 = vector.extract %slice3A_54[0] : f32 from vector<1xf32>
      %broadcast_in_dim3A_56 = vector.broadcast %squeeze3A_55 : f32 to vector<16xf32>
      %slice3A_57 = vector.extract_strided_slice %div3A {offsets = [2], sizes = [1], strides = [1]} : vector<16xf32> to vector<1xf32>
      %squeeze3A_58 = vector.extract %slice3A_57[0] : f32 from vector<1xf32>
      %broadcast_in_dim3A_59 = vector.broadcast %squeeze3A_58 : f32 to vector<16xf32>
      %slice3A_60 = vector.extract_strided_slice %div3A {offsets = [3], sizes = [1], strides = [1]} : vector<16xf32> to vector<1xf32>
      %squeeze3A_61 = vector.extract %slice3A_60[0] : f32 from vector<1xf32>
      %broadcast_in_dim3A_62 = vector.broadcast %squeeze3A_61 : f32 to vector<16xf32>
      %slice3A_63 = vector.extract_strided_slice %div3A {offsets = [4], sizes = [1], strides = [1]} : vector<16xf32> to vector<1xf32>
      %squeeze3A_64 = vector.extract %slice3A_63[0] : f32 from vector<1xf32>
      %broadcast_in_dim3A_65 = vector.broadcast %squeeze3A_64 : f32 to vector<16xf32>
      %slice3A_66 = vector.extract_strided_slice %div3A {offsets = [5], sizes = [1], strides = [1]} : vector<16xf32> to vector<1xf32>
      %squeeze3A_67 = vector.extract %slice3A_66[0] : f32 from vector<1xf32>
      %broadcast_in_dim3A_68 = vector.broadcast %squeeze3A_67 : f32 to vector<16xf32>
      %slice3A_69 = vector.extract_strided_slice %div3A {offsets = [6], sizes = [1], strides = [1]} : vector<16xf32> to vector<1xf32>
      %squeeze3A_70 = vector.extract %slice3A_69[0] : f32 from vector<1xf32>
      %broadcast_in_dim3A_71 = vector.broadcast %squeeze3A_70 : f32 to vector<16xf32>
      %slice3A_72 = vector.extract_strided_slice %div3A {offsets = [7], sizes = [1], strides = [1]} : vector<16xf32> to vector<1xf32>
      %squeeze3A_73 = vector.extract %slice3A_72[0] : f32 from vector<1xf32>
      %broadcast_in_dim3A_74 = vector.broadcast %squeeze3A_73 : f32 to vector<16xf32>
      %slice3A_75 = vector.extract_strided_slice %div3A_50 {offsets = [0], sizes = [1], strides = [1]} : vector<16xf32> to vector<1xf32>
      %squeeze3A_76 = vector.extract %slice3A_75[0] : f32 from vector<1xf32>
      %broadcast_in_dim3A_77 = vector.broadcast %squeeze3A_76 : f32 to vector<16xf32>
      %slice3A_78 = vector.extract_strided_slice %div3A_50 {offsets = [1], sizes = [1], strides = [1]} : vector<16xf32> to vector<1xf32>
      %squeeze3A_79 = vector.extract %slice3A_78[0] : f32 from vector<1xf32>
      %broadcast_in_dim3A_80 = vector.broadcast %squeeze3A_79 : f32 to vector<16xf32>
      %slice3A_81 = vector.extract_strided_slice %div3A_50 {offsets = [2], sizes = [1], strides = [1]} : vector<16xf32> to vector<1xf32>
      %squeeze3A_82 = vector.extract %slice3A_81[0] : f32 from vector<1xf32>
      %broadcast_in_dim3A_83 = vector.broadcast %squeeze3A_82 : f32 to vector<16xf32>
      %slice3A_84 = vector.extract_strided_slice %div3A_50 {offsets = [3], sizes = [1], strides = [1]} : vector<16xf32> to vector<1xf32>
      %squeeze3A_85 = vector.extract %slice3A_84[0] : f32 from vector<1xf32>
      %broadcast_in_dim3A_86 = vector.broadcast %squeeze3A_85 : f32 to vector<16xf32>
      %slice3A_87 = vector.extract_strided_slice %div3A_50 {offsets = [4], sizes = [1], strides = [1]} : vector<16xf32> to vector<1xf32>
      %squeeze3A_88 = vector.extract %slice3A_87[0] : f32 from vector<1xf32>
      %broadcast_in_dim3A_89 = vector.broadcast %squeeze3A_88 : f32 to vector<16xf32>
      %slice3A_90 = vector.extract_strided_slice %div3A_50 {offsets = [5], sizes = [1], strides = [1]} : vector<16xf32> to vector<1xf32>
      %squeeze3A_91 = vector.extract %slice3A_90[0] : f32 from vector<1xf32>
      %broadcast_in_dim3A_92 = vector.broadcast %squeeze3A_91 : f32 to vector<16xf32>
      %slice3A_93 = vector.extract_strided_slice %div3A_50 {offsets = [6], sizes = [1], strides = [1]} : vector<16xf32> to vector<1xf32>
      %squeeze3A_94 = vector.extract %slice3A_93[0] : f32 from vector<1xf32>
      %broadcast_in_dim3A_95 = vector.broadcast %squeeze3A_94 : f32 to vector<16xf32>
      %slice3A_96 = vector.extract_strided_slice %div3A_50 {offsets = [7], sizes = [1], strides = [1]} : vector<16xf32> to vector<1xf32>
      %squeeze3A_97 = vector.extract %slice3A_96[0] : f32 from vector<1xf32>
      %broadcast_in_dim3A_98 = vector.broadcast %squeeze3A_97 : f32 to vector<16xf32>
      %broadcast_in_dim3A_99 = arith.constant 0.000000e+00 : f32
      %broadcast_in_dim3A_100 = vector.broadcast %broadcast_in_dim3A_99 : f32 to vector<16xf32>
      %get3A_101 = arith.constant 64 : index
      %get3A_102 = tpu.vector_load %arg6[%get3A_101] {strides = array<i32>} : memref<2112xf32, #tpu.memory_space<vmem>>, vector<16xf32>,
      %mul3A_103 = arith.mulf %broadcast_in_dim3A, %get3A_102 : vector<16xf32>
      %get3A_104 = arith.constant 1088 : index
      %get3A_105 = tpu.vector_load %arg6[%get3A_104] {strides = array<i32>} : memref<2112xf32, #tpu.memory_space<vmem>>, vector<16xf32>,
      %add3A_106 = arith.addf %mul3A_103, %get3A_105 : vector<16xf32>
      %neg3A = arith.constant 0.000000e+00 : f32
      %neg3A_107 = vector.broadcast %neg3A : f32 to vector<16xf32>
      %neg3A_108 = arith.subf %neg3A_107, %add3A_106 : vector<16xf32>
      %exp3A_109 = math.exp %neg3A_108 : vector<16xf32>
      %add3A_110 = arith.constant 1.000000e+00 : f32
      %add3A_111 = vector.broadcast %add3A_110 : f32 to vector<16xf32>
      %add3A_112 = arith.addf %add3A_111, %exp3A_109 : vector<16xf32>
      %div3A_113 = arith.divf %add3A_106, %add3A_112 : vector<16xf32>
      %mul3A_114 = arith.mulf %broadcast_in_dim3A_53, %div3A_113 : vector<16xf32>
      %add3A_115 = arith.addf %broadcast_in_dim3A_100, %mul3A_114 : vector<16xf32>
      %get3A_116 = arith.constant 192 : index
      %get3A_117 = tpu.vector_load %arg6[%get3A_116] {strides = array<i32>} : memref<2112xf32, #tpu.memory_space<vmem>>, vector<16xf32>,
      %mul3A_118 = arith.mulf %broadcast_in_dim3A, %get3A_117 : vector<16xf32>
      %get3A_119 = arith.constant 1216 : index
      %get3A_120 = tpu.vector_load %arg6[%get3A_119] {strides = array<i32>} : memref<2112xf32, #tpu.memory_space<vmem>>, vector<16xf32>,
      %add3A_121 = arith.addf %mul3A_118, %get3A_120 : vector<16xf32>
      %neg3A_122 = arith.constant 0.000000e+00 : f32
      %neg3A_123 = vector.broadcast %neg3A_122 : f32 to vector<16xf32>
      %neg3A_124 = arith.subf %neg3A_123, %add3A_121 : vector<16xf32>
      %exp3A_125 = math.exp %neg3A_124 : vector<16xf32>
      %add3A_126 = arith.constant 1.000000e+00 : f32
      %add3A_127 = vector.broadcast %add3A_126 : f32 to vector<16xf32>
      %add3A_128 = arith.addf %add3A_127, %exp3A_125 : vector<16xf32>
      %div3A_129 = arith.divf %add3A_121, %add3A_128 : vector<16xf32>
      %mul3A_130 = arith.mulf %broadcast_in_dim3A_56, %div3A_129 : vector<16xf32>
      %add3A_131 = arith.addf %add3A_115, %mul3A_130 : vector<16xf32>
      %get3A_132 = arith.constant 320 : index
      %get3A_133 = tpu.vector_load %arg6[%get3A_132] {strides = array<i32>} : memref<2112xf32, #tpu.memory_space<vmem>>, vector<16xf32>,
      %mul3A_134 = arith.mulf %broadcast_in_dim3A, %get3A_133 : vector<16xf32>
      %get3A_135 = arith.constant 1344 : index
      %get3A_136 = tpu.vector_load %arg6[%get3A_135] {strides = array<i32>} : memref<2112xf32, #tpu.memory_space<vmem>>, vector<16xf32>,
      %add3A_137 = arith.addf %mul3A_134, %get3A_136 : vector<16xf32>
      %neg3A_138 = arith.constant 0.000000e+00 : f32
      %neg3A_139 = vector.broadcast %neg3A_138 : f32 to vector<16xf32>
      %neg3A_140 = arith.subf %neg3A_139, %add3A_137 : vector<16xf32>
      %exp3A_141 = math.exp %neg3A_140 : vector<16xf32>
      %add3A_142 = arith.constant 1.000000e+00 : f32
      %add3A_143 = vector.broadcast %add3A_142 : f32 to vector<16xf32>
      %add3A_144 = arith.addf %add3A_143, %exp3A_141 : vector<16xf32>
      %div3A_145 = arith.divf %add3A_137, %add3A_144 : vector<16xf32>
      %mul3A_146 = arith.mulf %broadcast_in_dim3A_59, %div3A_145 : vector<16xf32>
      %add3A_147 = arith.addf %add3A_131, %mul3A_146 : vector<16xf32>
      %get3A_148 = arith.constant 448 : index
      %get3A_149 = tpu.vector_load %arg6[%get3A_148] {strides = array<i32>} : memref<2112xf32, #tpu.memory_space<vmem>>, vector<16xf32>,
      %mul3A_150 = arith.mulf %broadcast_in_dim3A, %get3A_149 : vector<16xf32>
      %get3A_151 = arith.constant 1472 : index
      %get3A_152 = tpu.vector_load %arg6[%get3A_151] {strides = array<i32>} : memref<2112xf32, #tpu.memory_space<vmem>>, vector<16xf32>,
      %add3A_153 = arith.addf %mul3A_150, %get3A_152 : vector<16xf32>
      %neg3A_154 = arith.constant 0.000000e+00 : f32
      %neg3A_155 = vector.broadcast %neg3A_154 : f32 to vector<16xf32>
      %neg3A_156 = arith.subf %neg3A_155, %add3A_153 : vector<16xf32>
      %exp3A_157 = math.exp %neg3A_156 : vector<16xf32>
      %add3A_158 = arith.constant 1.000000e+00 : f32
      %add3A_159 = vector.broadcast %add3A_158 : f32 to vector<16xf32>
      %add3A_160 = arith.addf %add3A_159, %exp3A_157 : vector<16xf32>
      %div3A_161 = arith.divf %add3A_153, %add3A_160 : vector<16xf32>
      %mul3A_162 = arith.mulf %broadcast_in_dim3A_62, %div3A_161 : vector<16xf32>
      %add3A_163 = arith.addf %add3A_147, %mul3A_162 : vector<16xf32>
      %get3A_164 = arith.constant 576 : index
      %get3A_165 = tpu.vector_load %arg6[%get3A_164] {strides = array<i32>} : memref<2112xf32, #tpu.memory_space<vmem>>, vector<16xf32>,
      %mul3A_166 = arith.mulf %broadcast_in_dim3A, %get3A_165 : vector<16xf32>
      %get3A_167 = arith.constant 1600 : index
      %get3A_168 = tpu.vector_load %arg6[%get3A_167] {strides = array<i32>} : memref<2112xf32, #tpu.memory_space<vmem>>, vector<16xf32>,
      %add3A_169 = arith.addf %mul3A_166, %get3A_168 : vector<16xf32>
      %neg3A_170 = arith.constant 0.000000e+00 : f32
      %neg3A_171 = vector.broadcast %neg3A_170 : f32 to vector<16xf32>
      %neg3A_172 = arith.subf %neg3A_171, %add3A_169 : vector<16xf32>
      %exp3A_173 = math.exp %neg3A_172 : vector<16xf32>
      %add3A_174 = arith.constant 1.000000e+00 : f32
      %add3A_175 = vector.broadcast %add3A_174 : f32 to vector<16xf32>
      %add3A_176 = arith.addf %add3A_175, %exp3A_173 : vector<16xf32>
      %div3A_177 = arith.divf %add3A_169, %add3A_176 : vector<16xf32>
      %mul3A_178 = arith.mulf %broadcast_in_dim3A_65, %div3A_177 : vector<16xf32>
      %add3A_179 = arith.addf %add3A_163, %mul3A_178 : vector<16xf32>
      %get3A_180 = arith.constant 704 : index
      %get3A_181 = tpu.vector_load %arg6[%get3A_180] {strides = array<i32>} : memref<2112xf32, #tpu.memory_space<vmem>>, vector<16xf32>,
      %mul3A_182 = arith.mulf %broadcast_in_dim3A, %get3A_181 : vector<16xf32>
      %get3A_183 = arith.constant 1728 : index
      %get3A_184 = tpu.vector_load %arg6[%get3A_183] {strides = array<i32>} : memref<2112xf32, #tpu.memory_space<vmem>>, vector<16xf32>,
      %add3A_185 = arith.addf %mul3A_182, %get3A_184 : vector<16xf32>
      %neg3A_186 = arith.constant 0.000000e+00 : f32
      %neg3A_187 = vector.broadcast %neg3A_186 : f32 to vector<16xf32>
      %neg3A_188 = arith.subf %neg3A_187, %add3A_185 : vector<16xf32>
      %exp3A_189 = math.exp %neg3A_188 : vector<16xf32>
      %add3A_190 = arith.constant 1.000000e+00 : f32
      %add3A_191 = vector.broadcast %add3A_190 : f32 to vector<16xf32>
      %add3A_192 = arith.addf %add3A_191, %exp3A_189 : vector<16xf32>
      %div3A_193 = arith.divf %add3A_185, %add3A_192 : vector<16xf32>
      %mul3A_194 = arith.mulf %broadcast_in_dim3A_68, %div3A_193 : vector<16xf32>
      %add3A_195 = arith.addf %add3A_179, %mul3A_194 : vector<16xf32>
      %get3A_196 = arith.constant 832 : index
      %get3A_197 = tpu.vector_load %arg6[%get3A_196] {strides = array<i32>} : memref<2112xf32, #tpu.memory_space<vmem>>, vector<16xf32>,
      %mul3A_198 = arith.mulf %broadcast_in_dim3A, %get3A_197 : vector<16xf32>
      %get3A_199 = arith.constant 1856 : index
      %get3A_200 = tpu.vector_load %arg6[%get3A_199] {strides = array<i32>} : memref<2112xf32, #tpu.memory_space<vmem>>, vector<16xf32>,
      %add3A_201 = arith.addf %mul3A_198, %get3A_200 : vector<16xf32>
      %neg3A_202 = arith.constant 0.000000e+00 : f32
      %neg3A_203 = vector.broadcast %neg3A_202 : f32 to vector<16xf32>
      %neg3A_204 = arith.subf %neg3A_203, %add3A_201 : vector<16xf32>
      %exp3A_205 = math.exp %neg3A_204 : vector<16xf32>
      %add3A_206 = arith.constant 1.000000e+00 : f32
      %add3A_207 = vector.broadcast %add3A_206 : f32 to vector<16xf32>
      %add3A_208 = arith.addf %add3A_207, %exp3A_205 : vector<16xf32>
      %div3A_209 = arith.divf %add3A_201, %add3A_208 : vector<16xf32>
      %mul3A_210 = arith.mulf %broadcast_in_dim3A_71, %div3A_209 : vector<16xf32>
      %add3A_211 = arith.addf %add3A_195, %mul3A_210 : vector<16xf32>
      %get3A_212 = arith.constant 960 : index
      %get3A_213 = tpu.vector_load %arg6[%get3A_212] {strides = array<i32>} : memref<2112xf32, #tpu.memory_space<vmem>>, vector<16xf32>,
      %mul3A_214 = arith.mulf %broadcast_in_dim3A, %get3A_213 : vector<16xf32>
      %get3A_215 = arith.constant 1984 : index
      %get3A_216 = tpu.vector_load %arg6[%get3A_215] {strides = array<i32>} : memref<2112xf32, #tpu.memory_space<vmem>>, vector<16xf32>,
      %add3A_217 = arith.addf %mul3A_214, %get3A_216 : vector<16xf32>
      %neg3A_218 = arith.constant 0.000000e+00 : f32
      %neg3A_219 = vector.broadcast %neg3A_218 : f32 to vector<16xf32>
      %neg3A_220 = arith.subf %neg3A_219, %add3A_217 : vector<16xf32>
      %exp3A_221 = math.exp %neg3A_220 : vector<16xf32>
      %add3A_222 = arith.constant 1.000000e+00 : f32
      %add3A_223 = vector.broadcast %add3A_222 : f32 to vector<16xf32>
      %add3A_224 = arith.addf %add3A_223, %exp3A_221 : vector<16xf32>
      %div3A_225 = arith.divf %add3A_217, %add3A_224 : vector<16xf32>
      %mul3A_226 = arith.mulf %broadcast_in_dim3A_74, %div3A_225 : vector<16xf32>
      %add3A_227 = arith.addf %add3A_211, %mul3A_226 : vector<16xf32>
      %swap3A = arith.index_cast %add3A_11 : i32 to index
      %swap3A_228 = arith.constant 0 : index
      %swap3A_229 = tpu.vector_load %arg9[%swap3A, %swap3A_228] {strides = array<i32>} : memref<256x128xf32, #tpu.memory_space<vmem>>, vector<16xf32>,
      tpu.vector_store %arg9[%swap3A, %swap3A_228], %add3A_227 {strides = array<i32>} : memref<256x128xf32, #tpu.memory_space<vmem>>, vector<16xf32>,
      %broadcast_in_dim3A_230 = arith.constant 0.000000e+00 : f32
      %broadcast_in_dim3A_231 = vector.broadcast %broadcast_in_dim3A_230 : f32 to vector<16xf32>
      %get3A_232 = arith.constant 80 : index
      %get3A_233 = tpu.vector_load %arg6[%get3A_232] {strides = array<i32>} : memref<2112xf32, #tpu.memory_space<vmem>>, vector<16xf32>,
      %mul3A_234 = arith.mulf %broadcast_in_dim3A, %get3A_233 : vector<16xf32>
      %get3A_235 = arith.constant 1104 : index
      %get3A_236 = tpu.vector_load %arg6[%get3A_235] {strides = array<i32>} : memref<2112xf32, #tpu.memory_space<vmem>>, vector<16xf32>,
      %add3A_237 = arith.addf %mul3A_234, %get3A_236 : vector<16xf32>
      %neg3A_238 = arith.constant 0.000000e+00 : f32
      %neg3A_239 = vector.broadcast %neg3A_238 : f32 to vector<16xf32>
      %neg3A_240 = arith.subf %neg3A_239, %add3A_237 : vector<16xf32>
      %exp3A_241 = math.exp %neg3A_240 : vector<16xf32>
      %add3A_242 = arith.constant 1.000000e+00 : f32
      %add3A_243 = vector.broadcast %add3A_242 : f32 to vector<16xf32>
      %add3A_244 = arith.addf %add3A_243, %exp3A_241 : vector<16xf32>
      %div3A_245 = arith.divf %add3A_237, %add3A_244 : vector<16xf32>
      %mul3A_246 = arith.mulf %broadcast_in_dim3A_53, %div3A_245 : vector<16xf32>
      %add3A_247 = arith.addf %broadcast_in_dim3A_231, %mul3A_246 : vector<16xf32>
      %get3A_248 = arith.constant 208 : index
      %get3A_249 = tpu.vector_load %arg6[%get3A_248] {strides = array<i32>} : memref<2112xf32, #tpu.memory_space<vmem>>, vector<16xf32>,
      %mul3A_250 = arith.mulf %broadcast_in_dim3A, %get3A_249 : vector<16xf32>
      %get3A_251 = arith.constant 1232 : index
      %get3A_252 = tpu.vector_load %arg6[%get3A_251] {strides = array<i32>} : memref<2112xf32, #tpu.memory_space<vmem>>, vector<16xf32>,
      %add3A_253 = arith.addf %mul3A_250, %get3A_252 : vector<16xf32>
      %neg3A_254 = arith.constant 0.000000e+00 : f32
      %neg3A_255 = vector.broadcast %neg3A_254 : f32 to vector<16xf32>
      %neg3A_256 = arith.subf %neg3A_255, %add3A_253 : vector<16xf32>
      %exp3A_257 = math.exp %neg3A_256 : vector<16xf32>
      %add3A_258 = arith.constant 1.000000e+00 : f32
      %add3A_259 = vector.broadcast %add3A_258 : f32 to vector<16xf32>
      %add3A_260 = arith.addf %add3A_259, %exp3A_257 : vector<16xf32>
      %div3A_261 = arith.divf %add3A_253, %add3A_260 : vector<16xf32>
      %mul3A_262 = arith.mulf %broadcast_in_dim3A_56, %div3A_261 : vector<16xf32>
      %add3A_263 = arith.addf %add3A_247, %mul3A_262 : vector<16xf32>
      %get3A_264 = arith.constant 336 : index
      %get3A_265 = tpu.vector_load %arg6[%get3A_264] {strides = array<i32>} : memref<2112xf32, #tpu.memory_space<vmem>>, vector<16xf32>,
      %mul3A_266 = arith.mulf %broadcast_in_dim3A, %get3A_265 : vector<16xf32>
      %get3A_267 = arith.constant 1360 : index
      %get3A_268 = tpu.vector_load %arg6[%get3A_267] {strides = array<i32>} : memref<2112xf32, #tpu.memory_space<vmem>>, vector<16xf32>,
      %add3A_269 = arith.addf %mul3A_266, %get3A_268 : vector<16xf32>
      %neg3A_270 = arith.constant 0.000000e+00 : f32
      %neg3A_271 = vector.broadcast %neg3A_270 : f32 to vector<16xf32>
      %neg3A_272 = arith.subf %neg3A_271, %add3A_269 : vector<16xf32>
      %exp3A_273 = math.exp %neg3A_272 : vector<16xf32>
      %add3A_274 = arith.constant 1.000000e+00 : f32
      %add3A_275 = vector.broadcast %add3A_274 : f32 to vector<16xf32>
      %add3A_276 = arith.addf %add3A_275, %exp3A_273 : vector<16xf32>
      %div3A_277 = arith.divf %add3A_269, %add3A_276 : vector<16xf32>
      %mul3A_278 = arith.mulf %broadcast_in_dim3A_59, %div3A_277 : vector<16xf32>
      %add3A_279 = arith.addf %add3A_263, %mul3A_278 : vector<16xf32>
      %get3A_280 = arith.constant 464 : index
      %get3A_281 = tpu.vector_load %arg6[%get3A_280] {strides = array<i32>} : memref<2112xf32, #tpu.memory_space<vmem>>, vector<16xf32>,
      %mul3A_282 = arith.mulf %broadcast_in_dim3A, %get3A_281 : vector<16xf32>
      %get3A_283 = arith.constant 1488 : index
      %get3A_284 = tpu.vector_load %arg6[%get3A_283] {strides = array<i32>} : memref<2112xf32, #tpu.memory_space<vmem>>, vector<16xf32>,
      %add3A_285 = arith.addf %mul3A_282, %get3A_284 : vector<16xf32>
      %neg3A_286 = arith.constant 0.000000e+00 : f32
      %neg3A_287 = vector.broadcast %neg3A_286 : f32 to vector<16xf32>
      %neg3A_288 = arith.subf %neg3A_287, %add3A_285 : vector<16xf32>
      %exp3A_289 = math.exp %neg3A_288 : vector<16xf32>
      %add3A_290 = arith.constant 1.000000e+00 : f32
      %add3A_291 = vector.broadcast %add3A_290 : f32 to vector<16xf32>
      %add3A_292 = arith.addf %add3A_291, %exp3A_289 : vector<16xf32>
      %div3A_293 = arith.divf %add3A_285, %add3A_292 : vector<16xf32>
      %mul3A_294 = arith.mulf %broadcast_in_dim3A_62, %div3A_293 : vector<16xf32>
      %add3A_295 = arith.addf %add3A_279, %mul3A_294 : vector<16xf32>
      %get3A_296 = arith.constant 592 : index
      %get3A_297 = tpu.vector_load %arg6[%get3A_296] {strides = array<i32>} : memref<2112xf32, #tpu.memory_space<vmem>>, vector<16xf32>,
      %mul3A_298 = arith.mulf %broadcast_in_dim3A, %get3A_297 : vector<16xf32>
      %get3A_299 = arith.constant 1616 : index
      %get3A_300 = tpu.vector_load %arg6[%get3A_299] {strides = array<i32>} : memref<2112xf32, #tpu.memory_space<vmem>>, vector<16xf32>,
      %add3A_301 = arith.addf %mul3A_298, %get3A_300 : vector<16xf32>
      %neg3A_302 = arith.constant 0.000000e+00 : f32
      %neg3A_303 = vector.broadcast %neg3A_302 : f32 to vector<16xf32>
      %neg3A_304 = arith.subf %neg3A_303, %add3A_301 : vector<16xf32>
      %exp3A_305 = math.exp %neg3A_304 : vector<16xf32>
      %add3A_306 = arith.constant 1.000000e+00 : f32
      %add3A_307 = vector.broadcast %add3A_306 : f32 to vector<16xf32>
      %add3A_308 = arith.addf %add3A_307, %exp3A_305 : vector<16xf32>
      %div3A_309 = arith.divf %add3A_301, %add3A_308 : vector<16xf32>
      %mul3A_310 = arith.mulf %broadcast_in_dim3A_65, %div3A_309 : vector<16xf32>
      %add3A_311 = arith.addf %add3A_295, %mul3A_310 : vector<16xf32>
      %get3A_312 = arith.constant 720 : index
      %get3A_313 = tpu.vector_load %arg6[%get3A_312] {strides = array<i32>} : memref<2112xf32, #tpu.memory_space<vmem>>, vector<16xf32>,
      %mul3A_314 = arith.mulf %broadcast_in_dim3A, %get3A_313 : vector<16xf32>
      %get3A_315 = arith.constant 1744 : index
      %get3A_316 = tpu.vector_load %arg6[%get3A_315] {strides = array<i32>} : memref<2112xf32, #tpu.memory_space<vmem>>, vector<16xf32>,
      %add3A_317 = arith.addf %mul3A_314, %get3A_316 : vector<16xf32>
      %neg3A_318 = arith.constant 0.000000e+00 : f32
      %neg3A_319 = vector.broadcast %neg3A_318 : f32 to vector<16xf32>
      %neg3A_320 = arith.subf %neg3A_319, %add3A_317 : vector<16xf32>
      %exp3A_321 = math.exp %neg3A_320 : vector<16xf32>
      %add3A_322 = arith.constant 1.000000e+00 : f32
      %add3A_323 = vector.broadcast %add3A_322 : f32 to vector<16xf32>
      %add3A_324 = arith.addf %add3A_323, %exp3A_321 : vector<16xf32>
      %div3A_325 = arith.divf %add3A_317, %add3A_324 : vector<16xf32>
      %mul3A_326 = arith.mulf %broadcast_in_dim3A_68, %div3A_325 : vector<16xf32>
      %add3A_327 = arith.addf %add3A_311, %mul3A_326 : vector<16xf32>
      %get3A_328 = arith.constant 848 : index
      %get3A_329 = tpu.vector_load %arg6[%get3A_328] {strides = array<i32>} : memref<2112xf32, #tpu.memory_space<vmem>>, vector<16xf32>,
      %mul3A_330 = arith.mulf %broadcast_in_dim3A, %get3A_329 : vector<16xf32>
      %get3A_331 = arith.constant 1872 : index
      %get3A_332 = tpu.vector_load %arg6[%get3A_331] {strides = array<i32>} : memref<2112xf32, #tpu.memory_space<vmem>>, vector<16xf32>,
      %add3A_333 = arith.addf %mul3A_330, %get3A_332 : vector<16xf32>
      %neg3A_334 = arith.constant 0.000000e+00 : f32
      %neg3A_335 = vector.broadcast %neg3A_334 : f32 to vector<16xf32>
      %neg3A_336 = arith.subf %neg3A_335, %add3A_333 : vector<16xf32>
      %exp3A_337 = math.exp %neg3A_336 : vector<16xf32>
      %add3A_338 = arith.constant 1.000000e+00 : f32
      %add3A_339 = vector.broadcast %add3A_338 : f32 to vector<16xf32>
      %add3A_340 = arith.addf %add3A_339, %exp3A_337 : vector<16xf32>
      %div3A_341 = arith.divf %add3A_333, %add3A_340 : vector<16xf32>
      %mul3A_342 = arith.mulf %broadcast_in_dim3A_71, %div3A_341 : vector<16xf32>
      %add3A_343 = arith.addf %add3A_327, %mul3A_342 : vector<16xf32>
      %get3A_344 = arith.constant 976 : index
      %get3A_345 = tpu.vector_load %arg6[%get3A_344] {strides = array<i32>} : memref<2112xf32, #tpu.memory_space<vmem>>, vector<16xf32>,
      %mul3A_346 = arith.mulf %broadcast_in_dim3A, %get3A_345 : vector<16xf32>
      %get3A_347 = arith.constant 2000 : index
      %get3A_348 = tpu.vector_load %arg6[%get3A_347] {strides = array<i32>} : memref<2112xf32, #tpu.memory_space<vmem>>, vector<16xf32>,
      %add3A_349 = arith.addf %mul3A_346, %get3A_348 : vector<16xf32>
      %neg3A_350 = arith.constant 0.000000e+00 : f32
      %neg3A_351 = vector.broadcast %neg3A_350 : f32 to vector<16xf32>
      %neg3A_352 = arith.subf %neg3A_351, %add3A_349 : vector<16xf32>
      %exp3A_353 = math.exp %neg3A_352 : vector<16xf32>
      %add3A_354 = arith.constant 1.000000e+00 : f32
      %add3A_355 = vector.broadcast %add3A_354 : f32 to vector<16xf32>
      %add3A_356 = arith.addf %add3A_355, %exp3A_353 : vector<16xf32>
      %div3A_357 = arith.divf %add3A_349, %add3A_356 : vector<16xf32>
      %mul3A_358 = arith.mulf %broadcast_in_dim3A_74, %div3A_357 : vector<16xf32>
      %add3A_359 = arith.addf %add3A_343, %mul3A_358 : vector<16xf32>
      %swap3A_360 = arith.index_cast %add3A_11 : i32 to index
      %swap3A_361 = arith.constant 16 : index
      %swap3A_362 = tpu.vector_load %arg9[%swap3A_360, %swap3A_361] {strides = array<i32>} : memref<256x128xf32, #tpu.memory_space<vmem>>, vector<16xf32>,
      tpu.vector_store %arg9[%swap3A_360, %swap3A_361], %add3A_359 {strides = array<i32>} : memref<256x128xf32, #tpu.memory_space<vmem>>, vector<16xf32>,
      %broadcast_in_dim3A_363 = arith.constant 0.000000e+00 : f32
      %broadcast_in_dim3A_364 = vector.broadcast %broadcast_in_dim3A_363 : f32 to vector<16xf32>
      %get3A_365 = arith.constant 96 : index
      %get3A_366 = tpu.vector_load %arg6[%get3A_365] {strides = array<i32>} : memref<2112xf32, #tpu.memory_space<vmem>>, vector<16xf32>,
      %mul3A_367 = arith.mulf %broadcast_in_dim3A, %get3A_366 : vector<16xf32>
      %get3A_368 = arith.constant 1120 : index
      %get3A_369 = tpu.vector_load %arg6[%get3A_368] {strides = array<i32>} : memref<2112xf32, #tpu.memory_space<vmem>>, vector<16xf32>,
      %add3A_370 = arith.addf %mul3A_367, %get3A_369 : vector<16xf32>
      %neg3A_371 = arith.constant 0.000000e+00 : f32
      %neg3A_372 = vector.broadcast %neg3A_371 : f32 to vector<16xf32>
      %neg3A_373 = arith.subf %neg3A_372, %add3A_370 : vector<16xf32>
      %exp3A_374 = math.exp %neg3A_373 : vector<16xf32>
      %add3A_375 = arith.constant 1.000000e+00 : f32
      %add3A_376 = vector.broadcast %add3A_375 : f32 to vector<16xf32>
      %add3A_377 = arith.addf %add3A_376, %exp3A_374 : vector<16xf32>
      %div3A_378 = arith.divf %add3A_370, %add3A_377 : vector<16xf32>
      %mul3A_379 = arith.mulf %broadcast_in_dim3A_53, %div3A_378 : vector<16xf32>
      %add3A_380 = arith.addf %broadcast_in_dim3A_364, %mul3A_379 : vector<16xf32>
      %get3A_381 = arith.constant 224 : index
      %get3A_382 = tpu.vector_load %arg6[%get3A_381] {strides = array<i32>} : memref<2112xf32, #tpu.memory_space<vmem>>, vector<16xf32>,
      %mul3A_383 = arith.mulf %broadcast_in_dim3A, %get3A_382 : vector<16xf32>
      %get3A_384 = arith.constant 1248 : index
      %get3A_385 = tpu.vector_load %arg6[%get3A_384] {strides = array<i32>} : memref<2112xf32, #tpu.memory_space<vmem>>, vector<16xf32>,
      %add3A_386 = arith.addf %mul3A_383, %get3A_385 : vector<16xf32>
      %neg3A_387 = arith.constant 0.000000e+00 : f32
      %neg3A_388 = vector.broadcast %neg3A_387 : f32 to vector<16xf32>
      %neg3A_389 = arith.subf %neg3A_388, %add3A_386 : vector<16xf32>
      %exp3A_390 = math.exp %neg3A_389 : vector<16xf32>
      %add3A_391 = arith.constant 1.000000e+00 : f32
      %add3A_392 = vector.broadcast %add3A_391 : f32 to vector<16xf32>
      %add3A_393 = arith.addf %add3A_392, %exp3A_390 : vector<16xf32>
      %div3A_394 = arith.divf %add3A_386, %add3A_393 : vector<16xf32>
      %mul3A_395 = arith.mulf %broadcast_in_dim3A_56, %div3A_394 : vector<16xf32>
      %add3A_396 = arith.addf %add3A_380, %mul3A_395 : vector<16xf32>
      %get3A_397 = arith.constant 352 : index
      %get3A_398 = tpu.vector_load %arg6[%get3A_397] {strides = array<i32>} : memref<2112xf32, #tpu.memory_space<vmem>>, vector<16xf32>,
      %mul3A_399 = arith.mulf %broadcast_in_dim3A, %get3A_398 : vector<16xf32>
      %get3A_400 = arith.constant 1376 : index
      %get3A_401 = tpu.vector_load %arg6[%get3A_400] {strides = array<i32>} : memref<2112xf32, #tpu.memory_space<vmem>>, vector<16xf32>,
      %add3A_402 = arith.addf %mul3A_399, %get3A_401 : vector<16xf32>
      %neg3A_403 = arith.constant 0.000000e+00 : f32
      %neg3A_404 = vector.broadcast %neg3A_403 : f32 to vector<16xf32>
      %neg3A_405 = arith.subf %neg3A_404, %add3A_402 : vector<16xf32>
      %exp3A_406 = math.exp %neg3A_405 : vector<16xf32>
      %add3A_407 = arith.constant 1.000000e+00 : f32
      %add3A_408 = vector.broadcast %add3A_407 : f32 to vector<16xf32>
      %add3A_409 = arith.addf %add3A_408, %exp3A_406 : vector<16xf32>
      %div3A_410 = arith.divf %add3A_402, %add3A_409 : vector<16xf32>
      %mul3A_411 = arith.mulf %broadcast_in_dim3A_59, %div3A_410 : vector<16xf32>
      %add3A_412 = arith.addf %add3A_396, %mul3A_411 : vector<16xf32>
      %get3A_413 = arith.constant 480 : index
      %get3A_414 = tpu.vector_load %arg6[%get3A_413] {strides = array<i32>} : memref<2112xf32, #tpu.memory_space<vmem>>, vector<16xf32>,
      %mul3A_415 = arith.mulf %broadcast_in_dim3A, %get3A_414 : vector<16xf32>
      %get3A_416 = arith.constant 1504 : index
      %get3A_417 = tpu.vector_load %arg6[%get3A_416] {strides = array<i32>} : memref<2112xf32, #tpu.memory_space<vmem>>, vector<16xf32>,
      %add3A_418 = arith.addf %mul3A_415, %get3A_417 : vector<16xf32>
      %neg3A_419 = arith.constant 0.000000e+00 : f32
      %neg3A_420 = vector.broadcast %neg3A_419 : f32 to vector<16xf32>
      %neg3A_421 = arith.subf %neg3A_420, %add3A_418 : vector<16xf32>
      %exp3A_422 = math.exp %neg3A_421 : vector<16xf32>
      %add3A_423 = arith.constant 1.000000e+00 : f32
      %add3A_424 = vector.broadcast %add3A_423 : f32 to vector<16xf32>
      %add3A_425 = arith.addf %add3A_424, %exp3A_422 : vector<16xf32>
      %div3A_426 = arith.divf %add3A_418, %add3A_425 : vector<16xf32>
      %mul3A_427 = arith.mulf %broadcast_in_dim3A_62, %div3A_426 : vector<16xf32>
      %add3A_428 = arith.addf %add3A_412, %mul3A_427 : vector<16xf32>
      %get3A_429 = arith.constant 608 : index
      %get3A_430 = tpu.vector_load %arg6[%get3A_429] {strides = array<i32>} : memref<2112xf32, #tpu.memory_space<vmem>>, vector<16xf32>,
      %mul3A_431 = arith.mulf %broadcast_in_dim3A, %get3A_430 : vector<16xf32>
      %get3A_432 = arith.constant 1632 : index
      %get3A_433 = tpu.vector_load %arg6[%get3A_432] {strides = array<i32>} : memref<2112xf32, #tpu.memory_space<vmem>>, vector<16xf32>,
      %add3A_434 = arith.addf %mul3A_431, %get3A_433 : vector<16xf32>
      %neg3A_435 = arith.constant 0.000000e+00 : f32
      %neg3A_436 = vector.broadcast %neg3A_435 : f32 to vector<16xf32>
      %neg3A_437 = arith.subf %neg3A_436, %add3A_434 : vector<16xf32>
      %exp3A_438 = math.exp %neg3A_437 : vector<16xf32>
      %add3A_439 = arith.constant 1.000000e+00 : f32
      %add3A_440 = vector.broadcast %add3A_439 : f32 to vector<16xf32>
      %add3A_441 = arith.addf %add3A_440, %exp3A_438 : vector<16xf32>
      %div3A_442 = arith.divf %add3A_434, %add3A_441 : vector<16xf32>
      %mul3A_443 = arith.mulf %broadcast_in_dim3A_65, %div3A_442 : vector<16xf32>
      %add3A_444 = arith.addf %add3A_428, %mul3A_443 : vector<16xf32>
      %get3A_445 = arith.constant 736 : index
      %get3A_446 = tpu.vector_load %arg6[%get3A_445] {strides = array<i32>} : memref<2112xf32, #tpu.memory_space<vmem>>, vector<16xf32>,
      %mul3A_447 = arith.mulf %broadcast_in_dim3A, %get3A_446 : vector<16xf32>
      %get3A_448 = arith.constant 1760 : index
      %get3A_449 = tpu.vector_load %arg6[%get3A_448] {strides = array<i32>} : memref<2112xf32, #tpu.memory_space<vmem>>, vector<16xf32>,
      %add3A_450 = arith.addf %mul3A_447, %get3A_449 : vector<16xf32>
      %neg3A_451 = arith.constant 0.000000e+00 : f32
      %neg3A_452 = vector.broadcast %neg3A_451 : f32 to vector<16xf32>
      %neg3A_453 = arith.subf %neg3A_452, %add3A_450 : vector<16xf32>
      %exp3A_454 = math.exp %neg3A_453 : vector<16xf32>
      %add3A_455 = arith.constant 1.000000e+00 : f32
      %add3A_456 = vector.broadcast %add3A_455 : f32 to vector<16xf32>
      %add3A_457 = arith.addf %add3A_456, %exp3A_454 : vector<16xf32>
      %div3A_458 = arith.divf %add3A_450, %add3A_457 : vector<16xf32>
      %mul3A_459 = arith.mulf %broadcast_in_dim3A_68, %div3A_458 : vector<16xf32>
      %add3A_460 = arith.addf %add3A_444, %mul3A_459 : vector<16xf32>
      %get3A_461 = arith.constant 864 : index
      %get3A_462 = tpu.vector_load %arg6[%get3A_461] {strides = array<i32>} : memref<2112xf32, #tpu.memory_space<vmem>>, vector<16xf32>,
      %mul3A_463 = arith.mulf %broadcast_in_dim3A, %get3A_462 : vector<16xf32>
      %get3A_464 = arith.constant 1888 : index
      %get3A_465 = tpu.vector_load %arg6[%get3A_464] {strides = array<i32>} : memref<2112xf32, #tpu.memory_space<vmem>>, vector<16xf32>,
      %add3A_466 = arith.addf %mul3A_463, %get3A_465 : vector<16xf32>
      %neg3A_467 = arith.constant 0.000000e+00 : f32
      %neg3A_468 = vector.broadcast %neg3A_467 : f32 to vector<16xf32>
      %neg3A_469 = arith.subf %neg3A_468, %add3A_466 : vector<16xf32>
      %exp3A_470 = math.exp %neg3A_469 : vector<16xf32>
      %add3A_471 = arith.constant 1.000000e+00 : f32
      %add3A_472 = vector.broadcast %add3A_471 : f32 to vector<16xf32>
      %add3A_473 = arith.addf %add3A_472, %exp3A_470 : vector<16xf32>
      %div3A_474 = arith.divf %add3A_466, %add3A_473 : vector<16xf32>
      %mul3A_475 = arith.mulf %broadcast_in_dim3A_71, %div3A_474 : vector<16xf32>
      %add3A_476 = arith.addf %add3A_460, %mul3A_475 : vector<16xf32>
      %get3A_477 = arith.constant 992 : index
      %get3A_478 = tpu.vector_load %arg6[%get3A_477] {strides = array<i32>} : memref<2112xf32, #tpu.memory_space<vmem>>, vector<16xf32>,
      %mul3A_479 = arith.mulf %broadcast_in_dim3A, %get3A_478 : vector<16xf32>
      %get3A_480 = arith.constant 2016 : index
      %get3A_481 = tpu.vector_load %arg6[%get3A_480] {strides = array<i32>} : memref<2112xf32, #tpu.memory_space<vmem>>, vector<16xf32>,
      %add3A_482 = arith.addf %mul3A_479, %get3A_481 : vector<16xf32>
      %neg3A_483 = arith.constant 0.000000e+00 : f32
      %neg3A_484 = vector.broadcast %neg3A_483 : f32 to vector<16xf32>
      %neg3A_485 = arith.subf %neg3A_484, %add3A_482 : vector<16xf32>
      %exp3A_486 = math.exp %neg3A_485 : vector<16xf32>
      %add3A_487 = arith.constant 1.000000e+00 : f32
      %add3A_488 = vector.broadcast %add3A_487 : f32 to vector<16xf32>
      %add3A_489 = arith.addf %add3A_488, %exp3A_486 : vector<16xf32>
      %div3A_490 = arith.divf %add3A_482, %add3A_489 : vector<16xf32>
      %mul3A_491 = arith.mulf %broadcast_in_dim3A_74, %div3A_490 : vector<16xf32>
      %add3A_492 = arith.addf %add3A_476, %mul3A_491 : vector<16xf32>
      %swap3A_493 = arith.index_cast %add3A_11 : i32 to index
      %swap3A_494 = arith.constant 32 : index
      %swap3A_495 = tpu.vector_load %arg9[%swap3A_493, %swap3A_494] {strides = array<i32>} : memref<256x128xf32, #tpu.memory_space<vmem>>, vector<16xf32>,
      tpu.vector_store %arg9[%swap3A_493, %swap3A_494], %add3A_492 {strides = array<i32>} : memref<256x128xf32, #tpu.memory_space<vmem>>, vector<16xf32>,
      %broadcast_in_dim3A_496 = arith.constant 0.000000e+00 : f32
      %broadcast_in_dim3A_497 = vector.broadcast %broadcast_in_dim3A_496 : f32 to vector<16xf32>
      %get3A_498 = arith.constant 112 : index
      %get3A_499 = tpu.vector_load %arg6[%get3A_498] {strides = array<i32>} : memref<2112xf32, #tpu.memory_space<vmem>>, vector<16xf32>,
      %mul3A_500 = arith.mulf %broadcast_in_dim3A, %get3A_499 : vector<16xf32>
      %get3A_501 = arith.constant 1136 : index
      %get3A_502 = tpu.vector_load %arg6[%get3A_501] {strides = array<i32>} : memref<2112xf32, #tpu.memory_space<vmem>>, vector<16xf32>,
      %add3A_503 = arith.addf %mul3A_500, %get3A_502 : vector<16xf32>
      %neg3A_504 = arith.constant 0.000000e+00 : f32
      %neg3A_505 = vector.broadcast %neg3A_504 : f32 to vector<16xf32>
      %neg3A_506 = arith.subf %neg3A_505, %add3A_503 : vector<16xf32>
      %exp3A_507 = math.exp %neg3A_506 : vector<16xf32>
      %add3A_508 = arith.constant 1.000000e+00 : f32
      %add3A_509 = vector.broadcast %add3A_508 : f32 to vector<16xf32>
      %add3A_510 = arith.addf %add3A_509, %exp3A_507 : vector<16xf32>
      %div3A_511 = arith.divf %add3A_503, %add3A_510 : vector<16xf32>
      %mul3A_512 = arith.mulf %broadcast_in_dim3A_53, %div3A_511 : vector<16xf32>
      %add3A_513 = arith.addf %broadcast_in_dim3A_497, %mul3A_512 : vector<16xf32>
      %get3A_514 = arith.constant 240 : index
      %get3A_515 = tpu.vector_load %arg6[%get3A_514] {strides = array<i32>} : memref<2112xf32, #tpu.memory_space<vmem>>, vector<16xf32>,
      %mul3A_516 = arith.mulf %broadcast_in_dim3A, %get3A_515 : vector<16xf32>
      %get3A_517 = arith.constant 1264 : index
      %get3A_518 = tpu.vector_load %arg6[%get3A_517] {strides = array<i32>} : memref<2112xf32, #tpu.memory_space<vmem>>, vector<16xf32>,
      %add3A_519 = arith.addf %mul3A_516, %get3A_518 : vector<16xf32>
      %neg3A_520 = arith.constant 0.000000e+00 : f32
      %neg3A_521 = vector.broadcast %neg3A_520 : f32 to vector<16xf32>
      %neg3A_522 = arith.subf %neg3A_521, %add3A_519 : vector<16xf32>
      %exp3A_523 = math.exp %neg3A_522 : vector<16xf32>
      %add3A_524 = arith.constant 1.000000e+00 : f32
      %add3A_525 = vector.broadcast %add3A_524 : f32 to vector<16xf32>
      %add3A_526 = arith.addf %add3A_525, %exp3A_523 : vector<16xf32>
      %div3A_527 = arith.divf %add3A_519, %add3A_526 : vector<16xf32>
      %mul3A_528 = arith.mulf %broadcast_in_dim3A_56, %div3A_527 : vector<16xf32>
      %add3A_529 = arith.addf %add3A_513, %mul3A_528 : vector<16xf32>
      %get3A_530 = arith.constant 368 : index
      %get3A_531 = tpu.vector_load %arg6[%get3A_530] {strides = array<i32>} : memref<2112xf32, #tpu.memory_space<vmem>>, vector<16xf32>,
      %mul3A_532 = arith.mulf %broadcast_in_dim3A, %get3A_531 : vector<16xf32>
      %get3A_533 = arith.constant 1392 : index
      %get3A_534 = tpu.vector_load %arg6[%get3A_533] {strides = array<i32>} : memref<2112xf32, #tpu.memory_space<vmem>>, vector<16xf32>,
      %add3A_535 = arith.addf %mul3A_532, %get3A_534 : vector<16xf32>
      %neg3A_536 = arith.constant 0.000000e+00 : f32
      %neg3A_537 = vector.broadcast %neg3A_536 : f32 to vector<16xf32>
      %neg3A_538 = arith.subf %neg3A_537, %add3A_535 : vector<16xf32>
      %exp3A_539 = math.exp %neg3A_538 : vector<16xf32>
      %add3A_540 = arith.constant 1.000000e+00 : f32
      %add3A_541 = vector.broadcast %add3A_540 : f32 to vector<16xf32>
      %add3A_542 = arith.addf %add3A_541, %exp3A_539 : vector<16xf32>
      %div3A_543 = arith.divf %add3A_535, %add3A_542 : vector<16xf32>
      %mul3A_544 = arith.mulf %broadcast_in_dim3A_59, %div3A_543 : vector<16xf32>
      %add3A_545 = arith.addf %add3A_529, %mul3A_544 : vector<16xf32>
      %get3A_546 = arith.constant 496 : index
      %get3A_547 = tpu.vector_load %arg6[%get3A_546] {strides = array<i32>} : memref<2112xf32, #tpu.memory_space<vmem>>, vector<16xf32>,
      %mul3A_548 = arith.mulf %broadcast_in_dim3A, %get3A_547 : vector<16xf32>
      %get3A_549 = arith.constant 1520 : index
      %get3A_550 = tpu.vector_load %arg6[%get3A_549] {strides = array<i32>} : memref<2112xf32, #tpu.memory_space<vmem>>, vector<16xf32>,
      %add3A_551 = arith.addf %mul3A_548, %get3A_550 : vector<16xf32>
      %neg3A_552 = arith.constant 0.000000e+00 : f32
      %neg3A_553 = vector.broadcast %neg3A_552 : f32 to vector<16xf32>
      %neg3A_554 = arith.subf %neg3A_553, %add3A_551 : vector<16xf32>
      %exp3A_555 = math.exp %neg3A_554 : vector<16xf32>
      %add3A_556 = arith.constant 1.000000e+00 : f32
      %add3A_557 = vector.broadcast %add3A_556 : f32 to vector<16xf32>
      %add3A_558 = arith.addf %add3A_557, %exp3A_555 : vector<16xf32>
      %div3A_559 = arith.divf %add3A_551, %add3A_558 : vector<16xf32>
      %mul3A_560 = arith.mulf %broadcast_in_dim3A_62, %div3A_559 : vector<16xf32>
      %add3A_561 = arith.addf %add3A_545, %mul3A_560 : vector<16xf32>
      %get3A_562 = arith.constant 624 : index
      %get3A_563 = tpu.vector_load %arg6[%get3A_562] {strides = array<i32>} : memref<2112xf32, #tpu.memory_space<vmem>>, vector<16xf32>,
      %mul3A_564 = arith.mulf %broadcast_in_dim3A, %get3A_563 : vector<16xf32>
      %get3A_565 = arith.constant 1648 : index
      %get3A_566 = tpu.vector_load %arg6[%get3A_565] {strides = array<i32>} : memref<2112xf32, #tpu.memory_space<vmem>>, vector<16xf32>,
      %add3A_567 = arith.addf %mul3A_564, %get3A_566 : vector<16xf32>
      %neg3A_568 = arith.constant 0.000000e+00 : f32
      %neg3A_569 = vector.broadcast %neg3A_568 : f32 to vector<16xf32>
      %neg3A_570 = arith.subf %neg3A_569, %add3A_567 : vector<16xf32>
      %exp3A_571 = math.exp %neg3A_570 : vector<16xf32>
      %add3A_572 = arith.constant 1.000000e+00 : f32
      %add3A_573 = vector.broadcast %add3A_572 : f32 to vector<16xf32>
      %add3A_574 = arith.addf %add3A_573, %exp3A_571 : vector<16xf32>
      %div3A_575 = arith.divf %add3A_567, %add3A_574 : vector<16xf32>
      %mul3A_576 = arith.mulf %broadcast_in_dim3A_65, %div3A_575 : vector<16xf32>
      %add3A_577 = arith.addf %add3A_561, %mul3A_576 : vector<16xf32>
      %get3A_578 = arith.constant 752 : index
      %get3A_579 = tpu.vector_load %arg6[%get3A_578] {strides = array<i32>} : memref<2112xf32, #tpu.memory_space<vmem>>, vector<16xf32>,
      %mul3A_580 = arith.mulf %broadcast_in_dim3A, %get3A_579 : vector<16xf32>
      %get3A_581 = arith.constant 1776 : index
      %get3A_582 = tpu.vector_load %arg6[%get3A_581] {strides = array<i32>} : memref<2112xf32, #tpu.memory_space<vmem>>, vector<16xf32>,
      %add3A_583 = arith.addf %mul3A_580, %get3A_582 : vector<16xf32>
      %neg3A_584 = arith.constant 0.000000e+00 : f32
      %neg3A_585 = vector.broadcast %neg3A_584 : f32 to vector<16xf32>
      %neg3A_586 = arith.subf %neg3A_585, %add3A_583 : vector<16xf32>
      %exp3A_587 = math.exp %neg3A_586 : vector<16xf32>
      %add3A_588 = arith.constant 1.000000e+00 : f32
      %add3A_589 = vector.broadcast %add3A_588 : f32 to vector<16xf32>
      %add3A_590 = arith.addf %add3A_589, %exp3A_587 : vector<16xf32>
      %div3A_591 = arith.divf %add3A_583, %add3A_590 : vector<16xf32>
      %mul3A_592 = arith.mulf %broadcast_in_dim3A_68, %div3A_591 : vector<16xf32>
      %add3A_593 = arith.addf %add3A_577, %mul3A_592 : vector<16xf32>
      %get3A_594 = arith.constant 880 : index
      %get3A_595 = tpu.vector_load %arg6[%get3A_594] {strides = array<i32>} : memref<2112xf32, #tpu.memory_space<vmem>>, vector<16xf32>,
      %mul3A_596 = arith.mulf %broadcast_in_dim3A, %get3A_595 : vector<16xf32>
      %get3A_597 = arith.constant 1904 : index
      %get3A_598 = tpu.vector_load %arg6[%get3A_597] {strides = array<i32>} : memref<2112xf32, #tpu.memory_space<vmem>>, vector<16xf32>,
      %add3A_599 = arith.addf %mul3A_596, %get3A_598 : vector<16xf32>
      %neg3A_600 = arith.constant 0.000000e+00 : f32
      %neg3A_601 = vector.broadcast %neg3A_600 : f32 to vector<16xf32>
      %neg3A_602 = arith.subf %neg3A_601, %add3A_599 : vector<16xf32>
      %exp3A_603 = math.exp %neg3A_602 : vector<16xf32>
      %add3A_604 = arith.constant 1.000000e+00 : f32
      %add3A_605 = vector.broadcast %add3A_604 : f32 to vector<16xf32>
      %add3A_606 = arith.addf %add3A_605, %exp3A_603 : vector<16xf32>
      %div3A_607 = arith.divf %add3A_599, %add3A_606 : vector<16xf32>
      %mul3A_608 = arith.mulf %broadcast_in_dim3A_71, %div3A_607 : vector<16xf32>
      %add3A_609 = arith.addf %add3A_593, %mul3A_608 : vector<16xf32>
      %get3A_610 = arith.constant 1008 : index
      %get3A_611 = tpu.vector_load %arg6[%get3A_610] {strides = array<i32>} : memref<2112xf32, #tpu.memory_space<vmem>>, vector<16xf32>,
      %mul3A_612 = arith.mulf %broadcast_in_dim3A, %get3A_611 : vector<16xf32>
      %get3A_613 = arith.constant 2032 : index
      %get3A_614 = tpu.vector_load %arg6[%get3A_613] {strides = array<i32>} : memref<2112xf32, #tpu.memory_space<vmem>>, vector<16xf32>,
      %add3A_615 = arith.addf %mul3A_612, %get3A_614 : vector<16xf32>
      %neg3A_616 = arith.constant 0.000000e+00 : f32
      %neg3A_617 = vector.broadcast %neg3A_616 : f32 to vector<16xf32>
      %neg3A_618 = arith.subf %neg3A_617, %add3A_615 : vector<16xf32>
      %exp3A_619 = math.exp %neg3A_618 : vector<16xf32>
      %add3A_620 = arith.constant 1.000000e+00 : f32
      %add3A_621 = vector.broadcast %add3A_620 : f32 to vector<16xf32>
      %add3A_622 = arith.addf %add3A_621, %exp3A_619 : vector<16xf32>
      %div3A_623 = arith.divf %add3A_615, %add3A_622 : vector<16xf32>
      %mul3A_624 = arith.mulf %broadcast_in_dim3A_74, %div3A_623 : vector<16xf32>
      %add3A_625 = arith.addf %add3A_609, %mul3A_624 : vector<16xf32>
      %swap3A_626 = arith.index_cast %add3A_11 : i32 to index
      %swap3A_627 = arith.constant 48 : index
      %swap3A_628 = tpu.vector_load %arg9[%swap3A_626, %swap3A_627] {strides = array<i32>} : memref<256x128xf32, #tpu.memory_space<vmem>>, vector<16xf32>,
      tpu.vector_store %arg9[%swap3A_626, %swap3A_627], %add3A_625 {strides = array<i32>} : memref<256x128xf32, #tpu.memory_space<vmem>>, vector<16xf32>,
      %broadcast_in_dim3A_629 = arith.constant 0.000000e+00 : f32
      %broadcast_in_dim3A_630 = vector.broadcast %broadcast_in_dim3A_629 : f32 to vector<16xf32>
      %get3A_631 = arith.constant 128 : index
      %get3A_632 = tpu.vector_load %arg6[%get3A_631] {strides = array<i32>} : memref<2112xf32, #tpu.memory_space<vmem>>, vector<16xf32>,
      %mul3A_633 = arith.mulf %broadcast_in_dim3A_17, %get3A_632 : vector<16xf32>
      %get3A_634 = arith.constant 1152 : index
      %get3A_635 = tpu.vector_load %arg6[%get3A_634] {strides = array<i32>} : memref<2112xf32, #tpu.memory_space<vmem>>, vector<16xf32>,
      %add3A_636 = arith.addf %mul3A_633, %get3A_635 : vector<16xf32>
      %neg3A_637 = arith.constant 0.000000e+00 : f32
      %neg3A_638 = vector.broadcast %neg3A_637 : f32 to vector<16xf32>
      %neg3A_639 = arith.subf %neg3A_638, %add3A_636 : vector<16xf32>
      %exp3A_640 = math.exp %neg3A_639 : vector<16xf32>
      %add3A_641 = arith.constant 1.000000e+00 : f32
      %add3A_642 = vector.broadcast %add3A_641 : f32 to vector<16xf32>
      %add3A_643 = arith.addf %add3A_642, %exp3A_640 : vector<16xf32>
      %div3A_644 = arith.divf %add3A_636, %add3A_643 : vector<16xf32>
      %mul3A_645 = arith.mulf %broadcast_in_dim3A_77, %div3A_644 : vector<16xf32>
      %add3A_646 = arith.addf %broadcast_in_dim3A_630, %mul3A_645 : vector<16xf32>
      %get3A_647 = arith.constant 256 : index
      %get3A_648 = tpu.vector_load %arg6[%get3A_647] {strides = array<i32>} : memref<2112xf32, #tpu.memory_space<vmem>>, vector<16xf32>,
      %mul3A_649 = arith.mulf %broadcast_in_dim3A_17, %get3A_648 : vector<16xf32>
      %get3A_650 = arith.constant 1280 : index
      %get3A_651 = tpu.vector_load %arg6[%get3A_650] {strides = array<i32>} : memref<2112xf32, #tpu.memory_space<vmem>>, vector<16xf32>,
      %add3A_652 = arith.addf %mul3A_649, %get3A_651 : vector<16xf32>
      %neg3A_653 = arith.constant 0.000000e+00 : f32
      %neg3A_654 = vector.broadcast %neg3A_653 : f32 to vector<16xf32>
      %neg3A_655 = arith.subf %neg3A_654, %add3A_652 : vector<16xf32>
      %exp3A_656 = math.exp %neg3A_655 : vector<16xf32>
      %add3A_657 = arith.constant 1.000000e+00 : f32
      %add3A_658 = vector.broadcast %add3A_657 : f32 to vector<16xf32>
      %add3A_659 = arith.addf %add3A_658, %exp3A_656 : vector<16xf32>
      %div3A_660 = arith.divf %add3A_652, %add3A_659 : vector<16xf32>
      %mul3A_661 = arith.mulf %broadcast_in_dim3A_80, %div3A_660 : vector<16xf32>
      %add3A_662 = arith.addf %add3A_646, %mul3A_661 : vector<16xf32>
      %get3A_663 = arith.constant 384 : index
      %get3A_664 = tpu.vector_load %arg6[%get3A_663] {strides = array<i32>} : memref<2112xf32, #tpu.memory_space<vmem>>, vector<16xf32>,
      %mul3A_665 = arith.mulf %broadcast_in_dim3A_17, %get3A_664 : vector<16xf32>
      %get3A_666 = arith.constant 1408 : index
      %get3A_667 = tpu.vector_load %arg6[%get3A_666] {strides = array<i32>} : memref<2112xf32, #tpu.memory_space<vmem>>, vector<16xf32>,
      %add3A_668 = arith.addf %mul3A_665, %get3A_667 : vector<16xf32>
      %neg3A_669 = arith.constant 0.000000e+00 : f32
      %neg3A_670 = vector.broadcast %neg3A_669 : f32 to vector<16xf32>
      %neg3A_671 = arith.subf %neg3A_670, %add3A_668 : vector<16xf32>
      %exp3A_672 = math.exp %neg3A_671 : vector<16xf32>
      %add3A_673 = arith.constant 1.000000e+00 : f32
      %add3A_674 = vector.broadcast %add3A_673 : f32 to vector<16xf32>
      %add3A_675 = arith.addf %add3A_674, %exp3A_672 : vector<16xf32>
      %div3A_676 = arith.divf %add3A_668, %add3A_675 : vector<16xf32>
      %mul3A_677 = arith.mulf %broadcast_in_dim3A_83, %div3A_676 : vector<16xf32>
      %add3A_678 = arith.addf %add3A_662, %mul3A_677 : vector<16xf32>
      %get3A_679 = arith.constant 512 : index
      %get3A_680 = tpu.vector_load %arg6[%get3A_679] {strides = array<i32>} : memref<2112xf32, #tpu.memory_space<vmem>>, vector<16xf32>,
      %mul3A_681 = arith.mulf %broadcast_in_dim3A_17, %get3A_680 : vector<16xf32>
      %get3A_682 = arith.constant 1536 : index
      %get3A_683 = tpu.vector_load %arg6[%get3A_682] {strides = array<i32>} : memref<2112xf32, #tpu.memory_space<vmem>>, vector<16xf32>,
      %add3A_684 = arith.addf %mul3A_681, %get3A_683 : vector<16xf32>
      %neg3A_685 = arith.constant 0.000000e+00 : f32
      %neg3A_686 = vector.broadcast %neg3A_685 : f32 to vector<16xf32>
      %neg3A_687 = arith.subf %neg3A_686, %add3A_684 : vector<16xf32>
      %exp3A_688 = math.exp %neg3A_687 : vector<16xf32>
      %add3A_689 = arith.constant 1.000000e+00 : f32
      %add3A_690 = vector.broadcast %add3A_689 : f32 to vector<16xf32>
      %add3A_691 = arith.addf %add3A_690, %exp3A_688 : vector<16xf32>
      %div3A_692 = arith.divf %add3A_684, %add3A_691 : vector<16xf32>
      %mul3A_693 = arith.mulf %broadcast_in_dim3A_86, %div3A_692 : vector<16xf32>
      %add3A_694 = arith.addf %add3A_678, %mul3A_693 : vector<16xf32>
      %get3A_695 = arith.constant 640 : index
      %get3A_696 = tpu.vector_load %arg6[%get3A_695] {strides = array<i32>} : memref<2112xf32, #tpu.memory_space<vmem>>, vector<16xf32>,
      %mul3A_697 = arith.mulf %broadcast_in_dim3A_17, %get3A_696 : vector<16xf32>
      %get3A_698 = arith.constant 1664 : index
      %get3A_699 = tpu.vector_load %arg6[%get3A_698] {strides = array<i32>} : memref<2112xf32, #tpu.memory_space<vmem>>, vector<16xf32>,
      %add3A_700 = arith.addf %mul3A_697, %get3A_699 : vector<16xf32>
      %neg3A_701 = arith.constant 0.000000e+00 : f32
      %neg3A_702 = vector.broadcast %neg3A_701 : f32 to vector<16xf32>
      %neg3A_703 = arith.subf %neg3A_702, %add3A_700 : vector<16xf32>
      %exp3A_704 = math.exp %neg3A_703 : vector<16xf32>
      %add3A_705 = arith.constant 1.000000e+00 : f32
      %add3A_706 = vector.broadcast %add3A_705 : f32 to vector<16xf32>
      %add3A_707 = arith.addf %add3A_706, %exp3A_704 : vector<16xf32>
      %div3A_708 = arith.divf %add3A_700, %add3A_707 : vector<16xf32>
      %mul3A_709 = arith.mulf %broadcast_in_dim3A_89, %div3A_708 : vector<16xf32>
      %add3A_710 = arith.addf %add3A_694, %mul3A_709 : vector<16xf32>
      %get3A_711 = arith.constant 768 : index
      %get3A_712 = tpu.vector_load %arg6[%get3A_711] {strides = array<i32>} : memref<2112xf32, #tpu.memory_space<vmem>>, vector<16xf32>,
      %mul3A_713 = arith.mulf %broadcast_in_dim3A_17, %get3A_712 : vector<16xf32>
      %get3A_714 = arith.constant 1792 : index
      %get3A_715 = tpu.vector_load %arg6[%get3A_714] {strides = array<i32>} : memref<2112xf32, #tpu.memory_space<vmem>>, vector<16xf32>,
      %add3A_716 = arith.addf %mul3A_713, %get3A_715 : vector<16xf32>
      %neg3A_717 = arith.constant 0.000000e+00 : f32
      %neg3A_718 = vector.broadcast %neg3A_717 : f32 to vector<16xf32>
      %neg3A_719 = arith.subf %neg3A_718, %add3A_716 : vector<16xf32>
      %exp3A_720 = math.exp %neg3A_719 : vector<16xf32>
      %add3A_721 = arith.constant 1.000000e+00 : f32
      %add3A_722 = vector.broadcast %add3A_721 : f32 to vector<16xf32>
      %add3A_723 = arith.addf %add3A_722, %exp3A_720 : vector<16xf32>
      %div3A_724 = arith.divf %add3A_716, %add3A_723 : vector<16xf32>
      %mul3A_725 = arith.mulf %broadcast_in_dim3A_92, %div3A_724 : vector<16xf32>
      %add3A_726 = arith.addf %add3A_710, %mul3A_725 : vector<16xf32>
      %get3A_727 = arith.constant 896 : index
      %get3A_728 = tpu.vector_load %arg6[%get3A_727] {strides = array<i32>} : memref<2112xf32, #tpu.memory_space<vmem>>, vector<16xf32>,
      %mul3A_729 = arith.mulf %broadcast_in_dim3A_17, %get3A_728 : vector<16xf32>
      %get3A_730 = arith.constant 1920 : index
      %get3A_731 = tpu.vector_load %arg6[%get3A_730] {strides = array<i32>} : memref<2112xf32, #tpu.memory_space<vmem>>, vector<16xf32>,
      %add3A_732 = arith.addf %mul3A_729, %get3A_731 : vector<16xf32>
      %neg3A_733 = arith.constant 0.000000e+00 : f32
      %neg3A_734 = vector.broadcast %neg3A_733 : f32 to vector<16xf32>
      %neg3A_735 = arith.subf %neg3A_734, %add3A_732 : vector<16xf32>
      %exp3A_736 = math.exp %neg3A_735 : vector<16xf32>
      %add3A_737 = arith.constant 1.000000e+00 : f32
      %add3A_738 = vector.broadcast %add3A_737 : f32 to vector<16xf32>
      %add3A_739 = arith.addf %add3A_738, %exp3A_736 : vector<16xf32>
      %div3A_740 = arith.divf %add3A_732, %add3A_739 : vector<16xf32>
      %mul3A_741 = arith.mulf %broadcast_in_dim3A_95, %div3A_740 : vector<16xf32>
      %add3A_742 = arith.addf %add3A_726, %mul3A_741 : vector<16xf32>
      %get3A_743 = arith.constant 1024 : index
      %get3A_744 = tpu.vector_load %arg6[%get3A_743] {strides = array<i32>} : memref<2112xf32, #tpu.memory_space<vmem>>, vector<16xf32>,
      %mul3A_745 = arith.mulf %broadcast_in_dim3A_17, %get3A_744 : vector<16xf32>
      %get3A_746 = arith.constant 2048 : index
      %get3A_747 = tpu.vector_load %arg6[%get3A_746] {strides = array<i32>} : memref<2112xf32, #tpu.memory_space<vmem>>, vector<16xf32>,
      %add3A_748 = arith.addf %mul3A_745, %get3A_747 : vector<16xf32>
      %neg3A_749 = arith.constant 0.000000e+00 : f32
      %neg3A_750 = vector.broadcast %neg3A_749 : f32 to vector<16xf32>
      %neg3A_751 = arith.subf %neg3A_750, %add3A_748 : vector<16xf32>
      %exp3A_752 = math.exp %neg3A_751 : vector<16xf32>
      %add3A_753 = arith.constant 1.000000e+00 : f32
      %add3A_754 = vector.broadcast %add3A_753 : f32 to vector<16xf32>
      %add3A_755 = arith.addf %add3A_754, %exp3A_752 : vector<16xf32>
      %div3A_756 = arith.divf %add3A_748, %add3A_755 : vector<16xf32>
      %mul3A_757 = arith.mulf %broadcast_in_dim3A_98, %div3A_756 : vector<16xf32>
      %add3A_758 = arith.addf %add3A_742, %mul3A_757 : vector<16xf32>
      %swap3A_759 = arith.index_cast %add3A_11 : i32 to index
      %swap3A_760 = arith.constant 64 : index
      %swap3A_761 = tpu.vector_load %arg9[%swap3A_759, %swap3A_760] {strides = array<i32>} : memref<256x128xf32, #tpu.memory_space<vmem>>, vector<16xf32>,
      tpu.vector_store %arg9[%swap3A_759, %swap3A_760], %add3A_758 {strides = array<i32>} : memref<256x128xf32, #tpu.memory_space<vmem>>, vector<16xf32>,
      %broadcast_in_dim3A_762 = arith.constant 0.000000e+00 : f32
      %broadcast_in_dim3A_763 = vector.broadcast %broadcast_in_dim3A_762 : f32 to vector<16xf32>
      %get3A_764 = arith.constant 144 : index
      %get3A_765 = tpu.vector_load %arg6[%get3A_764] {strides = array<i32>} : memref<2112xf32, #tpu.memory_space<vmem>>, vector<16xf32>,
      %mul3A_766 = arith.mulf %broadcast_in_dim3A_17, %get3A_765 : vector<16xf32>
      %get3A_767 = arith.constant 1168 : index
      %get3A_768 = tpu.vector_load %arg6[%get3A_767] {strides = array<i32>} : memref<2112xf32, #tpu.memory_space<vmem>>, vector<16xf32>,
      %add3A_769 = arith.addf %mul3A_766, %get3A_768 : vector<16xf32>
      %neg3A_770 = arith.constant 0.000000e+00 : f32
      %neg3A_771 = vector.broadcast %neg3A_770 : f32 to vector<16xf32>
      %neg3A_772 = arith.subf %neg3A_771, %add3A_769 : vector<16xf32>
      %exp3A_773 = math.exp %neg3A_772 : vector<16xf32>
      %add3A_774 = arith.constant 1.000000e+00 : f32
      %add3A_775 = vector.broadcast %add3A_774 : f32 to vector<16xf32>
      %add3A_776 = arith.addf %add3A_775, %exp3A_773 : vector<16xf32>
      %div3A_777 = arith.divf %add3A_769, %add3A_776 : vector<16xf32>
      %mul3A_778 = arith.mulf %broadcast_in_dim3A_77, %div3A_777 : vector<16xf32>
      %add3A_779 = arith.addf %broadcast_in_dim3A_763, %mul3A_778 : vector<16xf32>
      %get3A_780 = arith.constant 272 : index
      %get3A_781 = tpu.vector_load %arg6[%get3A_780] {strides = array<i32>} : memref<2112xf32, #tpu.memory_space<vmem>>, vector<16xf32>,
      %mul3A_782 = arith.mulf %broadcast_in_dim3A_17, %get3A_781 : vector<16xf32>
      %get3A_783 = arith.constant 1296 : index
      %get3A_784 = tpu.vector_load %arg6[%get3A_783] {strides = array<i32>} : memref<2112xf32, #tpu.memory_space<vmem>>, vector<16xf32>,
      %add3A_785 = arith.addf %mul3A_782, %get3A_784 : vector<16xf32>
      %neg3A_786 = arith.constant 0.000000e+00 : f32
      %neg3A_787 = vector.broadcast %neg3A_786 : f32 to vector<16xf32>
      %neg3A_788 = arith.subf %neg3A_787, %add3A_785 : vector<16xf32>
      %exp3A_789 = math.exp %neg3A_788 : vector<16xf32>
      %add3A_790 = arith.constant 1.000000e+00 : f32
      %add3A_791 = vector.broadcast %add3A_790 : f32 to vector<16xf32>
      %add3A_792 = arith.addf %add3A_791, %exp3A_789 : vector<16xf32>
      %div3A_793 = arith.divf %add3A_785, %add3A_792 : vector<16xf32>
      %mul3A_794 = arith.mulf %broadcast_in_dim3A_80, %div3A_793 : vector<16xf32>
      %add3A_795 = arith.addf %add3A_779, %mul3A_794 : vector<16xf32>
      %get3A_796 = arith.constant 400 : index
      %get3A_797 = tpu.vector_load %arg6[%get3A_796] {strides = array<i32>} : memref<2112xf32, #tpu.memory_space<vmem>>, vector<16xf32>,
      %mul3A_798 = arith.mulf %broadcast_in_dim3A_17, %get3A_797 : vector<16xf32>
      %get3A_799 = arith.constant 1424 : index
      %get3A_800 = tpu.vector_load %arg6[%get3A_799] {strides = array<i32>} : memref<2112xf32, #tpu.memory_space<vmem>>, vector<16xf32>,
      %add3A_801 = arith.addf %mul3A_798, %get3A_800 : vector<16xf32>
      %neg3A_802 = arith.constant 0.000000e+00 : f32
      %neg3A_803 = vector.broadcast %neg3A_802 : f32 to vector<16xf32>
      %neg3A_804 = arith.subf %neg3A_803, %add3A_801 : vector<16xf32>
      %exp3A_805 = math.exp %neg3A_804 : vector<16xf32>
      %add3A_806 = arith.constant 1.000000e+00 : f32
      %add3A_807 = vector.broadcast %add3A_806 : f32 to vector<16xf32>
      %add3A_808 = arith.addf %add3A_807, %exp3A_805 : vector<16xf32>
      %div3A_809 = arith.divf %add3A_801, %add3A_808 : vector<16xf32>
      %mul3A_810 = arith.mulf %broadcast_in_dim3A_83, %div3A_809 : vector<16xf32>
      %add3A_811 = arith.addf %add3A_795, %mul3A_810 : vector<16xf32>
      %get3A_812 = arith.constant 528 : index
      %get3A_813 = tpu.vector_load %arg6[%get3A_812] {strides = array<i32>} : memref<2112xf32, #tpu.memory_space<vmem>>, vector<16xf32>,
      %mul3A_814 = arith.mulf %broadcast_in_dim3A_17, %get3A_813 : vector<16xf32>
      %get3A_815 = arith.constant 1552 : index
      %get3A_816 = tpu.vector_load %arg6[%get3A_815] {strides = array<i32>} : memref<2112xf32, #tpu.memory_space<vmem>>, vector<16xf32>,
      %add3A_817 = arith.addf %mul3A_814, %get3A_816 : vector<16xf32>
      %neg3A_818 = arith.constant 0.000000e+00 : f32
      %neg3A_819 = vector.broadcast %neg3A_818 : f32 to vector<16xf32>
      %neg3A_820 = arith.subf %neg3A_819, %add3A_817 : vector<16xf32>
      %exp3A_821 = math.exp %neg3A_820 : vector<16xf32>
      %add3A_822 = arith.constant 1.000000e+00 : f32
      %add3A_823 = vector.broadcast %add3A_822 : f32 to vector<16xf32>
      %add3A_824 = arith.addf %add3A_823, %exp3A_821 : vector<16xf32>
      %div3A_825 = arith.divf %add3A_817, %add3A_824 : vector<16xf32>
      %mul3A_826 = arith.mulf %broadcast_in_dim3A_86, %div3A_825 : vector<16xf32>
      %add3A_827 = arith.addf %add3A_811, %mul3A_826 : vector<16xf32>
      %get3A_828 = arith.constant 656 : index
      %get3A_829 = tpu.vector_load %arg6[%get3A_828] {strides = array<i32>} : memref<2112xf32, #tpu.memory_space<vmem>>, vector<16xf32>,
      %mul3A_830 = arith.mulf %broadcast_in_dim3A_17, %get3A_829 : vector<16xf32>
      %get3A_831 = arith.constant 1680 : index
      %get3A_832 = tpu.vector_load %arg6[%get3A_831] {strides = array<i32>} : memref<2112xf32, #tpu.memory_space<vmem>>, vector<16xf32>,
      %add3A_833 = arith.addf %mul3A_830, %get3A_832 : vector<16xf32>
      %neg3A_834 = arith.constant 0.000000e+00 : f32
      %neg3A_835 = vector.broadcast %neg3A_834 : f32 to vector<16xf32>
      %neg3A_836 = arith.subf %neg3A_835, %add3A_833 : vector<16xf32>
      %exp3A_837 = math.exp %neg3A_836 : vector<16xf32>
      %add3A_838 = arith.constant 1.000000e+00 : f32
      %add3A_839 = vector.broadcast %add3A_838 : f32 to vector<16xf32>
      %add3A_840 = arith.addf %add3A_839, %exp3A_837 : vector<16xf32>
      %div3A_841 = arith.divf %add3A_833, %add3A_840 : vector<16xf32>
      %mul3A_842 = arith.mulf %broadcast_in_dim3A_89, %div3A_841 : vector<16xf32>
      %add3A_843 = arith.addf %add3A_827, %mul3A_842 : vector<16xf32>
      %get3A_844 = arith.constant 784 : index
      %get3A_845 = tpu.vector_load %arg6[%get3A_844] {strides = array<i32>} : memref<2112xf32, #tpu.memory_space<vmem>>, vector<16xf32>,
      %mul3A_846 = arith.mulf %broadcast_in_dim3A_17, %get3A_845 : vector<16xf32>
      %get3A_847 = arith.constant 1808 : index
      %get3A_848 = tpu.vector_load %arg6[%get3A_847] {strides = array<i32>} : memref<2112xf32, #tpu.memory_space<vmem>>, vector<16xf32>,
      %add3A_849 = arith.addf %mul3A_846, %get3A_848 : vector<16xf32>
      %neg3A_850 = arith.constant 0.000000e+00 : f32
      %neg3A_851 = vector.broadcast %neg3A_850 : f32 to vector<16xf32>
      %neg3A_852 = arith.subf %neg3A_851, %add3A_849 : vector<16xf32>
      %exp3A_853 = math.exp %neg3A_852 : vector<16xf32>
      %add3A_854 = arith.constant 1.000000e+00 : f32
      %add3A_855 = vector.broadcast %add3A_854 : f32 to vector<16xf32>
      %add3A_856 = arith.addf %add3A_855, %exp3A_853 : vector<16xf32>
      %div3A_857 = arith.divf %add3A_849, %add3A_856 : vector<16xf32>
      %mul3A_858 = arith.mulf %broadcast_in_dim3A_92, %div3A_857 : vector<16xf32>
      %add3A_859 = arith.addf %add3A_843, %mul3A_858 : vector<16xf32>
      %get3A_860 = arith.constant 912 : index
      %get3A_861 = tpu.vector_load %arg6[%get3A_860] {strides = array<i32>} : memref<2112xf32, #tpu.memory_space<vmem>>, vector<16xf32>,
      %mul3A_862 = arith.mulf %broadcast_in_dim3A_17, %get3A_861 : vector<16xf32>
      %get3A_863 = arith.constant 1936 : index
      %get3A_864 = tpu.vector_load %arg6[%get3A_863] {strides = array<i32>} : memref<2112xf32, #tpu.memory_space<vmem>>, vector<16xf32>,
      %add3A_865 = arith.addf %mul3A_862, %get3A_864 : vector<16xf32>
      %neg3A_866 = arith.constant 0.000000e+00 : f32
      %neg3A_867 = vector.broadcast %neg3A_866 : f32 to vector<16xf32>
      %neg3A_868 = arith.subf %neg3A_867, %add3A_865 : vector<16xf32>
      %exp3A_869 = math.exp %neg3A_868 : vector<16xf32>
      %add3A_870 = arith.constant 1.000000e+00 : f32
      %add3A_871 = vector.broadcast %add3A_870 : f32 to vector<16xf32>
      %add3A_872 = arith.addf %add3A_871, %exp3A_869 : vector<16xf32>
      %div3A_873 = arith.divf %add3A_865, %add3A_872 : vector<16xf32>
      %mul3A_874 = arith.mulf %broadcast_in_dim3A_95, %div3A_873 : vector<16xf32>
      %add3A_875 = arith.addf %add3A_859, %mul3A_874 : vector<16xf32>
      %get3A_876 = arith.constant 1040 : index
      %get3A_877 = tpu.vector_load %arg6[%get3A_876] {strides = array<i32>} : memref<2112xf32, #tpu.memory_space<vmem>>, vector<16xf32>,
      %mul3A_878 = arith.mulf %broadcast_in_dim3A_17, %get3A_877 : vector<16xf32>
      %get3A_879 = arith.constant 2064 : index
      %get3A_880 = tpu.vector_load %arg6[%get3A_879] {strides = array<i32>} : memref<2112xf32, #tpu.memory_space<vmem>>, vector<16xf32>,
      %add3A_881 = arith.addf %mul3A_878, %get3A_880 : vector<16xf32>
      %neg3A_882 = arith.constant 0.000000e+00 : f32
      %neg3A_883 = vector.broadcast %neg3A_882 : f32 to vector<16xf32>
      %neg3A_884 = arith.subf %neg3A_883, %add3A_881 : vector<16xf32>
      %exp3A_885 = math.exp %neg3A_884 : vector<16xf32>
      %add3A_886 = arith.constant 1.000000e+00 : f32
      %add3A_887 = vector.broadcast %add3A_886 : f32 to vector<16xf32>
      %add3A_888 = arith.addf %add3A_887, %exp3A_885 : vector<16xf32>
      %div3A_889 = arith.divf %add3A_881, %add3A_888 : vector<16xf32>
      %mul3A_890 = arith.mulf %broadcast_in_dim3A_98, %div3A_889 : vector<16xf32>
      %add3A_891 = arith.addf %add3A_875, %mul3A_890 : vector<16xf32>
      %swap3A_892 = arith.index_cast %add3A_11 : i32 to index
      %swap3A_893 = arith.constant 80 : index
      %swap3A_894 = tpu.vector_load %arg9[%swap3A_892, %swap3A_893] {strides = array<i32>} : memref<256x128xf32, #tpu.memory_space<vmem>>, vector<16xf32>,
      tpu.vector_store %arg9[%swap3A_892, %swap3A_893], %add3A_891 {strides = array<i32>} : memref<256x128xf32, #tpu.memory_space<vmem>>, vector<16xf32>,
      %broadcast_in_dim3A_895 = arith.constant 0.000000e+00 : f32
      %broadcast_in_dim3A_896 = vector.broadcast %broadcast_in_dim3A_895 : f32 to vector<16xf32>
      %get3A_897 = arith.constant 160 : index
      %get3A_898 = tpu.vector_load %arg6[%get3A_897] {strides = array<i32>} : memref<2112xf32, #tpu.memory_space<vmem>>, vector<16xf32>,
      %mul3A_899 = arith.mulf %broadcast_in_dim3A_17, %get3A_898 : vector<16xf32>
      %get3A_900 = arith.constant 1184 : index
      %get3A_901 = tpu.vector_load %arg6[%get3A_900] {strides = array<i32>} : memref<2112xf32, #tpu.memory_space<vmem>>, vector<16xf32>,
      %add3A_902 = arith.addf %mul3A_899, %get3A_901 : vector<16xf32>
      %neg3A_903 = arith.constant 0.000000e+00 : f32
      %neg3A_904 = vector.broadcast %neg3A_903 : f32 to vector<16xf32>
      %neg3A_905 = arith.subf %neg3A_904, %add3A_902 : vector<16xf32>
      %exp3A_906 = math.exp %neg3A_905 : vector<16xf32>
      %add3A_907 = arith.constant 1.000000e+00 : f32
      %add3A_908 = vector.broadcast %add3A_907 : f32 to vector<16xf32>
      %add3A_909 = arith.addf %add3A_908, %exp3A_906 : vector<16xf32>
      %div3A_910 = arith.divf %add3A_902, %add3A_909 : vector<16xf32>
      %mul3A_911 = arith.mulf %broadcast_in_dim3A_77, %div3A_910 : vector<16xf32>
      %add3A_912 = arith.addf %broadcast_in_dim3A_896, %mul3A_911 : vector<16xf32>
      %get3A_913 = arith.constant 288 : index
      %get3A_914 = tpu.vector_load %arg6[%get3A_913] {strides = array<i32>} : memref<2112xf32, #tpu.memory_space<vmem>>, vector<16xf32>,
      %mul3A_915 = arith.mulf %broadcast_in_dim3A_17, %get3A_914 : vector<16xf32>
      %get3A_916 = arith.constant 1312 : index
      %get3A_917 = tpu.vector_load %arg6[%get3A_916] {strides = array<i32>} : memref<2112xf32, #tpu.memory_space<vmem>>, vector<16xf32>,
      %add3A_918 = arith.addf %mul3A_915, %get3A_917 : vector<16xf32>
      %neg3A_919 = arith.constant 0.000000e+00 : f32
      %neg3A_920 = vector.broadcast %neg3A_919 : f32 to vector<16xf32>
      %neg3A_921 = arith.subf %neg3A_920, %add3A_918 : vector<16xf32>
      %exp3A_922 = math.exp %neg3A_921 : vector<16xf32>
      %add3A_923 = arith.constant 1.000000e+00 : f32
      %add3A_924 = vector.broadcast %add3A_923 : f32 to vector<16xf32>
      %add3A_925 = arith.addf %add3A_924, %exp3A_922 : vector<16xf32>
      %div3A_926 = arith.divf %add3A_918, %add3A_925 : vector<16xf32>
      %mul3A_927 = arith.mulf %broadcast_in_dim3A_80, %div3A_926 : vector<16xf32>
      %add3A_928 = arith.addf %add3A_912, %mul3A_927 : vector<16xf32>
      %get3A_929 = arith.constant 416 : index
      %get3A_930 = tpu.vector_load %arg6[%get3A_929] {strides = array<i32>} : memref<2112xf32, #tpu.memory_space<vmem>>, vector<16xf32>,
      %mul3A_931 = arith.mulf %broadcast_in_dim3A_17, %get3A_930 : vector<16xf32>
      %get3A_932 = arith.constant 1440 : index
      %get3A_933 = tpu.vector_load %arg6[%get3A_932] {strides = array<i32>} : memref<2112xf32, #tpu.memory_space<vmem>>, vector<16xf32>,
      %add3A_934 = arith.addf %mul3A_931, %get3A_933 : vector<16xf32>
      %neg3A_935 = arith.constant 0.000000e+00 : f32
      %neg3A_936 = vector.broadcast %neg3A_935 : f32 to vector<16xf32>
      %neg3A_937 = arith.subf %neg3A_936, %add3A_934 : vector<16xf32>
      %exp3A_938 = math.exp %neg3A_937 : vector<16xf32>
      %add3A_939 = arith.constant 1.000000e+00 : f32
      %add3A_940 = vector.broadcast %add3A_939 : f32 to vector<16xf32>
      %add3A_941 = arith.addf %add3A_940, %exp3A_938 : vector<16xf32>
      %div3A_942 = arith.divf %add3A_934, %add3A_941 : vector<16xf32>
      %mul3A_943 = arith.mulf %broadcast_in_dim3A_83, %div3A_942 : vector<16xf32>
      %add3A_944 = arith.addf %add3A_928, %mul3A_943 : vector<16xf32>
      %get3A_945 = arith.constant 544 : index
      %get3A_946 = tpu.vector_load %arg6[%get3A_945] {strides = array<i32>} : memref<2112xf32, #tpu.memory_space<vmem>>, vector<16xf32>,
      %mul3A_947 = arith.mulf %broadcast_in_dim3A_17, %get3A_946 : vector<16xf32>
      %get3A_948 = arith.constant 1568 : index
      %get3A_949 = tpu.vector_load %arg6[%get3A_948] {strides = array<i32>} : memref<2112xf32, #tpu.memory_space<vmem>>, vector<16xf32>,
      %add3A_950 = arith.addf %mul3A_947, %get3A_949 : vector<16xf32>
      %neg3A_951 = arith.constant 0.000000e+00 : f32
      %neg3A_952 = vector.broadcast %neg3A_951 : f32 to vector<16xf32>
      %neg3A_953 = arith.subf %neg3A_952, %add3A_950 : vector<16xf32>
      %exp3A_954 = math.exp %neg3A_953 : vector<16xf32>
      %add3A_955 = arith.constant 1.000000e+00 : f32
      %add3A_956 = vector.broadcast %add3A_955 : f32 to vector<16xf32>
      %add3A_957 = arith.addf %add3A_956, %exp3A_954 : vector<16xf32>
      %div3A_958 = arith.divf %add3A_950, %add3A_957 : vector<16xf32>
      %mul3A_959 = arith.mulf %broadcast_in_dim3A_86, %div3A_958 : vector<16xf32>
      %add3A_960 = arith.addf %add3A_944, %mul3A_959 : vector<16xf32>
      %get3A_961 = arith.constant 672 : index
      %get3A_962 = tpu.vector_load %arg6[%get3A_961] {strides = array<i32>} : memref<2112xf32, #tpu.memory_space<vmem>>, vector<16xf32>,
      %mul3A_963 = arith.mulf %broadcast_in_dim3A_17, %get3A_962 : vector<16xf32>
      %get3A_964 = arith.constant 1696 : index
      %get3A_965 = tpu.vector_load %arg6[%get3A_964] {strides = array<i32>} : memref<2112xf32, #tpu.memory_space<vmem>>, vector<16xf32>,
      %add3A_966 = arith.addf %mul3A_963, %get3A_965 : vector<16xf32>
      %neg3A_967 = arith.constant 0.000000e+00 : f32
      %neg3A_968 = vector.broadcast %neg3A_967 : f32 to vector<16xf32>
      %neg3A_969 = arith.subf %neg3A_968, %add3A_966 : vector<16xf32>
      %exp3A_970 = math.exp %neg3A_969 : vector<16xf32>
      %add3A_971 = arith.constant 1.000000e+00 : f32
      %add3A_972 = vector.broadcast %add3A_971 : f32 to vector<16xf32>
      %add3A_973 = arith.addf %add3A_972, %exp3A_970 : vector<16xf32>
      %div3A_974 = arith.divf %add3A_966, %add3A_973 : vector<16xf32>
      %mul3A_975 = arith.mulf %broadcast_in_dim3A_89, %div3A_974 : vector<16xf32>
      %add3A_976 = arith.addf %add3A_960, %mul3A_975 : vector<16xf32>
      %get3A_977 = arith.constant 800 : index
      %get3A_978 = tpu.vector_load %arg6[%get3A_977] {strides = array<i32>} : memref<2112xf32, #tpu.memory_space<vmem>>, vector<16xf32>,
      %mul3A_979 = arith.mulf %broadcast_in_dim3A_17, %get3A_978 : vector<16xf32>
      %get3A_980 = arith.constant 1824 : index
      %get3A_981 = tpu.vector_load %arg6[%get3A_980] {strides = array<i32>} : memref<2112xf32, #tpu.memory_space<vmem>>, vector<16xf32>,
      %add3A_982 = arith.addf %mul3A_979, %get3A_981 : vector<16xf32>
      %neg3A_983 = arith.constant 0.000000e+00 : f32
      %neg3A_984 = vector.broadcast %neg3A_983 : f32 to vector<16xf32>
      %neg3A_985 = arith.subf %neg3A_984, %add3A_982 : vector<16xf32>
      %exp3A_986 = math.exp %neg3A_985 : vector<16xf32>
      %add3A_987 = arith.constant 1.000000e+00 : f32
      %add3A_988 = vector.broadcast %add3A_987 : f32 to vector<16xf32>
      %add3A_989 = arith.addf %add3A_988, %exp3A_986 : vector<16xf32>
      %div3A_990 = arith.divf %add3A_982, %add3A_989 : vector<16xf32>
      %mul3A_991 = arith.mulf %broadcast_in_dim3A_92, %div3A_990 : vector<16xf32>
      %add3A_992 = arith.addf %add3A_976, %mul3A_991 : vector<16xf32>
      %get3A_993 = arith.constant 928 : index
      %get3A_994 = tpu.vector_load %arg6[%get3A_993] {strides = array<i32>} : memref<2112xf32, #tpu.memory_space<vmem>>, vector<16xf32>,
      %mul3A_995 = arith.mulf %broadcast_in_dim3A_17, %get3A_994 : vector<16xf32>
      %get3A_996 = arith.constant 1952 : index
      %get3A_997 = tpu.vector_load %arg6[%get3A_996] {strides = array<i32>} : memref<2112xf32, #tpu.memory_space<vmem>>, vector<16xf32>,
      %add3A_998 = arith.addf %mul3A_995, %get3A_997 : vector<16xf32>
      %neg3A_999 = arith.constant 0.000000e+00 : f32
      %neg3A_1000 = vector.broadcast %neg3A_999 : f32 to vector<16xf32>
      %neg3A_1001 = arith.subf %neg3A_1000, %add3A_998 : vector<16xf32>
      %exp3A_1002 = math.exp %neg3A_1001 : vector<16xf32>
      %add3A_1003 = arith.constant 1.000000e+00 : f32
      %add3A_1004 = vector.broadcast %add3A_1003 : f32 to vector<16xf32>
      %add3A_1005 = arith.addf %add3A_1004, %exp3A_1002 : vector<16xf32>
      %div3A_1006 = arith.divf %add3A_998, %add3A_1005 : vector<16xf32>
      %mul3A_1007 = arith.mulf %broadcast_in_dim3A_95, %div3A_1006 : vector<16xf32>
      %add3A_1008 = arith.addf %add3A_992, %mul3A_1007 : vector<16xf32>
      %get3A_1009 = arith.constant 1056 : index
      %get3A_1010 = tpu.vector_load %arg6[%get3A_1009] {strides = array<i32>} : memref<2112xf32, #tpu.memory_space<vmem>>, vector<16xf32>,
      %mul3A_1011 = arith.mulf %broadcast_in_dim3A_17, %get3A_1010 : vector<16xf32>
      %get3A_1012 = arith.constant 2080 : index
      %get3A_1013 = tpu.vector_load %arg6[%get3A_1012] {strides = array<i32>} : memref<2112xf32, #tpu.memory_space<vmem>>, vector<16xf32>,
      %add3A_1014 = arith.addf %mul3A_1011, %get3A_1013 : vector<16xf32>
      %neg3A_1015 = arith.constant 0.000000e+00 : f32
      %neg3A_1016 = vector.broadcast %neg3A_1015 : f32 to vector<16xf32>
      %neg3A_1017 = arith.subf %neg3A_1016, %add3A_1014 : vector<16xf32>
      %exp3A_1018 = math.exp %neg3A_1017 : vector<16xf32>
      %add3A_1019 = arith.constant 1.000000e+00 : f32
      %add3A_1020 = vector.broadcast %add3A_1019 : f32 to vector<16xf32>
      %add3A_1021 = arith.addf %add3A_1020, %exp3A_1018 : vector<16xf32>
      %div3A_1022 = arith.divf %add3A_1014, %add3A_1021 : vector<16xf32>
      %mul3A_1023 = arith.mulf %broadcast_in_dim3A_98, %div3A_1022 : vector<16xf32>
      %add3A_1024 = arith.addf %add3A_1008, %mul3A_1023 : vector<16xf32>
      %swap3A_1025 = arith.index_cast %add3A_11 : i32 to index
      %swap3A_1026 = arith.constant 96 : index
      %swap3A_1027 = tpu.vector_load %arg9[%swap3A_1025, %swap3A_1026] {strides = array<i32>} : memref<256x128xf32, #tpu.memory_space<vmem>>, vector<16xf32>,
      tpu.vector_store %arg9[%swap3A_1025, %swap3A_1026], %add3A_1024 {strides = array<i32>} : memref<256x128xf32, #tpu.memory_space<vmem>>, vector<16xf32>,
      %broadcast_in_dim3A_1028 = arith.constant 0.000000e+00 : f32
      %broadcast_in_dim3A_1029 = vector.broadcast %broadcast_in_dim3A_1028 : f32 to vector<16xf32>
      %get3A_1030 = arith.constant 176 : index
      %get3A_1031 = tpu.vector_load %arg6[%get3A_1030] {strides = array<i32>} : memref<2112xf32, #tpu.memory_space<vmem>>, vector<16xf32>,
      %mul3A_1032 = arith.mulf %broadcast_in_dim3A_17, %get3A_1031 : vector<16xf32>
      %get3A_1033 = arith.constant 1200 : index
      %get3A_1034 = tpu.vector_load %arg6[%get3A_1033] {strides = array<i32>} : memref<2112xf32, #tpu.memory_space<vmem>>, vector<16xf32>,
      %add3A_1035 = arith.addf %mul3A_1032, %get3A_1034 : vector<16xf32>
      %neg3A_1036 = arith.constant 0.000000e+00 : f32
      %neg3A_1037 = vector.broadcast %neg3A_1036 : f32 to vector<16xf32>
      %neg3A_1038 = arith.subf %neg3A_1037, %add3A_1035 : vector<16xf32>
      %exp3A_1039 = math.exp %neg3A_1038 : vector<16xf32>
      %add3A_1040 = arith.constant 1.000000e+00 : f32
      %add3A_1041 = vector.broadcast %add3A_1040 : f32 to vector<16xf32>
      %add3A_1042 = arith.addf %add3A_1041, %exp3A_1039 : vector<16xf32>
      %div3A_1043 = arith.divf %add3A_1035, %add3A_1042 : vector<16xf32>
      %mul3A_1044 = arith.mulf %broadcast_in_dim3A_77, %div3A_1043 : vector<16xf32>
      %add3A_1045 = arith.addf %broadcast_in_dim3A_1029, %mul3A_1044 : vector<16xf32>
      %get3A_1046 = arith.constant 304 : index
      %get3A_1047 = tpu.vector_load %arg6[%get3A_1046] {strides = array<i32>} : memref<2112xf32, #tpu.memory_space<vmem>>, vector<16xf32>,
      %mul3A_1048 = arith.mulf %broadcast_in_dim3A_17, %get3A_1047 : vector<16xf32>
      %get3A_1049 = arith.constant 1328 : index
      %get3A_1050 = tpu.vector_load %arg6[%get3A_1049] {strides = array<i32>} : memref<2112xf32, #tpu.memory_space<vmem>>, vector<16xf32>,
      %add3A_1051 = arith.addf %mul3A_1048, %get3A_1050 : vector<16xf32>
      %neg3A_1052 = arith.constant 0.000000e+00 : f32
      %neg3A_1053 = vector.broadcast %neg3A_1052 : f32 to vector<16xf32>
      %neg3A_1054 = arith.subf %neg3A_1053, %add3A_1051 : vector<16xf32>
      %exp3A_1055 = math.exp %neg3A_1054 : vector<16xf32>
      %add3A_1056 = arith.constant 1.000000e+00 : f32
      %add3A_1057 = vector.broadcast %add3A_1056 : f32 to vector<16xf32>
      %add3A_1058 = arith.addf %add3A_1057, %exp3A_1055 : vector<16xf32>
      %div3A_1059 = arith.divf %add3A_1051, %add3A_1058 : vector<16xf32>
      %mul3A_1060 = arith.mulf %broadcast_in_dim3A_80, %div3A_1059 : vector<16xf32>
      %add3A_1061 = arith.addf %add3A_1045, %mul3A_1060 : vector<16xf32>
      %get3A_1062 = arith.constant 432 : index
      %get3A_1063 = tpu.vector_load %arg6[%get3A_1062] {strides = array<i32>} : memref<2112xf32, #tpu.memory_space<vmem>>, vector<16xf32>,
      %mul3A_1064 = arith.mulf %broadcast_in_dim3A_17, %get3A_1063 : vector<16xf32>
      %get3A_1065 = arith.constant 1456 : index
      %get3A_1066 = tpu.vector_load %arg6[%get3A_1065] {strides = array<i32>} : memref<2112xf32, #tpu.memory_space<vmem>>, vector<16xf32>,
      %add3A_1067 = arith.addf %mul3A_1064, %get3A_1066 : vector<16xf32>
      %neg3A_1068 = arith.constant 0.000000e+00 : f32
      %neg3A_1069 = vector.broadcast %neg3A_1068 : f32 to vector<16xf32>
      %neg3A_1070 = arith.subf %neg3A_1069, %add3A_1067 : vector<16xf32>
      %exp3A_1071 = math.exp %neg3A_1070 : vector<16xf32>
      %add3A_1072 = arith.constant 1.000000e+00 : f32
      %add3A_1073 = vector.broadcast %add3A_1072 : f32 to vector<16xf32>
      %add3A_1074 = arith.addf %add3A_1073, %exp3A_1071 : vector<16xf32>
      %div3A_1075 = arith.divf %add3A_1067, %add3A_1074 : vector<16xf32>
      %mul3A_1076 = arith.mulf %broadcast_in_dim3A_83, %div3A_1075 : vector<16xf32>
      %add3A_1077 = arith.addf %add3A_1061, %mul3A_1076 : vector<16xf32>
      %get3A_1078 = arith.constant 560 : index
      %get3A_1079 = tpu.vector_load %arg6[%get3A_1078] {strides = array<i32>} : memref<2112xf32, #tpu.memory_space<vmem>>, vector<16xf32>,
      %mul3A_1080 = arith.mulf %broadcast_in_dim3A_17, %get3A_1079 : vector<16xf32>
      %get3A_1081 = arith.constant 1584 : index
      %get3A_1082 = tpu.vector_load %arg6[%get3A_1081] {strides = array<i32>} : memref<2112xf32, #tpu.memory_space<vmem>>, vector<16xf32>,
      %add3A_1083 = arith.addf %mul3A_1080, %get3A_1082 : vector<16xf32>
      %neg3A_1084 = arith.constant 0.000000e+00 : f32
      %neg3A_1085 = vector.broadcast %neg3A_1084 : f32 to vector<16xf32>
      %neg3A_1086 = arith.subf %neg3A_1085, %add3A_1083 : vector<16xf32>
      %exp3A_1087 = math.exp %neg3A_1086 : vector<16xf32>
      %add3A_1088 = arith.constant 1.000000e+00 : f32
      %add3A_1089 = vector.broadcast %add3A_1088 : f32 to vector<16xf32>
      %add3A_1090 = arith.addf %add3A_1089, %exp3A_1087 : vector<16xf32>
      %div3A_1091 = arith.divf %add3A_1083, %add3A_1090 : vector<16xf32>
      %mul3A_1092 = arith.mulf %broadcast_in_dim3A_86, %div3A_1091 : vector<16xf32>
      %add3A_1093 = arith.addf %add3A_1077, %mul3A_1092 : vector<16xf32>
      %get3A_1094 = arith.constant 688 : index
      %get3A_1095 = tpu.vector_load %arg6[%get3A_1094] {strides = array<i32>} : memref<2112xf32, #tpu.memory_space<vmem>>, vector<16xf32>,
      %mul3A_1096 = arith.mulf %broadcast_in_dim3A_17, %get3A_1095 : vector<16xf32>
      %get3A_1097 = arith.constant 1712 : index
      %get3A_1098 = tpu.vector_load %arg6[%get3A_1097] {strides = array<i32>} : memref<2112xf32, #tpu.memory_space<vmem>>, vector<16xf32>,
      %add3A_1099 = arith.addf %mul3A_1096, %get3A_1098 : vector<16xf32>
      %neg3A_1100 = arith.constant 0.000000e+00 : f32
      %neg3A_1101 = vector.broadcast %neg3A_1100 : f32 to vector<16xf32>
      %neg3A_1102 = arith.subf %neg3A_1101, %add3A_1099 : vector<16xf32>
      %exp3A_1103 = math.exp %neg3A_1102 : vector<16xf32>
      %add3A_1104 = arith.constant 1.000000e+00 : f32
      %add3A_1105 = vector.broadcast %add3A_1104 : f32 to vector<16xf32>
      %add3A_1106 = arith.addf %add3A_1105, %exp3A_1103 : vector<16xf32>
      %div3A_1107 = arith.divf %add3A_1099, %add3A_1106 : vector<16xf32>
      %mul3A_1108 = arith.mulf %broadcast_in_dim3A_89, %div3A_1107 : vector<16xf32>
      %add3A_1109 = arith.addf %add3A_1093, %mul3A_1108 : vector<16xf32>
      %get3A_1110 = arith.constant 816 : index
      %get3A_1111 = tpu.vector_load %arg6[%get3A_1110] {strides = array<i32>} : memref<2112xf32, #tpu.memory_space<vmem>>, vector<16xf32>,
      %mul3A_1112 = arith.mulf %broadcast_in_dim3A_17, %get3A_1111 : vector<16xf32>
      %get3A_1113 = arith.constant 1840 : index
      %get3A_1114 = tpu.vector_load %arg6[%get3A_1113] {strides = array<i32>} : memref<2112xf32, #tpu.memory_space<vmem>>, vector<16xf32>,
      %add3A_1115 = arith.addf %mul3A_1112, %get3A_1114 : vector<16xf32>
      %neg3A_1116 = arith.constant 0.000000e+00 : f32
      %neg3A_1117 = vector.broadcast %neg3A_1116 : f32 to vector<16xf32>
      %neg3A_1118 = arith.subf %neg3A_1117, %add3A_1115 : vector<16xf32>
      %exp3A_1119 = math.exp %neg3A_1118 : vector<16xf32>
      %add3A_1120 = arith.constant 1.000000e+00 : f32
      %add3A_1121 = vector.broadcast %add3A_1120 : f32 to vector<16xf32>
      %add3A_1122 = arith.addf %add3A_1121, %exp3A_1119 : vector<16xf32>
      %div3A_1123 = arith.divf %add3A_1115, %add3A_1122 : vector<16xf32>
      %mul3A_1124 = arith.mulf %broadcast_in_dim3A_92, %div3A_1123 : vector<16xf32>
      %add3A_1125 = arith.addf %add3A_1109, %mul3A_1124 : vector<16xf32>
      %get3A_1126 = arith.constant 944 : index
      %get3A_1127 = tpu.vector_load %arg6[%get3A_1126] {strides = array<i32>} : memref<2112xf32, #tpu.memory_space<vmem>>, vector<16xf32>,
      %mul3A_1128 = arith.mulf %broadcast_in_dim3A_17, %get3A_1127 : vector<16xf32>
      %get3A_1129 = arith.constant 1968 : index
      %get3A_1130 = tpu.vector_load %arg6[%get3A_1129] {strides = array<i32>} : memref<2112xf32, #tpu.memory_space<vmem>>, vector<16xf32>,
      %add3A_1131 = arith.addf %mul3A_1128, %get3A_1130 : vector<16xf32>
      %neg3A_1132 = arith.constant 0.000000e+00 : f32
      %neg3A_1133 = vector.broadcast %neg3A_1132 : f32 to vector<16xf32>
      %neg3A_1134 = arith.subf %neg3A_1133, %add3A_1131 : vector<16xf32>
      %exp3A_1135 = math.exp %neg3A_1134 : vector<16xf32>
      %add3A_1136 = arith.constant 1.000000e+00 : f32
      %add3A_1137 = vector.broadcast %add3A_1136 : f32 to vector<16xf32>
      %add3A_1138 = arith.addf %add3A_1137, %exp3A_1135 : vector<16xf32>
      %div3A_1139 = arith.divf %add3A_1131, %add3A_1138 : vector<16xf32>
      %mul3A_1140 = arith.mulf %broadcast_in_dim3A_95, %div3A_1139 : vector<16xf32>
      %add3A_1141 = arith.addf %add3A_1125, %mul3A_1140 : vector<16xf32>
      %get3A_1142 = arith.constant 1072 : index
      %get3A_1143 = tpu.vector_load %arg6[%get3A_1142] {strides = array<i32>} : memref<2112xf32, #tpu.memory_space<vmem>>, vector<16xf32>,
      %mul3A_1144 = arith.mulf %broadcast_in_dim3A_17, %get3A_1143 : vector<16xf32>
      %get3A_1145 = arith.constant 2096 : index
      %get3A_1146 = tpu.vector_load %arg6[%get3A_1145] {strides = array<i32>} : memref<2112xf32, #tpu.memory_space<vmem>>, vector<16xf32>,
      %add3A_1147 = arith.addf %mul3A_1144, %get3A_1146 : vector<16xf32>
      %neg3A_1148 = arith.constant 0.000000e+00 : f32
      %neg3A_1149 = vector.broadcast %neg3A_1148 : f32 to vector<16xf32>
      %neg3A_1150 = arith.subf %neg3A_1149, %add3A_1147 : vector<16xf32>
      %exp3A_1151 = math.exp %neg3A_1150 : vector<16xf32>
      %add3A_1152 = arith.constant 1.000000e+00 : f32
      %add3A_1153 = vector.broadcast %add3A_1152 : f32 to vector<16xf32>
      %add3A_1154 = arith.addf %add3A_1153, %exp3A_1151 : vector<16xf32>
      %div3A_1155 = arith.divf %add3A_1147, %add3A_1154 : vector<16xf32>
      %mul3A_1156 = arith.mulf %broadcast_in_dim3A_98, %div3A_1155 : vector<16xf32>
      %add3A_1157 = arith.addf %add3A_1141, %mul3A_1156 : vector<16xf32>
      %swap3A_1158 = arith.index_cast %add3A_11 : i32 to index
      %swap3A_1159 = arith.constant 112 : index
      %swap3A_1160 = tpu.vector_load %arg9[%swap3A_1158, %swap3A_1159] {strides = array<i32>} : memref<256x128xf32, #tpu.memory_space<vmem>>, vector<16xf32>,
      tpu.vector_store %arg9[%swap3A_1158, %swap3A_1159], %add3A_1157 {strides = array<i32>} : memref<256x128xf32, #tpu.memory_space<vmem>>, vector<16xf32>,
    }
    %scan3A_6 = arith.constant 256 : i32
    "tpu.region"() ({
      %run_scoped3A = tpu.sem_alloc : memref<!tpu.dma_semaphore, #tpu.memory_space<semaphore_mem>>
      %dma_start3A = arith.constant 0 : i32
      %dma_start3A_7 = tpu.memref_slice %arg5[%mul3A_2, %dma_start3A] : memref<8192x128xf32, #tpu.memory_space<hbm>> -> memref<256x128xf32, #tpu.memory_space<hbm>>
      %dma_start3A_8 = arith.constant 0 : i32
      %dma_start3A_9 = tpu.memref_slice %arg5[%mul3A_2, %dma_start3A_8] : memref<8192x128xf32, #tpu.memory_space<hbm>> -> memref<256x128xf32, #tpu.memory_space<hbm>>
      tpu.enqueue_dma source(%arg9 : memref<256x128xf32, #tpu.memory_space<vmem>>) target(%dma_start3A_9 : memref<256x128xf32, #tpu.memory_space<hbm>>) target_semaphore(%run_scoped3A : memref<!tpu.dma_semaphore, #tpu.memory_space<semaphore_mem>>)
      %dma_wait3A = arith.constant 0 : i32
      %dma_wait3A_10 = tpu.memref_slice %arg5[%mul3A_2, %dma_wait3A] : memref<8192x128xf32, #tpu.memory_space<hbm>> -> memref<256x128xf32, #tpu.memory_space<hbm>>
      %dma_wait3A_11 = arith.constant 0 : i32
      %dma_wait3A_12 = tpu.memref_slice %arg5[%mul3A_2, %dma_wait3A_11] : memref<8192x128xf32, #tpu.memory_space<hbm>> -> memref<256x128xf32, #tpu.memory_space<hbm>>
      tpu.wait_dma2 semaphore(%run_scoped3A : memref<!tpu.dma_semaphore, #tpu.memory_space<semaphore_mem>>) src(%arg9 : memref<256x128xf32, #tpu.memory_space<vmem>>) dst(%dma_wait3A_12 : memref<256x128xf32, #tpu.memory_space<hbm>>)
      tpu.yield
    }) : () -> ()
    return
  }
}

module attributes {stable_mosaic.version = 14 : i64} {
  func.func @_tc_body(%arg0: i32, %arg1: memref<1x1x512xf32, #tpu.memory_space<vmem>>, %arg2: memref<1x1x512xf32, #tpu.memory_space<vmem>>, %arg3: memref<2x16xf32, #tpu.memory_space<smem>>, %arg4: memref<8x128x128xf32, #tpu.memory_space<vmem>>, %arg5: memref<8x128x128xf32, #tpu.memory_space<vmem>>, %arg6: memref<512x128xf32, #tpu.memory_space<vmem>>) attributes {dimension_semantics = [#tpu.dimension_semantics<arbitrary>], iteration_bounds = array<i64: 112>, scalar_prefetch = 0 : i64, scratch_operands = 0 : i64, tpu.core_type = #tpu.core_type<tc>, window_params = [{transform_indices = @transform_0, window_bounds = array<i64: 1, 1, 512>}, {transform_indices = @transform_1, window_bounds = array<i64: 1, 1, 512>}, {transform_indices = @transform_2, window_bounds = array<i64: 2, 16>}, {pipeline_mode = #tpu.pipeline_mode<synchronous>, transform_indices = @transform_3, window_bounds = array<i64: 8, 128, 128>}, {pipeline_mode = #tpu.pipeline_mode<synchronous>, transform_indices = @transform_4, window_bounds = array<i64: 8, 128, 128>}, {transform_indices = @transform_5, window_bounds = array<i64: 512, 128>}]} {
    %get3A = arith.constant 0 : index
    %get3A_0 = arith.constant 0 : index
    %get3A_1 = arith.constant 0 : index
    %get3A_2 = vector.load %arg1[%get3A, %get3A_0, %get3A_1] : memref<1x1x512xf32, #tpu.memory_space<vmem>>, vector<1x1x512xf32>
    %get3A_3 = vector.shape_cast %get3A_2 : vector<1x1x512xf32> to vector<1x512xf32>
    %get3A_4 = arith.constant 0 : index
    %get3A_5 = arith.constant 0 : index
    %get3A_6 = arith.constant 0 : index
    %get3A_7 = vector.load %arg2[%get3A_4, %get3A_5, %get3A_6] : memref<1x1x512xf32, #tpu.memory_space<vmem>>, vector<1x1x512xf32>
    %get3A_8 = vector.shape_cast %get3A_7 : vector<1x1x512xf32> to vector<1x512xf32>
    %get3A_9 = arith.constant 0 : index
    %get3A_10 = arith.constant 0 : index
    %get3A_11 = memref.load %arg3[%get3A_9, %get3A_10] : memref<2x16xf32, #tpu.memory_space<smem>>
    %mul3A = vector.broadcast %get3A_11 : f32 to vector<1x512xf32>
    %mul3A_12 = arith.mulf %get3A_3, %mul3A : vector<1x512xf32>
    %get3A_13 = arith.constant 1 : index
    %get3A_14 = arith.constant 0 : index
    %get3A_15 = memref.load %arg3[%get3A_13, %get3A_14] : memref<2x16xf32, #tpu.memory_space<smem>>
    %add3A = vector.broadcast %get3A_15 : f32 to vector<1x512xf32>
    %add3A_16 = arith.addf %mul3A_12, %add3A : vector<1x512xf32>
    %get3A_17 = arith.constant 0 : index
    %get3A_18 = arith.constant 1 : index
    %get3A_19 = memref.load %arg3[%get3A_17, %get3A_18] : memref<2x16xf32, #tpu.memory_space<smem>>
    %mul3A_20 = vector.broadcast %get3A_19 : f32 to vector<1x512xf32>
    %mul3A_21 = arith.mulf %get3A_3, %mul3A_20 : vector<1x512xf32>
    %get3A_22 = arith.constant 1 : index
    %get3A_23 = arith.constant 1 : index
    %get3A_24 = memref.load %arg3[%get3A_22, %get3A_23] : memref<2x16xf32, #tpu.memory_space<smem>>
    %add3A_25 = vector.broadcast %get3A_24 : f32 to vector<1x512xf32>
    %add3A_26 = arith.addf %mul3A_21, %add3A_25 : vector<1x512xf32>
    %get3A_27 = arith.constant 0 : index
    %get3A_28 = arith.constant 2 : index
    %get3A_29 = memref.load %arg3[%get3A_27, %get3A_28] : memref<2x16xf32, #tpu.memory_space<smem>>
    %mul3A_30 = vector.broadcast %get3A_29 : f32 to vector<1x512xf32>
    %mul3A_31 = arith.mulf %get3A_3, %mul3A_30 : vector<1x512xf32>
    %get3A_32 = arith.constant 1 : index
    %get3A_33 = arith.constant 2 : index
    %get3A_34 = memref.load %arg3[%get3A_32, %get3A_33] : memref<2x16xf32, #tpu.memory_space<smem>>
    %add3A_35 = vector.broadcast %get3A_34 : f32 to vector<1x512xf32>
    %add3A_36 = arith.addf %mul3A_31, %add3A_35 : vector<1x512xf32>
    %get3A_37 = arith.constant 0 : index
    %get3A_38 = arith.constant 3 : index
    %get3A_39 = memref.load %arg3[%get3A_37, %get3A_38] : memref<2x16xf32, #tpu.memory_space<smem>>
    %mul3A_40 = vector.broadcast %get3A_39 : f32 to vector<1x512xf32>
    %mul3A_41 = arith.mulf %get3A_3, %mul3A_40 : vector<1x512xf32>
    %get3A_42 = arith.constant 1 : index
    %get3A_43 = arith.constant 3 : index
    %get3A_44 = memref.load %arg3[%get3A_42, %get3A_43] : memref<2x16xf32, #tpu.memory_space<smem>>
    %add3A_45 = vector.broadcast %get3A_44 : f32 to vector<1x512xf32>
    %add3A_46 = arith.addf %mul3A_41, %add3A_45 : vector<1x512xf32>
    %get3A_47 = arith.constant 0 : index
    %get3A_48 = arith.constant 4 : index
    %get3A_49 = memref.load %arg3[%get3A_47, %get3A_48] : memref<2x16xf32, #tpu.memory_space<smem>>
    %mul3A_50 = vector.broadcast %get3A_49 : f32 to vector<1x512xf32>
    %mul3A_51 = arith.mulf %get3A_3, %mul3A_50 : vector<1x512xf32>
    %get3A_52 = arith.constant 1 : index
    %get3A_53 = arith.constant 4 : index
    %get3A_54 = memref.load %arg3[%get3A_52, %get3A_53] : memref<2x16xf32, #tpu.memory_space<smem>>
    %add3A_55 = vector.broadcast %get3A_54 : f32 to vector<1x512xf32>
    %add3A_56 = arith.addf %mul3A_51, %add3A_55 : vector<1x512xf32>
    %get3A_57 = arith.constant 0 : index
    %get3A_58 = arith.constant 5 : index
    %get3A_59 = memref.load %arg3[%get3A_57, %get3A_58] : memref<2x16xf32, #tpu.memory_space<smem>>
    %mul3A_60 = vector.broadcast %get3A_59 : f32 to vector<1x512xf32>
    %mul3A_61 = arith.mulf %get3A_3, %mul3A_60 : vector<1x512xf32>
    %get3A_62 = arith.constant 1 : index
    %get3A_63 = arith.constant 5 : index
    %get3A_64 = memref.load %arg3[%get3A_62, %get3A_63] : memref<2x16xf32, #tpu.memory_space<smem>>
    %add3A_65 = vector.broadcast %get3A_64 : f32 to vector<1x512xf32>
    %add3A_66 = arith.addf %mul3A_61, %add3A_65 : vector<1x512xf32>
    %get3A_67 = arith.constant 0 : index
    %get3A_68 = arith.constant 6 : index
    %get3A_69 = memref.load %arg3[%get3A_67, %get3A_68] : memref<2x16xf32, #tpu.memory_space<smem>>
    %mul3A_70 = vector.broadcast %get3A_69 : f32 to vector<1x512xf32>
    %mul3A_71 = arith.mulf %get3A_3, %mul3A_70 : vector<1x512xf32>
    %get3A_72 = arith.constant 1 : index
    %get3A_73 = arith.constant 6 : index
    %get3A_74 = memref.load %arg3[%get3A_72, %get3A_73] : memref<2x16xf32, #tpu.memory_space<smem>>
    %add3A_75 = vector.broadcast %get3A_74 : f32 to vector<1x512xf32>
    %add3A_76 = arith.addf %mul3A_71, %add3A_75 : vector<1x512xf32>
    %get3A_77 = arith.constant 0 : index
    %get3A_78 = arith.constant 7 : index
    %get3A_79 = memref.load %arg3[%get3A_77, %get3A_78] : memref<2x16xf32, #tpu.memory_space<smem>>
    %mul3A_80 = vector.broadcast %get3A_79 : f32 to vector<1x512xf32>
    %mul3A_81 = arith.mulf %get3A_3, %mul3A_80 : vector<1x512xf32>
    %get3A_82 = arith.constant 1 : index
    %get3A_83 = arith.constant 7 : index
    %get3A_84 = memref.load %arg3[%get3A_82, %get3A_83] : memref<2x16xf32, #tpu.memory_space<smem>>
    %add3A_85 = vector.broadcast %get3A_84 : f32 to vector<1x512xf32>
    %add3A_86 = arith.addf %mul3A_81, %add3A_85 : vector<1x512xf32>
    %get3A_87 = arith.constant 0 : index
    %get3A_88 = arith.constant 8 : index
    %get3A_89 = memref.load %arg3[%get3A_87, %get3A_88] : memref<2x16xf32, #tpu.memory_space<smem>>
    %mul3A_90 = vector.broadcast %get3A_89 : f32 to vector<1x512xf32>
    %mul3A_91 = arith.mulf %get3A_8, %mul3A_90 : vector<1x512xf32>
    %get3A_92 = arith.constant 1 : index
    %get3A_93 = arith.constant 8 : index
    %get3A_94 = memref.load %arg3[%get3A_92, %get3A_93] : memref<2x16xf32, #tpu.memory_space<smem>>
    %add3A_95 = vector.broadcast %get3A_94 : f32 to vector<1x512xf32>
    %add3A_96 = arith.addf %mul3A_91, %add3A_95 : vector<1x512xf32>
    %get3A_97 = arith.constant 0 : index
    %get3A_98 = arith.constant 9 : index
    %get3A_99 = memref.load %arg3[%get3A_97, %get3A_98] : memref<2x16xf32, #tpu.memory_space<smem>>
    %mul3A_100 = vector.broadcast %get3A_99 : f32 to vector<1x512xf32>
    %mul3A_101 = arith.mulf %get3A_8, %mul3A_100 : vector<1x512xf32>
    %get3A_102 = arith.constant 1 : index
    %get3A_103 = arith.constant 9 : index
    %get3A_104 = memref.load %arg3[%get3A_102, %get3A_103] : memref<2x16xf32, #tpu.memory_space<smem>>
    %add3A_105 = vector.broadcast %get3A_104 : f32 to vector<1x512xf32>
    %add3A_106 = arith.addf %mul3A_101, %add3A_105 : vector<1x512xf32>
    %get3A_107 = arith.constant 0 : index
    %get3A_108 = arith.constant 10 : index
    %get3A_109 = memref.load %arg3[%get3A_107, %get3A_108] : memref<2x16xf32, #tpu.memory_space<smem>>
    %mul3A_110 = vector.broadcast %get3A_109 : f32 to vector<1x512xf32>
    %mul3A_111 = arith.mulf %get3A_8, %mul3A_110 : vector<1x512xf32>
    %get3A_112 = arith.constant 1 : index
    %get3A_113 = arith.constant 10 : index
    %get3A_114 = memref.load %arg3[%get3A_112, %get3A_113] : memref<2x16xf32, #tpu.memory_space<smem>>
    %add3A_115 = vector.broadcast %get3A_114 : f32 to vector<1x512xf32>
    %add3A_116 = arith.addf %mul3A_111, %add3A_115 : vector<1x512xf32>
    %get3A_117 = arith.constant 0 : index
    %get3A_118 = arith.constant 11 : index
    %get3A_119 = memref.load %arg3[%get3A_117, %get3A_118] : memref<2x16xf32, #tpu.memory_space<smem>>
    %mul3A_120 = vector.broadcast %get3A_119 : f32 to vector<1x512xf32>
    %mul3A_121 = arith.mulf %get3A_8, %mul3A_120 : vector<1x512xf32>
    %get3A_122 = arith.constant 1 : index
    %get3A_123 = arith.constant 11 : index
    %get3A_124 = memref.load %arg3[%get3A_122, %get3A_123] : memref<2x16xf32, #tpu.memory_space<smem>>
    %add3A_125 = vector.broadcast %get3A_124 : f32 to vector<1x512xf32>
    %add3A_126 = arith.addf %mul3A_121, %add3A_125 : vector<1x512xf32>
    %get3A_127 = arith.constant 0 : index
    %get3A_128 = arith.constant 12 : index
    %get3A_129 = memref.load %arg3[%get3A_127, %get3A_128] : memref<2x16xf32, #tpu.memory_space<smem>>
    %mul3A_130 = vector.broadcast %get3A_129 : f32 to vector<1x512xf32>
    %mul3A_131 = arith.mulf %get3A_8, %mul3A_130 : vector<1x512xf32>
    %get3A_132 = arith.constant 1 : index
    %get3A_133 = arith.constant 12 : index
    %get3A_134 = memref.load %arg3[%get3A_132, %get3A_133] : memref<2x16xf32, #tpu.memory_space<smem>>
    %add3A_135 = vector.broadcast %get3A_134 : f32 to vector<1x512xf32>
    %add3A_136 = arith.addf %mul3A_131, %add3A_135 : vector<1x512xf32>
    %get3A_137 = arith.constant 0 : index
    %get3A_138 = arith.constant 13 : index
    %get3A_139 = memref.load %arg3[%get3A_137, %get3A_138] : memref<2x16xf32, #tpu.memory_space<smem>>
    %mul3A_140 = vector.broadcast %get3A_139 : f32 to vector<1x512xf32>
    %mul3A_141 = arith.mulf %get3A_8, %mul3A_140 : vector<1x512xf32>
    %get3A_142 = arith.constant 1 : index
    %get3A_143 = arith.constant 13 : index
    %get3A_144 = memref.load %arg3[%get3A_142, %get3A_143] : memref<2x16xf32, #tpu.memory_space<smem>>
    %add3A_145 = vector.broadcast %get3A_144 : f32 to vector<1x512xf32>
    %add3A_146 = arith.addf %mul3A_141, %add3A_145 : vector<1x512xf32>
    %get3A_147 = arith.constant 0 : index
    %get3A_148 = arith.constant 14 : index
    %get3A_149 = memref.load %arg3[%get3A_147, %get3A_148] : memref<2x16xf32, #tpu.memory_space<smem>>
    %mul3A_150 = vector.broadcast %get3A_149 : f32 to vector<1x512xf32>
    %mul3A_151 = arith.mulf %get3A_8, %mul3A_150 : vector<1x512xf32>
    %get3A_152 = arith.constant 1 : index
    %get3A_153 = arith.constant 14 : index
    %get3A_154 = memref.load %arg3[%get3A_152, %get3A_153] : memref<2x16xf32, #tpu.memory_space<smem>>
    %add3A_155 = vector.broadcast %get3A_154 : f32 to vector<1x512xf32>
    %add3A_156 = arith.addf %mul3A_151, %add3A_155 : vector<1x512xf32>
    %get3A_157 = arith.constant 0 : index
    %get3A_158 = arith.constant 15 : index
    %get3A_159 = memref.load %arg3[%get3A_157, %get3A_158] : memref<2x16xf32, #tpu.memory_space<smem>>
    %mul3A_160 = vector.broadcast %get3A_159 : f32 to vector<1x512xf32>
    %mul3A_161 = arith.mulf %get3A_8, %mul3A_160 : vector<1x512xf32>
    %get3A_162 = arith.constant 1 : index
    %get3A_163 = arith.constant 15 : index
    %get3A_164 = memref.load %arg3[%get3A_162, %get3A_163] : memref<2x16xf32, #tpu.memory_space<smem>>
    %add3A_165 = vector.broadcast %get3A_164 : f32 to vector<1x512xf32>
    %add3A_166 = arith.addf %mul3A_161, %add3A_165 : vector<1x512xf32>
    %max3A = arith.maximumf %add3A_16, %add3A_26 : vector<1x512xf32>
    %max3A_167 = arith.maximumf %add3A_96, %add3A_106 : vector<1x512xf32>
    %max3A_168 = arith.maximumf %max3A, %add3A_36 : vector<1x512xf32>
    %max3A_169 = arith.maximumf %max3A_167, %add3A_116 : vector<1x512xf32>
    %max3A_170 = arith.maximumf %max3A_168, %add3A_46 : vector<1x512xf32>
    %max3A_171 = arith.maximumf %max3A_169, %add3A_126 : vector<1x512xf32>
    %max3A_172 = arith.maximumf %max3A_170, %add3A_56 : vector<1x512xf32>
    %max3A_173 = arith.maximumf %max3A_171, %add3A_136 : vector<1x512xf32>
    %max3A_174 = arith.maximumf %max3A_172, %add3A_66 : vector<1x512xf32>
    %max3A_175 = arith.maximumf %max3A_173, %add3A_146 : vector<1x512xf32>
    %max3A_176 = arith.maximumf %max3A_174, %add3A_76 : vector<1x512xf32>
    %max3A_177 = arith.maximumf %max3A_175, %add3A_156 : vector<1x512xf32>
    %max3A_178 = arith.maximumf %max3A_176, %add3A_86 : vector<1x512xf32>
    %max3A_179 = arith.maximumf %max3A_177, %add3A_166 : vector<1x512xf32>
    %sub3A = arith.subf %add3A_16, %max3A_178 : vector<1x512xf32>
    %exp3A = math.exp %sub3A : vector<1x512xf32>
    %sub3A_180 = arith.subf %add3A_26, %max3A_178 : vector<1x512xf32>
    %exp3A_181 = math.exp %sub3A_180 : vector<1x512xf32>
    %sub3A_182 = arith.subf %add3A_36, %max3A_178 : vector<1x512xf32>
    %exp3A_183 = math.exp %sub3A_182 : vector<1x512xf32>
    %sub3A_184 = arith.subf %add3A_46, %max3A_178 : vector<1x512xf32>
    %exp3A_185 = math.exp %sub3A_184 : vector<1x512xf32>
    %sub3A_186 = arith.subf %add3A_56, %max3A_178 : vector<1x512xf32>
    %exp3A_187 = math.exp %sub3A_186 : vector<1x512xf32>
    %sub3A_188 = arith.subf %add3A_66, %max3A_178 : vector<1x512xf32>
    %exp3A_189 = math.exp %sub3A_188 : vector<1x512xf32>
    %sub3A_190 = arith.subf %add3A_76, %max3A_178 : vector<1x512xf32>
    %exp3A_191 = math.exp %sub3A_190 : vector<1x512xf32>
    %sub3A_192 = arith.subf %add3A_86, %max3A_178 : vector<1x512xf32>
    %exp3A_193 = math.exp %sub3A_192 : vector<1x512xf32>
    %sub3A_194 = arith.subf %add3A_96, %max3A_179 : vector<1x512xf32>
    %exp3A_195 = math.exp %sub3A_194 : vector<1x512xf32>
    %sub3A_196 = arith.subf %add3A_106, %max3A_179 : vector<1x512xf32>
    %exp3A_197 = math.exp %sub3A_196 : vector<1x512xf32>
    %sub3A_198 = arith.subf %add3A_116, %max3A_179 : vector<1x512xf32>
    %exp3A_199 = math.exp %sub3A_198 : vector<1x512xf32>
    %sub3A_200 = arith.subf %add3A_126, %max3A_179 : vector<1x512xf32>
    %exp3A_201 = math.exp %sub3A_200 : vector<1x512xf32>
    %sub3A_202 = arith.subf %add3A_136, %max3A_179 : vector<1x512xf32>
    %exp3A_203 = math.exp %sub3A_202 : vector<1x512xf32>
    %sub3A_204 = arith.subf %add3A_146, %max3A_179 : vector<1x512xf32>
    %exp3A_205 = math.exp %sub3A_204 : vector<1x512xf32>
    %sub3A_206 = arith.subf %add3A_156, %max3A_179 : vector<1x512xf32>
    %exp3A_207 = math.exp %sub3A_206 : vector<1x512xf32>
    %sub3A_208 = arith.subf %add3A_166, %max3A_179 : vector<1x512xf32>
    %exp3A_209 = math.exp %sub3A_208 : vector<1x512xf32>
    %add3A_210 = arith.addf %exp3A, %exp3A_181 : vector<1x512xf32>
    %add3A_211 = arith.addf %exp3A_195, %exp3A_197 : vector<1x512xf32>
    %add3A_212 = arith.addf %add3A_210, %exp3A_183 : vector<1x512xf32>
    %add3A_213 = arith.addf %add3A_211, %exp3A_199 : vector<1x512xf32>
    %add3A_214 = arith.addf %add3A_212, %exp3A_185 : vector<1x512xf32>
    %add3A_215 = arith.addf %add3A_213, %exp3A_201 : vector<1x512xf32>
    %add3A_216 = arith.addf %add3A_214, %exp3A_187 : vector<1x512xf32>
    %add3A_217 = arith.addf %add3A_215, %exp3A_203 : vector<1x512xf32>
    %add3A_218 = arith.addf %add3A_216, %exp3A_189 : vector<1x512xf32>
    %add3A_219 = arith.addf %add3A_217, %exp3A_205 : vector<1x512xf32>
    %add3A_220 = arith.addf %add3A_218, %exp3A_191 : vector<1x512xf32>
    %add3A_221 = arith.addf %add3A_219, %exp3A_207 : vector<1x512xf32>
    %add3A_222 = arith.addf %add3A_220, %exp3A_193 : vector<1x512xf32>
    %add3A_223 = arith.addf %add3A_221, %exp3A_209 : vector<1x512xf32>
    %div3A = arith.constant 1.000000e+00 : f32
    %div3A_224 = vector.broadcast %div3A : f32 to vector<1x512xf32>
    %div3A_225 = arith.divf %div3A_224, %add3A_222 : vector<1x512xf32>
    %div3A_226 = arith.constant 1.000000e+00 : f32
    %div3A_227 = vector.broadcast %div3A_226 : f32 to vector<1x512xf32>
    %div3A_228 = arith.divf %div3A_227, %add3A_223 : vector<1x512xf32>
    %mul3A_229 = arith.mulf %exp3A, %div3A_225 : vector<1x512xf32>
    %mul3A_230 = arith.mulf %exp3A_181, %div3A_225 : vector<1x512xf32>
    %mul3A_231 = arith.mulf %exp3A_183, %div3A_225 : vector<1x512xf32>
    %mul3A_232 = arith.mulf %exp3A_185, %div3A_225 : vector<1x512xf32>
    %mul3A_233 = arith.mulf %exp3A_187, %div3A_225 : vector<1x512xf32>
    %mul3A_234 = arith.mulf %exp3A_189, %div3A_225 : vector<1x512xf32>
    %mul3A_235 = arith.mulf %exp3A_191, %div3A_225 : vector<1x512xf32>
    %mul3A_236 = arith.mulf %exp3A_193, %div3A_225 : vector<1x512xf32>
    %mul3A_237 = arith.mulf %exp3A_195, %div3A_228 : vector<1x512xf32>
    %mul3A_238 = arith.mulf %exp3A_197, %div3A_228 : vector<1x512xf32>
    %mul3A_239 = arith.mulf %exp3A_199, %div3A_228 : vector<1x512xf32>
    %mul3A_240 = arith.mulf %exp3A_201, %div3A_228 : vector<1x512xf32>
    %mul3A_241 = arith.mulf %exp3A_203, %div3A_228 : vector<1x512xf32>
    %mul3A_242 = arith.mulf %exp3A_205, %div3A_228 : vector<1x512xf32>
    %mul3A_243 = arith.mulf %exp3A_207, %div3A_228 : vector<1x512xf32>
    %mul3A_244 = arith.mulf %exp3A_209, %div3A_228 : vector<1x512xf32>
    %iota3A = tpu.iota {dimensions = array<i32: 0>} : vector<128x128xi32>
    %lt3A = arith.constant 64 : i32
    %lt3A_245 = vector.broadcast %lt3A : i32 to vector<128x128xi32>
    %lt3A_246 = arith.cmpi slt, %iota3A, %lt3A_245 : vector<128x128xi32>
    %slice3A = vector.extract_strided_slice %get3A_3 {offsets = [0, 0], sizes = [1, 128], strides = [1, 1]} : vector<1x512xf32> to vector<1x128xf32>
    %broadcast_in_dim3A = vector.shape_cast %slice3A : vector<1x128xf32> to vector<1x128xf32>
    %broadcast_in_dim3A_247 = vector.broadcast %broadcast_in_dim3A : vector<1x128xf32> to vector<128x128xf32>
    %slice3A_248 = vector.extract_strided_slice %get3A_8 {offsets = [0, 0], sizes = [1, 128], strides = [1, 1]} : vector<1x512xf32> to vector<1x128xf32>
    %broadcast_in_dim3A_249 = vector.shape_cast %slice3A_248 : vector<1x128xf32> to vector<1x128xf32>
    %broadcast_in_dim3A_250 = vector.broadcast %broadcast_in_dim3A_249 : vector<1x128xf32> to vector<128x128xf32>
    %select_n3A = arith.select %lt3A_246, %broadcast_in_dim3A_247, %broadcast_in_dim3A_250 : vector<128x128xi1>, vector<128x128xf32>
    %broadcast_in_dim3A_251 = arith.constant 0.000000e+00 : f32
    %broadcast_in_dim3A_252 = vector.broadcast %broadcast_in_dim3A_251 : f32 to vector<128x128xf32>
    %get3A_253 = arith.constant 0 : index
    %get3A_254 = arith.constant 0 : index
    %get3A_255 = arith.constant 0 : index
    %get3A_256 = vector.load %arg4[%get3A_253, %get3A_254, %get3A_255] : memref<8x128x128xf32, #tpu.memory_space<vmem>>, vector<1x128x128xf32>
    %get3A_257 = vector.shape_cast %get3A_256 : vector<1x128x128xf32> to vector<128x128xf32>
    %mul3A_258 = arith.mulf %select_n3A, %get3A_257 : vector<128x128xf32>
    %get3A_259 = arith.constant 0 : index
    %get3A_260 = arith.constant 0 : index
    %get3A_261 = arith.constant 0 : index
    %get3A_262 = vector.load %arg5[%get3A_259, %get3A_260, %get3A_261] : memref<8x128x128xf32, #tpu.memory_space<vmem>>, vector<1x128x128xf32>
    %get3A_263 = vector.shape_cast %get3A_262 : vector<1x128x128xf32> to vector<128x128xf32>
    %add3A_264 = arith.addf %mul3A_258, %get3A_263 : vector<128x128xf32>
    %tanh3A = math.tanh %add3A_264 : vector<128x128xf32>
    %mul3A_265 = arith.mulf %add3A_264, %tanh3A : vector<128x128xf32>
    %add3A_266 = arith.addf %add3A_264, %mul3A_265 : vector<128x128xf32>
    %slice3A_267 = vector.extract_strided_slice %mul3A_229 {offsets = [0, 0], sizes = [1, 128], strides = [1, 1]} : vector<1x512xf32> to vector<1x128xf32>
    %broadcast_in_dim3A_268 = vector.shape_cast %slice3A_267 : vector<1x128xf32> to vector<1x128xf32>
    %broadcast_in_dim3A_269 = vector.broadcast %broadcast_in_dim3A_268 : vector<1x128xf32> to vector<128x128xf32>
    %slice3A_270 = vector.extract_strided_slice %mul3A_237 {offsets = [0, 0], sizes = [1, 128], strides = [1, 1]} : vector<1x512xf32> to vector<1x128xf32>
    %broadcast_in_dim3A_271 = vector.shape_cast %slice3A_270 : vector<1x128xf32> to vector<1x128xf32>
    %broadcast_in_dim3A_272 = vector.broadcast %broadcast_in_dim3A_271 : vector<1x128xf32> to vector<128x128xf32>
    %select_n3A_273 = arith.select %lt3A_246, %broadcast_in_dim3A_269, %broadcast_in_dim3A_272 : vector<128x128xi1>, vector<128x128xf32>
    %mul3A_274 = arith.mulf %select_n3A_273, %add3A_266 : vector<128x128xf32>
    %add3A_275 = arith.addf %broadcast_in_dim3A_252, %mul3A_274 : vector<128x128xf32>
    %get3A_276 = arith.constant 1 : index
    %get3A_277 = arith.constant 0 : index
    %get3A_278 = arith.constant 0 : index
    %get3A_279 = vector.load %arg4[%get3A_276, %get3A_277, %get3A_278] : memref<8x128x128xf32, #tpu.memory_space<vmem>>, vector<1x128x128xf32>
    %get3A_280 = vector.shape_cast %get3A_279 : vector<1x128x128xf32> to vector<128x128xf32>
    %mul3A_281 = arith.mulf %select_n3A, %get3A_280 : vector<128x128xf32>
    %get3A_282 = arith.constant 1 : index
    %get3A_283 = arith.constant 0 : index
    %get3A_284 = arith.constant 0 : index
    %get3A_285 = vector.load %arg5[%get3A_282, %get3A_283, %get3A_284] : memref<8x128x128xf32, #tpu.memory_space<vmem>>, vector<1x128x128xf32>
    %get3A_286 = vector.shape_cast %get3A_285 : vector<1x128x128xf32> to vector<128x128xf32>
    %add3A_287 = arith.addf %mul3A_281, %get3A_286 : vector<128x128xf32>
    %tanh3A_288 = math.tanh %add3A_287 : vector<128x128xf32>
    %mul3A_289 = arith.mulf %add3A_287, %tanh3A_288 : vector<128x128xf32>
    %add3A_290 = arith.addf %add3A_287, %mul3A_289 : vector<128x128xf32>
    %slice3A_291 = vector.extract_strided_slice %mul3A_230 {offsets = [0, 0], sizes = [1, 128], strides = [1, 1]} : vector<1x512xf32> to vector<1x128xf32>
    %broadcast_in_dim3A_292 = vector.shape_cast %slice3A_291 : vector<1x128xf32> to vector<1x128xf32>
    %broadcast_in_dim3A_293 = vector.broadcast %broadcast_in_dim3A_292 : vector<1x128xf32> to vector<128x128xf32>
    %slice3A_294 = vector.extract_strided_slice %mul3A_238 {offsets = [0, 0], sizes = [1, 128], strides = [1, 1]} : vector<1x512xf32> to vector<1x128xf32>
    %broadcast_in_dim3A_295 = vector.shape_cast %slice3A_294 : vector<1x128xf32> to vector<1x128xf32>
    %broadcast_in_dim3A_296 = vector.broadcast %broadcast_in_dim3A_295 : vector<1x128xf32> to vector<128x128xf32>
    %select_n3A_297 = arith.select %lt3A_246, %broadcast_in_dim3A_293, %broadcast_in_dim3A_296 : vector<128x128xi1>, vector<128x128xf32>
    %mul3A_298 = arith.mulf %select_n3A_297, %add3A_290 : vector<128x128xf32>
    %add3A_299 = arith.addf %add3A_275, %mul3A_298 : vector<128x128xf32>
    %get3A_300 = arith.constant 2 : index
    %get3A_301 = arith.constant 0 : index
    %get3A_302 = arith.constant 0 : index
    %get3A_303 = vector.load %arg4[%get3A_300, %get3A_301, %get3A_302] : memref<8x128x128xf32, #tpu.memory_space<vmem>>, vector<1x128x128xf32>
    %get3A_304 = vector.shape_cast %get3A_303 : vector<1x128x128xf32> to vector<128x128xf32>
    %mul3A_305 = arith.mulf %select_n3A, %get3A_304 : vector<128x128xf32>
    %get3A_306 = arith.constant 2 : index
    %get3A_307 = arith.constant 0 : index
    %get3A_308 = arith.constant 0 : index
    %get3A_309 = vector.load %arg5[%get3A_306, %get3A_307, %get3A_308] : memref<8x128x128xf32, #tpu.memory_space<vmem>>, vector<1x128x128xf32>
    %get3A_310 = vector.shape_cast %get3A_309 : vector<1x128x128xf32> to vector<128x128xf32>
    %add3A_311 = arith.addf %mul3A_305, %get3A_310 : vector<128x128xf32>
    %tanh3A_312 = math.tanh %add3A_311 : vector<128x128xf32>
    %mul3A_313 = arith.mulf %add3A_311, %tanh3A_312 : vector<128x128xf32>
    %add3A_314 = arith.addf %add3A_311, %mul3A_313 : vector<128x128xf32>
    %slice3A_315 = vector.extract_strided_slice %mul3A_231 {offsets = [0, 0], sizes = [1, 128], strides = [1, 1]} : vector<1x512xf32> to vector<1x128xf32>
    %broadcast_in_dim3A_316 = vector.shape_cast %slice3A_315 : vector<1x128xf32> to vector<1x128xf32>
    %broadcast_in_dim3A_317 = vector.broadcast %broadcast_in_dim3A_316 : vector<1x128xf32> to vector<128x128xf32>
    %slice3A_318 = vector.extract_strided_slice %mul3A_239 {offsets = [0, 0], sizes = [1, 128], strides = [1, 1]} : vector<1x512xf32> to vector<1x128xf32>
    %broadcast_in_dim3A_319 = vector.shape_cast %slice3A_318 : vector<1x128xf32> to vector<1x128xf32>
    %broadcast_in_dim3A_320 = vector.broadcast %broadcast_in_dim3A_319 : vector<1x128xf32> to vector<128x128xf32>
    %select_n3A_321 = arith.select %lt3A_246, %broadcast_in_dim3A_317, %broadcast_in_dim3A_320 : vector<128x128xi1>, vector<128x128xf32>
    %mul3A_322 = arith.mulf %select_n3A_321, %add3A_314 : vector<128x128xf32>
    %add3A_323 = arith.addf %add3A_299, %mul3A_322 : vector<128x128xf32>
    %get3A_324 = arith.constant 3 : index
    %get3A_325 = arith.constant 0 : index
    %get3A_326 = arith.constant 0 : index
    %get3A_327 = vector.load %arg4[%get3A_324, %get3A_325, %get3A_326] : memref<8x128x128xf32, #tpu.memory_space<vmem>>, vector<1x128x128xf32>
    %get3A_328 = vector.shape_cast %get3A_327 : vector<1x128x128xf32> to vector<128x128xf32>
    %mul3A_329 = arith.mulf %select_n3A, %get3A_328 : vector<128x128xf32>
    %get3A_330 = arith.constant 3 : index
    %get3A_331 = arith.constant 0 : index
    %get3A_332 = arith.constant 0 : index
    %get3A_333 = vector.load %arg5[%get3A_330, %get3A_331, %get3A_332] : memref<8x128x128xf32, #tpu.memory_space<vmem>>, vector<1x128x128xf32>
    %get3A_334 = vector.shape_cast %get3A_333 : vector<1x128x128xf32> to vector<128x128xf32>
    %add3A_335 = arith.addf %mul3A_329, %get3A_334 : vector<128x128xf32>
    %tanh3A_336 = math.tanh %add3A_335 : vector<128x128xf32>
    %mul3A_337 = arith.mulf %add3A_335, %tanh3A_336 : vector<128x128xf32>
    %add3A_338 = arith.addf %add3A_335, %mul3A_337 : vector<128x128xf32>
    %slice3A_339 = vector.extract_strided_slice %mul3A_232 {offsets = [0, 0], sizes = [1, 128], strides = [1, 1]} : vector<1x512xf32> to vector<1x128xf32>
    %broadcast_in_dim3A_340 = vector.shape_cast %slice3A_339 : vector<1x128xf32> to vector<1x128xf32>
    %broadcast_in_dim3A_341 = vector.broadcast %broadcast_in_dim3A_340 : vector<1x128xf32> to vector<128x128xf32>
    %slice3A_342 = vector.extract_strided_slice %mul3A_240 {offsets = [0, 0], sizes = [1, 128], strides = [1, 1]} : vector<1x512xf32> to vector<1x128xf32>
    %broadcast_in_dim3A_343 = vector.shape_cast %slice3A_342 : vector<1x128xf32> to vector<1x128xf32>
    %broadcast_in_dim3A_344 = vector.broadcast %broadcast_in_dim3A_343 : vector<1x128xf32> to vector<128x128xf32>
    %select_n3A_345 = arith.select %lt3A_246, %broadcast_in_dim3A_341, %broadcast_in_dim3A_344 : vector<128x128xi1>, vector<128x128xf32>
    %mul3A_346 = arith.mulf %select_n3A_345, %add3A_338 : vector<128x128xf32>
    %add3A_347 = arith.addf %add3A_323, %mul3A_346 : vector<128x128xf32>
    %get3A_348 = arith.constant 4 : index
    %get3A_349 = arith.constant 0 : index
    %get3A_350 = arith.constant 0 : index
    %get3A_351 = vector.load %arg4[%get3A_348, %get3A_349, %get3A_350] : memref<8x128x128xf32, #tpu.memory_space<vmem>>, vector<1x128x128xf32>
    %get3A_352 = vector.shape_cast %get3A_351 : vector<1x128x128xf32> to vector<128x128xf32>
    %mul3A_353 = arith.mulf %select_n3A, %get3A_352 : vector<128x128xf32>
    %get3A_354 = arith.constant 4 : index
    %get3A_355 = arith.constant 0 : index
    %get3A_356 = arith.constant 0 : index
    %get3A_357 = vector.load %arg5[%get3A_354, %get3A_355, %get3A_356] : memref<8x128x128xf32, #tpu.memory_space<vmem>>, vector<1x128x128xf32>
    %get3A_358 = vector.shape_cast %get3A_357 : vector<1x128x128xf32> to vector<128x128xf32>
    %add3A_359 = arith.addf %mul3A_353, %get3A_358 : vector<128x128xf32>
    %tanh3A_360 = math.tanh %add3A_359 : vector<128x128xf32>
    %mul3A_361 = arith.mulf %add3A_359, %tanh3A_360 : vector<128x128xf32>
    %add3A_362 = arith.addf %add3A_359, %mul3A_361 : vector<128x128xf32>
    %slice3A_363 = vector.extract_strided_slice %mul3A_233 {offsets = [0, 0], sizes = [1, 128], strides = [1, 1]} : vector<1x512xf32> to vector<1x128xf32>
    %broadcast_in_dim3A_364 = vector.shape_cast %slice3A_363 : vector<1x128xf32> to vector<1x128xf32>
    %broadcast_in_dim3A_365 = vector.broadcast %broadcast_in_dim3A_364 : vector<1x128xf32> to vector<128x128xf32>
    %slice3A_366 = vector.extract_strided_slice %mul3A_241 {offsets = [0, 0], sizes = [1, 128], strides = [1, 1]} : vector<1x512xf32> to vector<1x128xf32>
    %broadcast_in_dim3A_367 = vector.shape_cast %slice3A_366 : vector<1x128xf32> to vector<1x128xf32>
    %broadcast_in_dim3A_368 = vector.broadcast %broadcast_in_dim3A_367 : vector<1x128xf32> to vector<128x128xf32>
    %select_n3A_369 = arith.select %lt3A_246, %broadcast_in_dim3A_365, %broadcast_in_dim3A_368 : vector<128x128xi1>, vector<128x128xf32>
    %mul3A_370 = arith.mulf %select_n3A_369, %add3A_362 : vector<128x128xf32>
    %add3A_371 = arith.addf %add3A_347, %mul3A_370 : vector<128x128xf32>
    %get3A_372 = arith.constant 5 : index
    %get3A_373 = arith.constant 0 : index
    %get3A_374 = arith.constant 0 : index
    %get3A_375 = vector.load %arg4[%get3A_372, %get3A_373, %get3A_374] : memref<8x128x128xf32, #tpu.memory_space<vmem>>, vector<1x128x128xf32>
    %get3A_376 = vector.shape_cast %get3A_375 : vector<1x128x128xf32> to vector<128x128xf32>
    %mul3A_377 = arith.mulf %select_n3A, %get3A_376 : vector<128x128xf32>
    %get3A_378 = arith.constant 5 : index
    %get3A_379 = arith.constant 0 : index
    %get3A_380 = arith.constant 0 : index
    %get3A_381 = vector.load %arg5[%get3A_378, %get3A_379, %get3A_380] : memref<8x128x128xf32, #tpu.memory_space<vmem>>, vector<1x128x128xf32>
    %get3A_382 = vector.shape_cast %get3A_381 : vector<1x128x128xf32> to vector<128x128xf32>
    %add3A_383 = arith.addf %mul3A_377, %get3A_382 : vector<128x128xf32>
    %tanh3A_384 = math.tanh %add3A_383 : vector<128x128xf32>
    %mul3A_385 = arith.mulf %add3A_383, %tanh3A_384 : vector<128x128xf32>
    %add3A_386 = arith.addf %add3A_383, %mul3A_385 : vector<128x128xf32>
    %slice3A_387 = vector.extract_strided_slice %mul3A_234 {offsets = [0, 0], sizes = [1, 128], strides = [1, 1]} : vector<1x512xf32> to vector<1x128xf32>
    %broadcast_in_dim3A_388 = vector.shape_cast %slice3A_387 : vector<1x128xf32> to vector<1x128xf32>
    %broadcast_in_dim3A_389 = vector.broadcast %broadcast_in_dim3A_388 : vector<1x128xf32> to vector<128x128xf32>
    %slice3A_390 = vector.extract_strided_slice %mul3A_242 {offsets = [0, 0], sizes = [1, 128], strides = [1, 1]} : vector<1x512xf32> to vector<1x128xf32>
    %broadcast_in_dim3A_391 = vector.shape_cast %slice3A_390 : vector<1x128xf32> to vector<1x128xf32>
    %broadcast_in_dim3A_392 = vector.broadcast %broadcast_in_dim3A_391 : vector<1x128xf32> to vector<128x128xf32>
    %select_n3A_393 = arith.select %lt3A_246, %broadcast_in_dim3A_389, %broadcast_in_dim3A_392 : vector<128x128xi1>, vector<128x128xf32>
    %mul3A_394 = arith.mulf %select_n3A_393, %add3A_386 : vector<128x128xf32>
    %add3A_395 = arith.addf %add3A_371, %mul3A_394 : vector<128x128xf32>
    %get3A_396 = arith.constant 6 : index
    %get3A_397 = arith.constant 0 : index
    %get3A_398 = arith.constant 0 : index
    %get3A_399 = vector.load %arg4[%get3A_396, %get3A_397, %get3A_398] : memref<8x128x128xf32, #tpu.memory_space<vmem>>, vector<1x128x128xf32>
    %get3A_400 = vector.shape_cast %get3A_399 : vector<1x128x128xf32> to vector<128x128xf32>
    %mul3A_401 = arith.mulf %select_n3A, %get3A_400 : vector<128x128xf32>
    %get3A_402 = arith.constant 6 : index
    %get3A_403 = arith.constant 0 : index
    %get3A_404 = arith.constant 0 : index
    %get3A_405 = vector.load %arg5[%get3A_402, %get3A_403, %get3A_404] : memref<8x128x128xf32, #tpu.memory_space<vmem>>, vector<1x128x128xf32>
    %get3A_406 = vector.shape_cast %get3A_405 : vector<1x128x128xf32> to vector<128x128xf32>
    %add3A_407 = arith.addf %mul3A_401, %get3A_406 : vector<128x128xf32>
    %tanh3A_408 = math.tanh %add3A_407 : vector<128x128xf32>
    %mul3A_409 = arith.mulf %add3A_407, %tanh3A_408 : vector<128x128xf32>
    %add3A_410 = arith.addf %add3A_407, %mul3A_409 : vector<128x128xf32>
    %slice3A_411 = vector.extract_strided_slice %mul3A_235 {offsets = [0, 0], sizes = [1, 128], strides = [1, 1]} : vector<1x512xf32> to vector<1x128xf32>
    %broadcast_in_dim3A_412 = vector.shape_cast %slice3A_411 : vector<1x128xf32> to vector<1x128xf32>
    %broadcast_in_dim3A_413 = vector.broadcast %broadcast_in_dim3A_412 : vector<1x128xf32> to vector<128x128xf32>
    %slice3A_414 = vector.extract_strided_slice %mul3A_243 {offsets = [0, 0], sizes = [1, 128], strides = [1, 1]} : vector<1x512xf32> to vector<1x128xf32>
    %broadcast_in_dim3A_415 = vector.shape_cast %slice3A_414 : vector<1x128xf32> to vector<1x128xf32>
    %broadcast_in_dim3A_416 = vector.broadcast %broadcast_in_dim3A_415 : vector<1x128xf32> to vector<128x128xf32>
    %select_n3A_417 = arith.select %lt3A_246, %broadcast_in_dim3A_413, %broadcast_in_dim3A_416 : vector<128x128xi1>, vector<128x128xf32>
    %mul3A_418 = arith.mulf %select_n3A_417, %add3A_410 : vector<128x128xf32>
    %add3A_419 = arith.addf %add3A_395, %mul3A_418 : vector<128x128xf32>
    %get3A_420 = arith.constant 7 : index
    %get3A_421 = arith.constant 0 : index
    %get3A_422 = arith.constant 0 : index
    %get3A_423 = vector.load %arg4[%get3A_420, %get3A_421, %get3A_422] : memref<8x128x128xf32, #tpu.memory_space<vmem>>, vector<1x128x128xf32>
    %get3A_424 = vector.shape_cast %get3A_423 : vector<1x128x128xf32> to vector<128x128xf32>
    %mul3A_425 = arith.mulf %select_n3A, %get3A_424 : vector<128x128xf32>
    %get3A_426 = arith.constant 7 : index
    %get3A_427 = arith.constant 0 : index
    %get3A_428 = arith.constant 0 : index
    %get3A_429 = vector.load %arg5[%get3A_426, %get3A_427, %get3A_428] : memref<8x128x128xf32, #tpu.memory_space<vmem>>, vector<1x128x128xf32>
    %get3A_430 = vector.shape_cast %get3A_429 : vector<1x128x128xf32> to vector<128x128xf32>
    %add3A_431 = arith.addf %mul3A_425, %get3A_430 : vector<128x128xf32>
    %tanh3A_432 = math.tanh %add3A_431 : vector<128x128xf32>
    %mul3A_433 = arith.mulf %add3A_431, %tanh3A_432 : vector<128x128xf32>
    %add3A_434 = arith.addf %add3A_431, %mul3A_433 : vector<128x128xf32>
    %slice3A_435 = vector.extract_strided_slice %mul3A_236 {offsets = [0, 0], sizes = [1, 128], strides = [1, 1]} : vector<1x512xf32> to vector<1x128xf32>
    %broadcast_in_dim3A_436 = vector.shape_cast %slice3A_435 : vector<1x128xf32> to vector<1x128xf32>
    %broadcast_in_dim3A_437 = vector.broadcast %broadcast_in_dim3A_436 : vector<1x128xf32> to vector<128x128xf32>
    %slice3A_438 = vector.extract_strided_slice %mul3A_244 {offsets = [0, 0], sizes = [1, 128], strides = [1, 1]} : vector<1x512xf32> to vector<1x128xf32>
    %broadcast_in_dim3A_439 = vector.shape_cast %slice3A_438 : vector<1x128xf32> to vector<1x128xf32>
    %broadcast_in_dim3A_440 = vector.broadcast %broadcast_in_dim3A_439 : vector<1x128xf32> to vector<128x128xf32>
    %select_n3A_441 = arith.select %lt3A_246, %broadcast_in_dim3A_437, %broadcast_in_dim3A_440 : vector<128x128xi1>, vector<128x128xf32>
    %mul3A_442 = arith.mulf %select_n3A_441, %add3A_434 : vector<128x128xf32>
    %add3A_443 = arith.addf %add3A_419, %mul3A_442 : vector<128x128xf32>
    %transpose3A = tpu.transpose %add3A_443, [1, 0] : vector<128x128xf32> -> vector<128x128xf32>
    %swap3A = arith.constant 0 : index
    %swap3A_444 = arith.constant 0 : index
    %swap3A_445 = vector.load %arg6[%swap3A, %swap3A_444] : memref<512x128xf32, #tpu.memory_space<vmem>>, vector<128x128xf32>
    tpu.vector_store %arg6[%swap3A, %swap3A_444], %transpose3A {strides = array<i32>} : memref<512x128xf32, #tpu.memory_space<vmem>>, vector<128x128xf32>,
    %slice3A_446 = vector.extract_strided_slice %get3A_3 {offsets = [0, 128], sizes = [1, 128], strides = [1, 1]} : vector<1x512xf32> to vector<1x128xf32>
    %broadcast_in_dim3A_447 = vector.shape_cast %slice3A_446 : vector<1x128xf32> to vector<1x128xf32>
    %broadcast_in_dim3A_448 = vector.broadcast %broadcast_in_dim3A_447 : vector<1x128xf32> to vector<128x128xf32>
    %slice3A_449 = vector.extract_strided_slice %get3A_8 {offsets = [0, 128], sizes = [1, 128], strides = [1, 1]} : vector<1x512xf32> to vector<1x128xf32>
    %broadcast_in_dim3A_450 = vector.shape_cast %slice3A_449 : vector<1x128xf32> to vector<1x128xf32>
    %broadcast_in_dim3A_451 = vector.broadcast %broadcast_in_dim3A_450 : vector<1x128xf32> to vector<128x128xf32>
    %select_n3A_452 = arith.select %lt3A_246, %broadcast_in_dim3A_448, %broadcast_in_dim3A_451 : vector<128x128xi1>, vector<128x128xf32>
    %broadcast_in_dim3A_453 = arith.constant 0.000000e+00 : f32
    %broadcast_in_dim3A_454 = vector.broadcast %broadcast_in_dim3A_453 : f32 to vector<128x128xf32>
    %get3A_455 = arith.constant 0 : index
    %get3A_456 = arith.constant 0 : index
    %get3A_457 = arith.constant 0 : index
    %get3A_458 = vector.load %arg4[%get3A_455, %get3A_456, %get3A_457] : memref<8x128x128xf32, #tpu.memory_space<vmem>>, vector<1x128x128xf32>
    %get3A_459 = vector.shape_cast %get3A_458 : vector<1x128x128xf32> to vector<128x128xf32>
    %mul3A_460 = arith.mulf %select_n3A_452, %get3A_459 : vector<128x128xf32>
    %get3A_461 = arith.constant 0 : index
    %get3A_462 = arith.constant 0 : index
    %get3A_463 = arith.constant 0 : index
    %get3A_464 = vector.load %arg5[%get3A_461, %get3A_462, %get3A_463] : memref<8x128x128xf32, #tpu.memory_space<vmem>>, vector<1x128x128xf32>
    %get3A_465 = vector.shape_cast %get3A_464 : vector<1x128x128xf32> to vector<128x128xf32>
    %add3A_466 = arith.addf %mul3A_460, %get3A_465 : vector<128x128xf32>
    %tanh3A_467 = math.tanh %add3A_466 : vector<128x128xf32>
    %mul3A_468 = arith.mulf %add3A_466, %tanh3A_467 : vector<128x128xf32>
    %add3A_469 = arith.addf %add3A_466, %mul3A_468 : vector<128x128xf32>
    %slice3A_470 = vector.extract_strided_slice %mul3A_229 {offsets = [0, 128], sizes = [1, 128], strides = [1, 1]} : vector<1x512xf32> to vector<1x128xf32>
    %broadcast_in_dim3A_471 = vector.shape_cast %slice3A_470 : vector<1x128xf32> to vector<1x128xf32>
    %broadcast_in_dim3A_472 = vector.broadcast %broadcast_in_dim3A_471 : vector<1x128xf32> to vector<128x128xf32>
    %slice3A_473 = vector.extract_strided_slice %mul3A_237 {offsets = [0, 128], sizes = [1, 128], strides = [1, 1]} : vector<1x512xf32> to vector<1x128xf32>
    %broadcast_in_dim3A_474 = vector.shape_cast %slice3A_473 : vector<1x128xf32> to vector<1x128xf32>
    %broadcast_in_dim3A_475 = vector.broadcast %broadcast_in_dim3A_474 : vector<1x128xf32> to vector<128x128xf32>
    %select_n3A_476 = arith.select %lt3A_246, %broadcast_in_dim3A_472, %broadcast_in_dim3A_475 : vector<128x128xi1>, vector<128x128xf32>
    %mul3A_477 = arith.mulf %select_n3A_476, %add3A_469 : vector<128x128xf32>
    %add3A_478 = arith.addf %broadcast_in_dim3A_454, %mul3A_477 : vector<128x128xf32>
    %get3A_479 = arith.constant 1 : index
    %get3A_480 = arith.constant 0 : index
    %get3A_481 = arith.constant 0 : index
    %get3A_482 = vector.load %arg4[%get3A_479, %get3A_480, %get3A_481] : memref<8x128x128xf32, #tpu.memory_space<vmem>>, vector<1x128x128xf32>
    %get3A_483 = vector.shape_cast %get3A_482 : vector<1x128x128xf32> to vector<128x128xf32>
    %mul3A_484 = arith.mulf %select_n3A_452, %get3A_483 : vector<128x128xf32>
    %get3A_485 = arith.constant 1 : index
    %get3A_486 = arith.constant 0 : index
    %get3A_487 = arith.constant 0 : index
    %get3A_488 = vector.load %arg5[%get3A_485, %get3A_486, %get3A_487] : memref<8x128x128xf32, #tpu.memory_space<vmem>>, vector<1x128x128xf32>
    %get3A_489 = vector.shape_cast %get3A_488 : vector<1x128x128xf32> to vector<128x128xf32>
    %add3A_490 = arith.addf %mul3A_484, %get3A_489 : vector<128x128xf32>
    %tanh3A_491 = math.tanh %add3A_490 : vector<128x128xf32>
    %mul3A_492 = arith.mulf %add3A_490, %tanh3A_491 : vector<128x128xf32>
    %add3A_493 = arith.addf %add3A_490, %mul3A_492 : vector<128x128xf32>
    %slice3A_494 = vector.extract_strided_slice %mul3A_230 {offsets = [0, 128], sizes = [1, 128], strides = [1, 1]} : vector<1x512xf32> to vector<1x128xf32>
    %broadcast_in_dim3A_495 = vector.shape_cast %slice3A_494 : vector<1x128xf32> to vector<1x128xf32>
    %broadcast_in_dim3A_496 = vector.broadcast %broadcast_in_dim3A_495 : vector<1x128xf32> to vector<128x128xf32>
    %slice3A_497 = vector.extract_strided_slice %mul3A_238 {offsets = [0, 128], sizes = [1, 128], strides = [1, 1]} : vector<1x512xf32> to vector<1x128xf32>
    %broadcast_in_dim3A_498 = vector.shape_cast %slice3A_497 : vector<1x128xf32> to vector<1x128xf32>
    %broadcast_in_dim3A_499 = vector.broadcast %broadcast_in_dim3A_498 : vector<1x128xf32> to vector<128x128xf32>
    %select_n3A_500 = arith.select %lt3A_246, %broadcast_in_dim3A_496, %broadcast_in_dim3A_499 : vector<128x128xi1>, vector<128x128xf32>
    %mul3A_501 = arith.mulf %select_n3A_500, %add3A_493 : vector<128x128xf32>
    %add3A_502 = arith.addf %add3A_478, %mul3A_501 : vector<128x128xf32>
    %get3A_503 = arith.constant 2 : index
    %get3A_504 = arith.constant 0 : index
    %get3A_505 = arith.constant 0 : index
    %get3A_506 = vector.load %arg4[%get3A_503, %get3A_504, %get3A_505] : memref<8x128x128xf32, #tpu.memory_space<vmem>>, vector<1x128x128xf32>
    %get3A_507 = vector.shape_cast %get3A_506 : vector<1x128x128xf32> to vector<128x128xf32>
    %mul3A_508 = arith.mulf %select_n3A_452, %get3A_507 : vector<128x128xf32>
    %get3A_509 = arith.constant 2 : index
    %get3A_510 = arith.constant 0 : index
    %get3A_511 = arith.constant 0 : index
    %get3A_512 = vector.load %arg5[%get3A_509, %get3A_510, %get3A_511] : memref<8x128x128xf32, #tpu.memory_space<vmem>>, vector<1x128x128xf32>
    %get3A_513 = vector.shape_cast %get3A_512 : vector<1x128x128xf32> to vector<128x128xf32>
    %add3A_514 = arith.addf %mul3A_508, %get3A_513 : vector<128x128xf32>
    %tanh3A_515 = math.tanh %add3A_514 : vector<128x128xf32>
    %mul3A_516 = arith.mulf %add3A_514, %tanh3A_515 : vector<128x128xf32>
    %add3A_517 = arith.addf %add3A_514, %mul3A_516 : vector<128x128xf32>
    %slice3A_518 = vector.extract_strided_slice %mul3A_231 {offsets = [0, 128], sizes = [1, 128], strides = [1, 1]} : vector<1x512xf32> to vector<1x128xf32>
    %broadcast_in_dim3A_519 = vector.shape_cast %slice3A_518 : vector<1x128xf32> to vector<1x128xf32>
    %broadcast_in_dim3A_520 = vector.broadcast %broadcast_in_dim3A_519 : vector<1x128xf32> to vector<128x128xf32>
    %slice3A_521 = vector.extract_strided_slice %mul3A_239 {offsets = [0, 128], sizes = [1, 128], strides = [1, 1]} : vector<1x512xf32> to vector<1x128xf32>
    %broadcast_in_dim3A_522 = vector.shape_cast %slice3A_521 : vector<1x128xf32> to vector<1x128xf32>
    %broadcast_in_dim3A_523 = vector.broadcast %broadcast_in_dim3A_522 : vector<1x128xf32> to vector<128x128xf32>
    %select_n3A_524 = arith.select %lt3A_246, %broadcast_in_dim3A_520, %broadcast_in_dim3A_523 : vector<128x128xi1>, vector<128x128xf32>
    %mul3A_525 = arith.mulf %select_n3A_524, %add3A_517 : vector<128x128xf32>
    %add3A_526 = arith.addf %add3A_502, %mul3A_525 : vector<128x128xf32>
    %get3A_527 = arith.constant 3 : index
    %get3A_528 = arith.constant 0 : index
    %get3A_529 = arith.constant 0 : index
    %get3A_530 = vector.load %arg4[%get3A_527, %get3A_528, %get3A_529] : memref<8x128x128xf32, #tpu.memory_space<vmem>>, vector<1x128x128xf32>
    %get3A_531 = vector.shape_cast %get3A_530 : vector<1x128x128xf32> to vector<128x128xf32>
    %mul3A_532 = arith.mulf %select_n3A_452, %get3A_531 : vector<128x128xf32>
    %get3A_533 = arith.constant 3 : index
    %get3A_534 = arith.constant 0 : index
    %get3A_535 = arith.constant 0 : index
    %get3A_536 = vector.load %arg5[%get3A_533, %get3A_534, %get3A_535] : memref<8x128x128xf32, #tpu.memory_space<vmem>>, vector<1x128x128xf32>
    %get3A_537 = vector.shape_cast %get3A_536 : vector<1x128x128xf32> to vector<128x128xf32>
    %add3A_538 = arith.addf %mul3A_532, %get3A_537 : vector<128x128xf32>
    %tanh3A_539 = math.tanh %add3A_538 : vector<128x128xf32>
    %mul3A_540 = arith.mulf %add3A_538, %tanh3A_539 : vector<128x128xf32>
    %add3A_541 = arith.addf %add3A_538, %mul3A_540 : vector<128x128xf32>
    %slice3A_542 = vector.extract_strided_slice %mul3A_232 {offsets = [0, 128], sizes = [1, 128], strides = [1, 1]} : vector<1x512xf32> to vector<1x128xf32>
    %broadcast_in_dim3A_543 = vector.shape_cast %slice3A_542 : vector<1x128xf32> to vector<1x128xf32>
    %broadcast_in_dim3A_544 = vector.broadcast %broadcast_in_dim3A_543 : vector<1x128xf32> to vector<128x128xf32>
    %slice3A_545 = vector.extract_strided_slice %mul3A_240 {offsets = [0, 128], sizes = [1, 128], strides = [1, 1]} : vector<1x512xf32> to vector<1x128xf32>
    %broadcast_in_dim3A_546 = vector.shape_cast %slice3A_545 : vector<1x128xf32> to vector<1x128xf32>
    %broadcast_in_dim3A_547 = vector.broadcast %broadcast_in_dim3A_546 : vector<1x128xf32> to vector<128x128xf32>
    %select_n3A_548 = arith.select %lt3A_246, %broadcast_in_dim3A_544, %broadcast_in_dim3A_547 : vector<128x128xi1>, vector<128x128xf32>
    %mul3A_549 = arith.mulf %select_n3A_548, %add3A_541 : vector<128x128xf32>
    %add3A_550 = arith.addf %add3A_526, %mul3A_549 : vector<128x128xf32>
    %get3A_551 = arith.constant 4 : index
    %get3A_552 = arith.constant 0 : index
    %get3A_553 = arith.constant 0 : index
    %get3A_554 = vector.load %arg4[%get3A_551, %get3A_552, %get3A_553] : memref<8x128x128xf32, #tpu.memory_space<vmem>>, vector<1x128x128xf32>
    %get3A_555 = vector.shape_cast %get3A_554 : vector<1x128x128xf32> to vector<128x128xf32>
    %mul3A_556 = arith.mulf %select_n3A_452, %get3A_555 : vector<128x128xf32>
    %get3A_557 = arith.constant 4 : index
    %get3A_558 = arith.constant 0 : index
    %get3A_559 = arith.constant 0 : index
    %get3A_560 = vector.load %arg5[%get3A_557, %get3A_558, %get3A_559] : memref<8x128x128xf32, #tpu.memory_space<vmem>>, vector<1x128x128xf32>
    %get3A_561 = vector.shape_cast %get3A_560 : vector<1x128x128xf32> to vector<128x128xf32>
    %add3A_562 = arith.addf %mul3A_556, %get3A_561 : vector<128x128xf32>
    %tanh3A_563 = math.tanh %add3A_562 : vector<128x128xf32>
    %mul3A_564 = arith.mulf %add3A_562, %tanh3A_563 : vector<128x128xf32>
    %add3A_565 = arith.addf %add3A_562, %mul3A_564 : vector<128x128xf32>
    %slice3A_566 = vector.extract_strided_slice %mul3A_233 {offsets = [0, 128], sizes = [1, 128], strides = [1, 1]} : vector<1x512xf32> to vector<1x128xf32>
    %broadcast_in_dim3A_567 = vector.shape_cast %slice3A_566 : vector<1x128xf32> to vector<1x128xf32>
    %broadcast_in_dim3A_568 = vector.broadcast %broadcast_in_dim3A_567 : vector<1x128xf32> to vector<128x128xf32>
    %slice3A_569 = vector.extract_strided_slice %mul3A_241 {offsets = [0, 128], sizes = [1, 128], strides = [1, 1]} : vector<1x512xf32> to vector<1x128xf32>
    %broadcast_in_dim3A_570 = vector.shape_cast %slice3A_569 : vector<1x128xf32> to vector<1x128xf32>
    %broadcast_in_dim3A_571 = vector.broadcast %broadcast_in_dim3A_570 : vector<1x128xf32> to vector<128x128xf32>
    %select_n3A_572 = arith.select %lt3A_246, %broadcast_in_dim3A_568, %broadcast_in_dim3A_571 : vector<128x128xi1>, vector<128x128xf32>
    %mul3A_573 = arith.mulf %select_n3A_572, %add3A_565 : vector<128x128xf32>
    %add3A_574 = arith.addf %add3A_550, %mul3A_573 : vector<128x128xf32>
    %get3A_575 = arith.constant 5 : index
    %get3A_576 = arith.constant 0 : index
    %get3A_577 = arith.constant 0 : index
    %get3A_578 = vector.load %arg4[%get3A_575, %get3A_576, %get3A_577] : memref<8x128x128xf32, #tpu.memory_space<vmem>>, vector<1x128x128xf32>
    %get3A_579 = vector.shape_cast %get3A_578 : vector<1x128x128xf32> to vector<128x128xf32>
    %mul3A_580 = arith.mulf %select_n3A_452, %get3A_579 : vector<128x128xf32>
    %get3A_581 = arith.constant 5 : index
    %get3A_582 = arith.constant 0 : index
    %get3A_583 = arith.constant 0 : index
    %get3A_584 = vector.load %arg5[%get3A_581, %get3A_582, %get3A_583] : memref<8x128x128xf32, #tpu.memory_space<vmem>>, vector<1x128x128xf32>
    %get3A_585 = vector.shape_cast %get3A_584 : vector<1x128x128xf32> to vector<128x128xf32>
    %add3A_586 = arith.addf %mul3A_580, %get3A_585 : vector<128x128xf32>
    %tanh3A_587 = math.tanh %add3A_586 : vector<128x128xf32>
    %mul3A_588 = arith.mulf %add3A_586, %tanh3A_587 : vector<128x128xf32>
    %add3A_589 = arith.addf %add3A_586, %mul3A_588 : vector<128x128xf32>
    %slice3A_590 = vector.extract_strided_slice %mul3A_234 {offsets = [0, 128], sizes = [1, 128], strides = [1, 1]} : vector<1x512xf32> to vector<1x128xf32>
    %broadcast_in_dim3A_591 = vector.shape_cast %slice3A_590 : vector<1x128xf32> to vector<1x128xf32>
    %broadcast_in_dim3A_592 = vector.broadcast %broadcast_in_dim3A_591 : vector<1x128xf32> to vector<128x128xf32>
    %slice3A_593 = vector.extract_strided_slice %mul3A_242 {offsets = [0, 128], sizes = [1, 128], strides = [1, 1]} : vector<1x512xf32> to vector<1x128xf32>
    %broadcast_in_dim3A_594 = vector.shape_cast %slice3A_593 : vector<1x128xf32> to vector<1x128xf32>
    %broadcast_in_dim3A_595 = vector.broadcast %broadcast_in_dim3A_594 : vector<1x128xf32> to vector<128x128xf32>
    %select_n3A_596 = arith.select %lt3A_246, %broadcast_in_dim3A_592, %broadcast_in_dim3A_595 : vector<128x128xi1>, vector<128x128xf32>
    %mul3A_597 = arith.mulf %select_n3A_596, %add3A_589 : vector<128x128xf32>
    %add3A_598 = arith.addf %add3A_574, %mul3A_597 : vector<128x128xf32>
    %get3A_599 = arith.constant 6 : index
    %get3A_600 = arith.constant 0 : index
    %get3A_601 = arith.constant 0 : index
    %get3A_602 = vector.load %arg4[%get3A_599, %get3A_600, %get3A_601] : memref<8x128x128xf32, #tpu.memory_space<vmem>>, vector<1x128x128xf32>
    %get3A_603 = vector.shape_cast %get3A_602 : vector<1x128x128xf32> to vector<128x128xf32>
    %mul3A_604 = arith.mulf %select_n3A_452, %get3A_603 : vector<128x128xf32>
    %get3A_605 = arith.constant 6 : index
    %get3A_606 = arith.constant 0 : index
    %get3A_607 = arith.constant 0 : index
    %get3A_608 = vector.load %arg5[%get3A_605, %get3A_606, %get3A_607] : memref<8x128x128xf32, #tpu.memory_space<vmem>>, vector<1x128x128xf32>
    %get3A_609 = vector.shape_cast %get3A_608 : vector<1x128x128xf32> to vector<128x128xf32>
    %add3A_610 = arith.addf %mul3A_604, %get3A_609 : vector<128x128xf32>
    %tanh3A_611 = math.tanh %add3A_610 : vector<128x128xf32>
    %mul3A_612 = arith.mulf %add3A_610, %tanh3A_611 : vector<128x128xf32>
    %add3A_613 = arith.addf %add3A_610, %mul3A_612 : vector<128x128xf32>
    %slice3A_614 = vector.extract_strided_slice %mul3A_235 {offsets = [0, 128], sizes = [1, 128], strides = [1, 1]} : vector<1x512xf32> to vector<1x128xf32>
    %broadcast_in_dim3A_615 = vector.shape_cast %slice3A_614 : vector<1x128xf32> to vector<1x128xf32>
    %broadcast_in_dim3A_616 = vector.broadcast %broadcast_in_dim3A_615 : vector<1x128xf32> to vector<128x128xf32>
    %slice3A_617 = vector.extract_strided_slice %mul3A_243 {offsets = [0, 128], sizes = [1, 128], strides = [1, 1]} : vector<1x512xf32> to vector<1x128xf32>
    %broadcast_in_dim3A_618 = vector.shape_cast %slice3A_617 : vector<1x128xf32> to vector<1x128xf32>
    %broadcast_in_dim3A_619 = vector.broadcast %broadcast_in_dim3A_618 : vector<1x128xf32> to vector<128x128xf32>
    %select_n3A_620 = arith.select %lt3A_246, %broadcast_in_dim3A_616, %broadcast_in_dim3A_619 : vector<128x128xi1>, vector<128x128xf32>
    %mul3A_621 = arith.mulf %select_n3A_620, %add3A_613 : vector<128x128xf32>
    %add3A_622 = arith.addf %add3A_598, %mul3A_621 : vector<128x128xf32>
    %get3A_623 = arith.constant 7 : index
    %get3A_624 = arith.constant 0 : index
    %get3A_625 = arith.constant 0 : index
    %get3A_626 = vector.load %arg4[%get3A_623, %get3A_624, %get3A_625] : memref<8x128x128xf32, #tpu.memory_space<vmem>>, vector<1x128x128xf32>
    %get3A_627 = vector.shape_cast %get3A_626 : vector<1x128x128xf32> to vector<128x128xf32>
    %mul3A_628 = arith.mulf %select_n3A_452, %get3A_627 : vector<128x128xf32>
    %get3A_629 = arith.constant 7 : index
    %get3A_630 = arith.constant 0 : index
    %get3A_631 = arith.constant 0 : index
    %get3A_632 = vector.load %arg5[%get3A_629, %get3A_630, %get3A_631] : memref<8x128x128xf32, #tpu.memory_space<vmem>>, vector<1x128x128xf32>
    %get3A_633 = vector.shape_cast %get3A_632 : vector<1x128x128xf32> to vector<128x128xf32>
    %add3A_634 = arith.addf %mul3A_628, %get3A_633 : vector<128x128xf32>
    %tanh3A_635 = math.tanh %add3A_634 : vector<128x128xf32>
    %mul3A_636 = arith.mulf %add3A_634, %tanh3A_635 : vector<128x128xf32>
    %add3A_637 = arith.addf %add3A_634, %mul3A_636 : vector<128x128xf32>
    %slice3A_638 = vector.extract_strided_slice %mul3A_236 {offsets = [0, 128], sizes = [1, 128], strides = [1, 1]} : vector<1x512xf32> to vector<1x128xf32>
    %broadcast_in_dim3A_639 = vector.shape_cast %slice3A_638 : vector<1x128xf32> to vector<1x128xf32>
    %broadcast_in_dim3A_640 = vector.broadcast %broadcast_in_dim3A_639 : vector<1x128xf32> to vector<128x128xf32>
    %slice3A_641 = vector.extract_strided_slice %mul3A_244 {offsets = [0, 128], sizes = [1, 128], strides = [1, 1]} : vector<1x512xf32> to vector<1x128xf32>
    %broadcast_in_dim3A_642 = vector.shape_cast %slice3A_641 : vector<1x128xf32> to vector<1x128xf32>
    %broadcast_in_dim3A_643 = vector.broadcast %broadcast_in_dim3A_642 : vector<1x128xf32> to vector<128x128xf32>
    %select_n3A_644 = arith.select %lt3A_246, %broadcast_in_dim3A_640, %broadcast_in_dim3A_643 : vector<128x128xi1>, vector<128x128xf32>
    %mul3A_645 = arith.mulf %select_n3A_644, %add3A_637 : vector<128x128xf32>
    %add3A_646 = arith.addf %add3A_622, %mul3A_645 : vector<128x128xf32>
    %transpose3A_647 = tpu.transpose %add3A_646, [1, 0] : vector<128x128xf32> -> vector<128x128xf32>
    %swap3A_648 = arith.constant 128 : index
    %swap3A_649 = arith.constant 0 : index
    %swap3A_650 = vector.load %arg6[%swap3A_648, %swap3A_649] : memref<512x128xf32, #tpu.memory_space<vmem>>, vector<128x128xf32>
    tpu.vector_store %arg6[%swap3A_648, %swap3A_649], %transpose3A_647 {strides = array<i32>} : memref<512x128xf32, #tpu.memory_space<vmem>>, vector<128x128xf32>,
    %slice3A_651 = vector.extract_strided_slice %get3A_3 {offsets = [0, 256], sizes = [1, 128], strides = [1, 1]} : vector<1x512xf32> to vector<1x128xf32>
    %broadcast_in_dim3A_652 = vector.shape_cast %slice3A_651 : vector<1x128xf32> to vector<1x128xf32>
    %broadcast_in_dim3A_653 = vector.broadcast %broadcast_in_dim3A_652 : vector<1x128xf32> to vector<128x128xf32>
    %slice3A_654 = vector.extract_strided_slice %get3A_8 {offsets = [0, 256], sizes = [1, 128], strides = [1, 1]} : vector<1x512xf32> to vector<1x128xf32>
    %broadcast_in_dim3A_655 = vector.shape_cast %slice3A_654 : vector<1x128xf32> to vector<1x128xf32>
    %broadcast_in_dim3A_656 = vector.broadcast %broadcast_in_dim3A_655 : vector<1x128xf32> to vector<128x128xf32>
    %select_n3A_657 = arith.select %lt3A_246, %broadcast_in_dim3A_653, %broadcast_in_dim3A_656 : vector<128x128xi1>, vector<128x128xf32>
    %broadcast_in_dim3A_658 = arith.constant 0.000000e+00 : f32
    %broadcast_in_dim3A_659 = vector.broadcast %broadcast_in_dim3A_658 : f32 to vector<128x128xf32>
    %get3A_660 = arith.constant 0 : index
    %get3A_661 = arith.constant 0 : index
    %get3A_662 = arith.constant 0 : index
    %get3A_663 = vector.load %arg4[%get3A_660, %get3A_661, %get3A_662] : memref<8x128x128xf32, #tpu.memory_space<vmem>>, vector<1x128x128xf32>
    %get3A_664 = vector.shape_cast %get3A_663 : vector<1x128x128xf32> to vector<128x128xf32>
    %mul3A_665 = arith.mulf %select_n3A_657, %get3A_664 : vector<128x128xf32>
    %get3A_666 = arith.constant 0 : index
    %get3A_667 = arith.constant 0 : index
    %get3A_668 = arith.constant 0 : index
    %get3A_669 = vector.load %arg5[%get3A_666, %get3A_667, %get3A_668] : memref<8x128x128xf32, #tpu.memory_space<vmem>>, vector<1x128x128xf32>
    %get3A_670 = vector.shape_cast %get3A_669 : vector<1x128x128xf32> to vector<128x128xf32>
    %add3A_671 = arith.addf %mul3A_665, %get3A_670 : vector<128x128xf32>
    %tanh3A_672 = math.tanh %add3A_671 : vector<128x128xf32>
    %mul3A_673 = arith.mulf %add3A_671, %tanh3A_672 : vector<128x128xf32>
    %add3A_674 = arith.addf %add3A_671, %mul3A_673 : vector<128x128xf32>
    %slice3A_675 = vector.extract_strided_slice %mul3A_229 {offsets = [0, 256], sizes = [1, 128], strides = [1, 1]} : vector<1x512xf32> to vector<1x128xf32>
    %broadcast_in_dim3A_676 = vector.shape_cast %slice3A_675 : vector<1x128xf32> to vector<1x128xf32>
    %broadcast_in_dim3A_677 = vector.broadcast %broadcast_in_dim3A_676 : vector<1x128xf32> to vector<128x128xf32>
    %slice3A_678 = vector.extract_strided_slice %mul3A_237 {offsets = [0, 256], sizes = [1, 128], strides = [1, 1]} : vector<1x512xf32> to vector<1x128xf32>
    %broadcast_in_dim3A_679 = vector.shape_cast %slice3A_678 : vector<1x128xf32> to vector<1x128xf32>
    %broadcast_in_dim3A_680 = vector.broadcast %broadcast_in_dim3A_679 : vector<1x128xf32> to vector<128x128xf32>
    %select_n3A_681 = arith.select %lt3A_246, %broadcast_in_dim3A_677, %broadcast_in_dim3A_680 : vector<128x128xi1>, vector<128x128xf32>
    %mul3A_682 = arith.mulf %select_n3A_681, %add3A_674 : vector<128x128xf32>
    %add3A_683 = arith.addf %broadcast_in_dim3A_659, %mul3A_682 : vector<128x128xf32>
    %get3A_684 = arith.constant 1 : index
    %get3A_685 = arith.constant 0 : index
    %get3A_686 = arith.constant 0 : index
    %get3A_687 = vector.load %arg4[%get3A_684, %get3A_685, %get3A_686] : memref<8x128x128xf32, #tpu.memory_space<vmem>>, vector<1x128x128xf32>
    %get3A_688 = vector.shape_cast %get3A_687 : vector<1x128x128xf32> to vector<128x128xf32>
    %mul3A_689 = arith.mulf %select_n3A_657, %get3A_688 : vector<128x128xf32>
    %get3A_690 = arith.constant 1 : index
    %get3A_691 = arith.constant 0 : index
    %get3A_692 = arith.constant 0 : index
    %get3A_693 = vector.load %arg5[%get3A_690, %get3A_691, %get3A_692] : memref<8x128x128xf32, #tpu.memory_space<vmem>>, vector<1x128x128xf32>
    %get3A_694 = vector.shape_cast %get3A_693 : vector<1x128x128xf32> to vector<128x128xf32>
    %add3A_695 = arith.addf %mul3A_689, %get3A_694 : vector<128x128xf32>
    %tanh3A_696 = math.tanh %add3A_695 : vector<128x128xf32>
    %mul3A_697 = arith.mulf %add3A_695, %tanh3A_696 : vector<128x128xf32>
    %add3A_698 = arith.addf %add3A_695, %mul3A_697 : vector<128x128xf32>
    %slice3A_699 = vector.extract_strided_slice %mul3A_230 {offsets = [0, 256], sizes = [1, 128], strides = [1, 1]} : vector<1x512xf32> to vector<1x128xf32>
    %broadcast_in_dim3A_700 = vector.shape_cast %slice3A_699 : vector<1x128xf32> to vector<1x128xf32>
    %broadcast_in_dim3A_701 = vector.broadcast %broadcast_in_dim3A_700 : vector<1x128xf32> to vector<128x128xf32>
    %slice3A_702 = vector.extract_strided_slice %mul3A_238 {offsets = [0, 256], sizes = [1, 128], strides = [1, 1]} : vector<1x512xf32> to vector<1x128xf32>
    %broadcast_in_dim3A_703 = vector.shape_cast %slice3A_702 : vector<1x128xf32> to vector<1x128xf32>
    %broadcast_in_dim3A_704 = vector.broadcast %broadcast_in_dim3A_703 : vector<1x128xf32> to vector<128x128xf32>
    %select_n3A_705 = arith.select %lt3A_246, %broadcast_in_dim3A_701, %broadcast_in_dim3A_704 : vector<128x128xi1>, vector<128x128xf32>
    %mul3A_706 = arith.mulf %select_n3A_705, %add3A_698 : vector<128x128xf32>
    %add3A_707 = arith.addf %add3A_683, %mul3A_706 : vector<128x128xf32>
    %get3A_708 = arith.constant 2 : index
    %get3A_709 = arith.constant 0 : index
    %get3A_710 = arith.constant 0 : index
    %get3A_711 = vector.load %arg4[%get3A_708, %get3A_709, %get3A_710] : memref<8x128x128xf32, #tpu.memory_space<vmem>>, vector<1x128x128xf32>
    %get3A_712 = vector.shape_cast %get3A_711 : vector<1x128x128xf32> to vector<128x128xf32>
    %mul3A_713 = arith.mulf %select_n3A_657, %get3A_712 : vector<128x128xf32>
    %get3A_714 = arith.constant 2 : index
    %get3A_715 = arith.constant 0 : index
    %get3A_716 = arith.constant 0 : index
    %get3A_717 = vector.load %arg5[%get3A_714, %get3A_715, %get3A_716] : memref<8x128x128xf32, #tpu.memory_space<vmem>>, vector<1x128x128xf32>
    %get3A_718 = vector.shape_cast %get3A_717 : vector<1x128x128xf32> to vector<128x128xf32>
    %add3A_719 = arith.addf %mul3A_713, %get3A_718 : vector<128x128xf32>
    %tanh3A_720 = math.tanh %add3A_719 : vector<128x128xf32>
    %mul3A_721 = arith.mulf %add3A_719, %tanh3A_720 : vector<128x128xf32>
    %add3A_722 = arith.addf %add3A_719, %mul3A_721 : vector<128x128xf32>
    %slice3A_723 = vector.extract_strided_slice %mul3A_231 {offsets = [0, 256], sizes = [1, 128], strides = [1, 1]} : vector<1x512xf32> to vector<1x128xf32>
    %broadcast_in_dim3A_724 = vector.shape_cast %slice3A_723 : vector<1x128xf32> to vector<1x128xf32>
    %broadcast_in_dim3A_725 = vector.broadcast %broadcast_in_dim3A_724 : vector<1x128xf32> to vector<128x128xf32>
    %slice3A_726 = vector.extract_strided_slice %mul3A_239 {offsets = [0, 256], sizes = [1, 128], strides = [1, 1]} : vector<1x512xf32> to vector<1x128xf32>
    %broadcast_in_dim3A_727 = vector.shape_cast %slice3A_726 : vector<1x128xf32> to vector<1x128xf32>
    %broadcast_in_dim3A_728 = vector.broadcast %broadcast_in_dim3A_727 : vector<1x128xf32> to vector<128x128xf32>
    %select_n3A_729 = arith.select %lt3A_246, %broadcast_in_dim3A_725, %broadcast_in_dim3A_728 : vector<128x128xi1>, vector<128x128xf32>
    %mul3A_730 = arith.mulf %select_n3A_729, %add3A_722 : vector<128x128xf32>
    %add3A_731 = arith.addf %add3A_707, %mul3A_730 : vector<128x128xf32>
    %get3A_732 = arith.constant 3 : index
    %get3A_733 = arith.constant 0 : index
    %get3A_734 = arith.constant 0 : index
    %get3A_735 = vector.load %arg4[%get3A_732, %get3A_733, %get3A_734] : memref<8x128x128xf32, #tpu.memory_space<vmem>>, vector<1x128x128xf32>
    %get3A_736 = vector.shape_cast %get3A_735 : vector<1x128x128xf32> to vector<128x128xf32>
    %mul3A_737 = arith.mulf %select_n3A_657, %get3A_736 : vector<128x128xf32>
    %get3A_738 = arith.constant 3 : index
    %get3A_739 = arith.constant 0 : index
    %get3A_740 = arith.constant 0 : index
    %get3A_741 = vector.load %arg5[%get3A_738, %get3A_739, %get3A_740] : memref<8x128x128xf32, #tpu.memory_space<vmem>>, vector<1x128x128xf32>
    %get3A_742 = vector.shape_cast %get3A_741 : vector<1x128x128xf32> to vector<128x128xf32>
    %add3A_743 = arith.addf %mul3A_737, %get3A_742 : vector<128x128xf32>
    %tanh3A_744 = math.tanh %add3A_743 : vector<128x128xf32>
    %mul3A_745 = arith.mulf %add3A_743, %tanh3A_744 : vector<128x128xf32>
    %add3A_746 = arith.addf %add3A_743, %mul3A_745 : vector<128x128xf32>
    %slice3A_747 = vector.extract_strided_slice %mul3A_232 {offsets = [0, 256], sizes = [1, 128], strides = [1, 1]} : vector<1x512xf32> to vector<1x128xf32>
    %broadcast_in_dim3A_748 = vector.shape_cast %slice3A_747 : vector<1x128xf32> to vector<1x128xf32>
    %broadcast_in_dim3A_749 = vector.broadcast %broadcast_in_dim3A_748 : vector<1x128xf32> to vector<128x128xf32>
    %slice3A_750 = vector.extract_strided_slice %mul3A_240 {offsets = [0, 256], sizes = [1, 128], strides = [1, 1]} : vector<1x512xf32> to vector<1x128xf32>
    %broadcast_in_dim3A_751 = vector.shape_cast %slice3A_750 : vector<1x128xf32> to vector<1x128xf32>
    %broadcast_in_dim3A_752 = vector.broadcast %broadcast_in_dim3A_751 : vector<1x128xf32> to vector<128x128xf32>
    %select_n3A_753 = arith.select %lt3A_246, %broadcast_in_dim3A_749, %broadcast_in_dim3A_752 : vector<128x128xi1>, vector<128x128xf32>
    %mul3A_754 = arith.mulf %select_n3A_753, %add3A_746 : vector<128x128xf32>
    %add3A_755 = arith.addf %add3A_731, %mul3A_754 : vector<128x128xf32>
    %get3A_756 = arith.constant 4 : index
    %get3A_757 = arith.constant 0 : index
    %get3A_758 = arith.constant 0 : index
    %get3A_759 = vector.load %arg4[%get3A_756, %get3A_757, %get3A_758] : memref<8x128x128xf32, #tpu.memory_space<vmem>>, vector<1x128x128xf32>
    %get3A_760 = vector.shape_cast %get3A_759 : vector<1x128x128xf32> to vector<128x128xf32>
    %mul3A_761 = arith.mulf %select_n3A_657, %get3A_760 : vector<128x128xf32>
    %get3A_762 = arith.constant 4 : index
    %get3A_763 = arith.constant 0 : index
    %get3A_764 = arith.constant 0 : index
    %get3A_765 = vector.load %arg5[%get3A_762, %get3A_763, %get3A_764] : memref<8x128x128xf32, #tpu.memory_space<vmem>>, vector<1x128x128xf32>
    %get3A_766 = vector.shape_cast %get3A_765 : vector<1x128x128xf32> to vector<128x128xf32>
    %add3A_767 = arith.addf %mul3A_761, %get3A_766 : vector<128x128xf32>
    %tanh3A_768 = math.tanh %add3A_767 : vector<128x128xf32>
    %mul3A_769 = arith.mulf %add3A_767, %tanh3A_768 : vector<128x128xf32>
    %add3A_770 = arith.addf %add3A_767, %mul3A_769 : vector<128x128xf32>
    %slice3A_771 = vector.extract_strided_slice %mul3A_233 {offsets = [0, 256], sizes = [1, 128], strides = [1, 1]} : vector<1x512xf32> to vector<1x128xf32>
    %broadcast_in_dim3A_772 = vector.shape_cast %slice3A_771 : vector<1x128xf32> to vector<1x128xf32>
    %broadcast_in_dim3A_773 = vector.broadcast %broadcast_in_dim3A_772 : vector<1x128xf32> to vector<128x128xf32>
    %slice3A_774 = vector.extract_strided_slice %mul3A_241 {offsets = [0, 256], sizes = [1, 128], strides = [1, 1]} : vector<1x512xf32> to vector<1x128xf32>
    %broadcast_in_dim3A_775 = vector.shape_cast %slice3A_774 : vector<1x128xf32> to vector<1x128xf32>
    %broadcast_in_dim3A_776 = vector.broadcast %broadcast_in_dim3A_775 : vector<1x128xf32> to vector<128x128xf32>
    %select_n3A_777 = arith.select %lt3A_246, %broadcast_in_dim3A_773, %broadcast_in_dim3A_776 : vector<128x128xi1>, vector<128x128xf32>
    %mul3A_778 = arith.mulf %select_n3A_777, %add3A_770 : vector<128x128xf32>
    %add3A_779 = arith.addf %add3A_755, %mul3A_778 : vector<128x128xf32>
    %get3A_780 = arith.constant 5 : index
    %get3A_781 = arith.constant 0 : index
    %get3A_782 = arith.constant 0 : index
    %get3A_783 = vector.load %arg4[%get3A_780, %get3A_781, %get3A_782] : memref<8x128x128xf32, #tpu.memory_space<vmem>>, vector<1x128x128xf32>
    %get3A_784 = vector.shape_cast %get3A_783 : vector<1x128x128xf32> to vector<128x128xf32>
    %mul3A_785 = arith.mulf %select_n3A_657, %get3A_784 : vector<128x128xf32>
    %get3A_786 = arith.constant 5 : index
    %get3A_787 = arith.constant 0 : index
    %get3A_788 = arith.constant 0 : index
    %get3A_789 = vector.load %arg5[%get3A_786, %get3A_787, %get3A_788] : memref<8x128x128xf32, #tpu.memory_space<vmem>>, vector<1x128x128xf32>
    %get3A_790 = vector.shape_cast %get3A_789 : vector<1x128x128xf32> to vector<128x128xf32>
    %add3A_791 = arith.addf %mul3A_785, %get3A_790 : vector<128x128xf32>
    %tanh3A_792 = math.tanh %add3A_791 : vector<128x128xf32>
    %mul3A_793 = arith.mulf %add3A_791, %tanh3A_792 : vector<128x128xf32>
    %add3A_794 = arith.addf %add3A_791, %mul3A_793 : vector<128x128xf32>
    %slice3A_795 = vector.extract_strided_slice %mul3A_234 {offsets = [0, 256], sizes = [1, 128], strides = [1, 1]} : vector<1x512xf32> to vector<1x128xf32>
    %broadcast_in_dim3A_796 = vector.shape_cast %slice3A_795 : vector<1x128xf32> to vector<1x128xf32>
    %broadcast_in_dim3A_797 = vector.broadcast %broadcast_in_dim3A_796 : vector<1x128xf32> to vector<128x128xf32>
    %slice3A_798 = vector.extract_strided_slice %mul3A_242 {offsets = [0, 256], sizes = [1, 128], strides = [1, 1]} : vector<1x512xf32> to vector<1x128xf32>
    %broadcast_in_dim3A_799 = vector.shape_cast %slice3A_798 : vector<1x128xf32> to vector<1x128xf32>
    %broadcast_in_dim3A_800 = vector.broadcast %broadcast_in_dim3A_799 : vector<1x128xf32> to vector<128x128xf32>
    %select_n3A_801 = arith.select %lt3A_246, %broadcast_in_dim3A_797, %broadcast_in_dim3A_800 : vector<128x128xi1>, vector<128x128xf32>
    %mul3A_802 = arith.mulf %select_n3A_801, %add3A_794 : vector<128x128xf32>
    %add3A_803 = arith.addf %add3A_779, %mul3A_802 : vector<128x128xf32>
    %get3A_804 = arith.constant 6 : index
    %get3A_805 = arith.constant 0 : index
    %get3A_806 = arith.constant 0 : index
    %get3A_807 = vector.load %arg4[%get3A_804, %get3A_805, %get3A_806] : memref<8x128x128xf32, #tpu.memory_space<vmem>>, vector<1x128x128xf32>
    %get3A_808 = vector.shape_cast %get3A_807 : vector<1x128x128xf32> to vector<128x128xf32>
    %mul3A_809 = arith.mulf %select_n3A_657, %get3A_808 : vector<128x128xf32>
    %get3A_810 = arith.constant 6 : index
    %get3A_811 = arith.constant 0 : index
    %get3A_812 = arith.constant 0 : index
    %get3A_813 = vector.load %arg5[%get3A_810, %get3A_811, %get3A_812] : memref<8x128x128xf32, #tpu.memory_space<vmem>>, vector<1x128x128xf32>
    %get3A_814 = vector.shape_cast %get3A_813 : vector<1x128x128xf32> to vector<128x128xf32>
    %add3A_815 = arith.addf %mul3A_809, %get3A_814 : vector<128x128xf32>
    %tanh3A_816 = math.tanh %add3A_815 : vector<128x128xf32>
    %mul3A_817 = arith.mulf %add3A_815, %tanh3A_816 : vector<128x128xf32>
    %add3A_818 = arith.addf %add3A_815, %mul3A_817 : vector<128x128xf32>
    %slice3A_819 = vector.extract_strided_slice %mul3A_235 {offsets = [0, 256], sizes = [1, 128], strides = [1, 1]} : vector<1x512xf32> to vector<1x128xf32>
    %broadcast_in_dim3A_820 = vector.shape_cast %slice3A_819 : vector<1x128xf32> to vector<1x128xf32>
    %broadcast_in_dim3A_821 = vector.broadcast %broadcast_in_dim3A_820 : vector<1x128xf32> to vector<128x128xf32>
    %slice3A_822 = vector.extract_strided_slice %mul3A_243 {offsets = [0, 256], sizes = [1, 128], strides = [1, 1]} : vector<1x512xf32> to vector<1x128xf32>
    %broadcast_in_dim3A_823 = vector.shape_cast %slice3A_822 : vector<1x128xf32> to vector<1x128xf32>
    %broadcast_in_dim3A_824 = vector.broadcast %broadcast_in_dim3A_823 : vector<1x128xf32> to vector<128x128xf32>
    %select_n3A_825 = arith.select %lt3A_246, %broadcast_in_dim3A_821, %broadcast_in_dim3A_824 : vector<128x128xi1>, vector<128x128xf32>
    %mul3A_826 = arith.mulf %select_n3A_825, %add3A_818 : vector<128x128xf32>
    %add3A_827 = arith.addf %add3A_803, %mul3A_826 : vector<128x128xf32>
    %get3A_828 = arith.constant 7 : index
    %get3A_829 = arith.constant 0 : index
    %get3A_830 = arith.constant 0 : index
    %get3A_831 = vector.load %arg4[%get3A_828, %get3A_829, %get3A_830] : memref<8x128x128xf32, #tpu.memory_space<vmem>>, vector<1x128x128xf32>
    %get3A_832 = vector.shape_cast %get3A_831 : vector<1x128x128xf32> to vector<128x128xf32>
    %mul3A_833 = arith.mulf %select_n3A_657, %get3A_832 : vector<128x128xf32>
    %get3A_834 = arith.constant 7 : index
    %get3A_835 = arith.constant 0 : index
    %get3A_836 = arith.constant 0 : index
    %get3A_837 = vector.load %arg5[%get3A_834, %get3A_835, %get3A_836] : memref<8x128x128xf32, #tpu.memory_space<vmem>>, vector<1x128x128xf32>
    %get3A_838 = vector.shape_cast %get3A_837 : vector<1x128x128xf32> to vector<128x128xf32>
    %add3A_839 = arith.addf %mul3A_833, %get3A_838 : vector<128x128xf32>
    %tanh3A_840 = math.tanh %add3A_839 : vector<128x128xf32>
    %mul3A_841 = arith.mulf %add3A_839, %tanh3A_840 : vector<128x128xf32>
    %add3A_842 = arith.addf %add3A_839, %mul3A_841 : vector<128x128xf32>
    %slice3A_843 = vector.extract_strided_slice %mul3A_236 {offsets = [0, 256], sizes = [1, 128], strides = [1, 1]} : vector<1x512xf32> to vector<1x128xf32>
    %broadcast_in_dim3A_844 = vector.shape_cast %slice3A_843 : vector<1x128xf32> to vector<1x128xf32>
    %broadcast_in_dim3A_845 = vector.broadcast %broadcast_in_dim3A_844 : vector<1x128xf32> to vector<128x128xf32>
    %slice3A_846 = vector.extract_strided_slice %mul3A_244 {offsets = [0, 256], sizes = [1, 128], strides = [1, 1]} : vector<1x512xf32> to vector<1x128xf32>
    %broadcast_in_dim3A_847 = vector.shape_cast %slice3A_846 : vector<1x128xf32> to vector<1x128xf32>
    %broadcast_in_dim3A_848 = vector.broadcast %broadcast_in_dim3A_847 : vector<1x128xf32> to vector<128x128xf32>
    %select_n3A_849 = arith.select %lt3A_246, %broadcast_in_dim3A_845, %broadcast_in_dim3A_848 : vector<128x128xi1>, vector<128x128xf32>
    %mul3A_850 = arith.mulf %select_n3A_849, %add3A_842 : vector<128x128xf32>
    %add3A_851 = arith.addf %add3A_827, %mul3A_850 : vector<128x128xf32>
    %transpose3A_852 = tpu.transpose %add3A_851, [1, 0] : vector<128x128xf32> -> vector<128x128xf32>
    %swap3A_853 = arith.constant 256 : index
    %swap3A_854 = arith.constant 0 : index
    %swap3A_855 = vector.load %arg6[%swap3A_853, %swap3A_854] : memref<512x128xf32, #tpu.memory_space<vmem>>, vector<128x128xf32>
    tpu.vector_store %arg6[%swap3A_853, %swap3A_854], %transpose3A_852 {strides = array<i32>} : memref<512x128xf32, #tpu.memory_space<vmem>>, vector<128x128xf32>,
    %slice3A_856 = vector.extract_strided_slice %get3A_3 {offsets = [0, 384], sizes = [1, 128], strides = [1, 1]} : vector<1x512xf32> to vector<1x128xf32>
    %broadcast_in_dim3A_857 = vector.shape_cast %slice3A_856 : vector<1x128xf32> to vector<1x128xf32>
    %broadcast_in_dim3A_858 = vector.broadcast %broadcast_in_dim3A_857 : vector<1x128xf32> to vector<128x128xf32>
    %slice3A_859 = vector.extract_strided_slice %get3A_8 {offsets = [0, 384], sizes = [1, 128], strides = [1, 1]} : vector<1x512xf32> to vector<1x128xf32>
    %broadcast_in_dim3A_860 = vector.shape_cast %slice3A_859 : vector<1x128xf32> to vector<1x128xf32>
    %broadcast_in_dim3A_861 = vector.broadcast %broadcast_in_dim3A_860 : vector<1x128xf32> to vector<128x128xf32>
    %select_n3A_862 = arith.select %lt3A_246, %broadcast_in_dim3A_858, %broadcast_in_dim3A_861 : vector<128x128xi1>, vector<128x128xf32>
    %broadcast_in_dim3A_863 = arith.constant 0.000000e+00 : f32
    %broadcast_in_dim3A_864 = vector.broadcast %broadcast_in_dim3A_863 : f32 to vector<128x128xf32>
    %get3A_865 = arith.constant 0 : index
    %get3A_866 = arith.constant 0 : index
    %get3A_867 = arith.constant 0 : index
    %get3A_868 = vector.load %arg4[%get3A_865, %get3A_866, %get3A_867] : memref<8x128x128xf32, #tpu.memory_space<vmem>>, vector<1x128x128xf32>
    %get3A_869 = vector.shape_cast %get3A_868 : vector<1x128x128xf32> to vector<128x128xf32>
    %mul3A_870 = arith.mulf %select_n3A_862, %get3A_869 : vector<128x128xf32>
    %get3A_871 = arith.constant 0 : index
    %get3A_872 = arith.constant 0 : index
    %get3A_873 = arith.constant 0 : index
    %get3A_874 = vector.load %arg5[%get3A_871, %get3A_872, %get3A_873] : memref<8x128x128xf32, #tpu.memory_space<vmem>>, vector<1x128x128xf32>
    %get3A_875 = vector.shape_cast %get3A_874 : vector<1x128x128xf32> to vector<128x128xf32>
    %add3A_876 = arith.addf %mul3A_870, %get3A_875 : vector<128x128xf32>
    %tanh3A_877 = math.tanh %add3A_876 : vector<128x128xf32>
    %mul3A_878 = arith.mulf %add3A_876, %tanh3A_877 : vector<128x128xf32>
    %add3A_879 = arith.addf %add3A_876, %mul3A_878 : vector<128x128xf32>
    %slice3A_880 = vector.extract_strided_slice %mul3A_229 {offsets = [0, 384], sizes = [1, 128], strides = [1, 1]} : vector<1x512xf32> to vector<1x128xf32>
    %broadcast_in_dim3A_881 = vector.shape_cast %slice3A_880 : vector<1x128xf32> to vector<1x128xf32>
    %broadcast_in_dim3A_882 = vector.broadcast %broadcast_in_dim3A_881 : vector<1x128xf32> to vector<128x128xf32>
    %slice3A_883 = vector.extract_strided_slice %mul3A_237 {offsets = [0, 384], sizes = [1, 128], strides = [1, 1]} : vector<1x512xf32> to vector<1x128xf32>
    %broadcast_in_dim3A_884 = vector.shape_cast %slice3A_883 : vector<1x128xf32> to vector<1x128xf32>
    %broadcast_in_dim3A_885 = vector.broadcast %broadcast_in_dim3A_884 : vector<1x128xf32> to vector<128x128xf32>
    %select_n3A_886 = arith.select %lt3A_246, %broadcast_in_dim3A_882, %broadcast_in_dim3A_885 : vector<128x128xi1>, vector<128x128xf32>
    %mul3A_887 = arith.mulf %select_n3A_886, %add3A_879 : vector<128x128xf32>
    %add3A_888 = arith.addf %broadcast_in_dim3A_864, %mul3A_887 : vector<128x128xf32>
    %get3A_889 = arith.constant 1 : index
    %get3A_890 = arith.constant 0 : index
    %get3A_891 = arith.constant 0 : index
    %get3A_892 = vector.load %arg4[%get3A_889, %get3A_890, %get3A_891] : memref<8x128x128xf32, #tpu.memory_space<vmem>>, vector<1x128x128xf32>
    %get3A_893 = vector.shape_cast %get3A_892 : vector<1x128x128xf32> to vector<128x128xf32>
    %mul3A_894 = arith.mulf %select_n3A_862, %get3A_893 : vector<128x128xf32>
    %get3A_895 = arith.constant 1 : index
    %get3A_896 = arith.constant 0 : index
    %get3A_897 = arith.constant 0 : index
    %get3A_898 = vector.load %arg5[%get3A_895, %get3A_896, %get3A_897] : memref<8x128x128xf32, #tpu.memory_space<vmem>>, vector<1x128x128xf32>
    %get3A_899 = vector.shape_cast %get3A_898 : vector<1x128x128xf32> to vector<128x128xf32>
    %add3A_900 = arith.addf %mul3A_894, %get3A_899 : vector<128x128xf32>
    %tanh3A_901 = math.tanh %add3A_900 : vector<128x128xf32>
    %mul3A_902 = arith.mulf %add3A_900, %tanh3A_901 : vector<128x128xf32>
    %add3A_903 = arith.addf %add3A_900, %mul3A_902 : vector<128x128xf32>
    %slice3A_904 = vector.extract_strided_slice %mul3A_230 {offsets = [0, 384], sizes = [1, 128], strides = [1, 1]} : vector<1x512xf32> to vector<1x128xf32>
    %broadcast_in_dim3A_905 = vector.shape_cast %slice3A_904 : vector<1x128xf32> to vector<1x128xf32>
    %broadcast_in_dim3A_906 = vector.broadcast %broadcast_in_dim3A_905 : vector<1x128xf32> to vector<128x128xf32>
    %slice3A_907 = vector.extract_strided_slice %mul3A_238 {offsets = [0, 384], sizes = [1, 128], strides = [1, 1]} : vector<1x512xf32> to vector<1x128xf32>
    %broadcast_in_dim3A_908 = vector.shape_cast %slice3A_907 : vector<1x128xf32> to vector<1x128xf32>
    %broadcast_in_dim3A_909 = vector.broadcast %broadcast_in_dim3A_908 : vector<1x128xf32> to vector<128x128xf32>
    %select_n3A_910 = arith.select %lt3A_246, %broadcast_in_dim3A_906, %broadcast_in_dim3A_909 : vector<128x128xi1>, vector<128x128xf32>
    %mul3A_911 = arith.mulf %select_n3A_910, %add3A_903 : vector<128x128xf32>
    %add3A_912 = arith.addf %add3A_888, %mul3A_911 : vector<128x128xf32>
    %get3A_913 = arith.constant 2 : index
    %get3A_914 = arith.constant 0 : index
    %get3A_915 = arith.constant 0 : index
    %get3A_916 = vector.load %arg4[%get3A_913, %get3A_914, %get3A_915] : memref<8x128x128xf32, #tpu.memory_space<vmem>>, vector<1x128x128xf32>
    %get3A_917 = vector.shape_cast %get3A_916 : vector<1x128x128xf32> to vector<128x128xf32>
    %mul3A_918 = arith.mulf %select_n3A_862, %get3A_917 : vector<128x128xf32>
    %get3A_919 = arith.constant 2 : index
    %get3A_920 = arith.constant 0 : index
    %get3A_921 = arith.constant 0 : index
    %get3A_922 = vector.load %arg5[%get3A_919, %get3A_920, %get3A_921] : memref<8x128x128xf32, #tpu.memory_space<vmem>>, vector<1x128x128xf32>
    %get3A_923 = vector.shape_cast %get3A_922 : vector<1x128x128xf32> to vector<128x128xf32>
    %add3A_924 = arith.addf %mul3A_918, %get3A_923 : vector<128x128xf32>
    %tanh3A_925 = math.tanh %add3A_924 : vector<128x128xf32>
    %mul3A_926 = arith.mulf %add3A_924, %tanh3A_925 : vector<128x128xf32>
    %add3A_927 = arith.addf %add3A_924, %mul3A_926 : vector<128x128xf32>
    %slice3A_928 = vector.extract_strided_slice %mul3A_231 {offsets = [0, 384], sizes = [1, 128], strides = [1, 1]} : vector<1x512xf32> to vector<1x128xf32>
    %broadcast_in_dim3A_929 = vector.shape_cast %slice3A_928 : vector<1x128xf32> to vector<1x128xf32>
    %broadcast_in_dim3A_930 = vector.broadcast %broadcast_in_dim3A_929 : vector<1x128xf32> to vector<128x128xf32>
    %slice3A_931 = vector.extract_strided_slice %mul3A_239 {offsets = [0, 384], sizes = [1, 128], strides = [1, 1]} : vector<1x512xf32> to vector<1x128xf32>
    %broadcast_in_dim3A_932 = vector.shape_cast %slice3A_931 : vector<1x128xf32> to vector<1x128xf32>
    %broadcast_in_dim3A_933 = vector.broadcast %broadcast_in_dim3A_932 : vector<1x128xf32> to vector<128x128xf32>
    %select_n3A_934 = arith.select %lt3A_246, %broadcast_in_dim3A_930, %broadcast_in_dim3A_933 : vector<128x128xi1>, vector<128x128xf32>
    %mul3A_935 = arith.mulf %select_n3A_934, %add3A_927 : vector<128x128xf32>
    %add3A_936 = arith.addf %add3A_912, %mul3A_935 : vector<128x128xf32>
    %get3A_937 = arith.constant 3 : index
    %get3A_938 = arith.constant 0 : index
    %get3A_939 = arith.constant 0 : index
    %get3A_940 = vector.load %arg4[%get3A_937, %get3A_938, %get3A_939] : memref<8x128x128xf32, #tpu.memory_space<vmem>>, vector<1x128x128xf32>
    %get3A_941 = vector.shape_cast %get3A_940 : vector<1x128x128xf32> to vector<128x128xf32>
    %mul3A_942 = arith.mulf %select_n3A_862, %get3A_941 : vector<128x128xf32>
    %get3A_943 = arith.constant 3 : index
    %get3A_944 = arith.constant 0 : index
    %get3A_945 = arith.constant 0 : index
    %get3A_946 = vector.load %arg5[%get3A_943, %get3A_944, %get3A_945] : memref<8x128x128xf32, #tpu.memory_space<vmem>>, vector<1x128x128xf32>
    %get3A_947 = vector.shape_cast %get3A_946 : vector<1x128x128xf32> to vector<128x128xf32>
    %add3A_948 = arith.addf %mul3A_942, %get3A_947 : vector<128x128xf32>
    %tanh3A_949 = math.tanh %add3A_948 : vector<128x128xf32>
    %mul3A_950 = arith.mulf %add3A_948, %tanh3A_949 : vector<128x128xf32>
    %add3A_951 = arith.addf %add3A_948, %mul3A_950 : vector<128x128xf32>
    %slice3A_952 = vector.extract_strided_slice %mul3A_232 {offsets = [0, 384], sizes = [1, 128], strides = [1, 1]} : vector<1x512xf32> to vector<1x128xf32>
    %broadcast_in_dim3A_953 = vector.shape_cast %slice3A_952 : vector<1x128xf32> to vector<1x128xf32>
    %broadcast_in_dim3A_954 = vector.broadcast %broadcast_in_dim3A_953 : vector<1x128xf32> to vector<128x128xf32>
    %slice3A_955 = vector.extract_strided_slice %mul3A_240 {offsets = [0, 384], sizes = [1, 128], strides = [1, 1]} : vector<1x512xf32> to vector<1x128xf32>
    %broadcast_in_dim3A_956 = vector.shape_cast %slice3A_955 : vector<1x128xf32> to vector<1x128xf32>
    %broadcast_in_dim3A_957 = vector.broadcast %broadcast_in_dim3A_956 : vector<1x128xf32> to vector<128x128xf32>
    %select_n3A_958 = arith.select %lt3A_246, %broadcast_in_dim3A_954, %broadcast_in_dim3A_957 : vector<128x128xi1>, vector<128x128xf32>
    %mul3A_959 = arith.mulf %select_n3A_958, %add3A_951 : vector<128x128xf32>
    %add3A_960 = arith.addf %add3A_936, %mul3A_959 : vector<128x128xf32>
    %get3A_961 = arith.constant 4 : index
    %get3A_962 = arith.constant 0 : index
    %get3A_963 = arith.constant 0 : index
    %get3A_964 = vector.load %arg4[%get3A_961, %get3A_962, %get3A_963] : memref<8x128x128xf32, #tpu.memory_space<vmem>>, vector<1x128x128xf32>
    %get3A_965 = vector.shape_cast %get3A_964 : vector<1x128x128xf32> to vector<128x128xf32>
    %mul3A_966 = arith.mulf %select_n3A_862, %get3A_965 : vector<128x128xf32>
    %get3A_967 = arith.constant 4 : index
    %get3A_968 = arith.constant 0 : index
    %get3A_969 = arith.constant 0 : index
    %get3A_970 = vector.load %arg5[%get3A_967, %get3A_968, %get3A_969] : memref<8x128x128xf32, #tpu.memory_space<vmem>>, vector<1x128x128xf32>
    %get3A_971 = vector.shape_cast %get3A_970 : vector<1x128x128xf32> to vector<128x128xf32>
    %add3A_972 = arith.addf %mul3A_966, %get3A_971 : vector<128x128xf32>
    %tanh3A_973 = math.tanh %add3A_972 : vector<128x128xf32>
    %mul3A_974 = arith.mulf %add3A_972, %tanh3A_973 : vector<128x128xf32>
    %add3A_975 = arith.addf %add3A_972, %mul3A_974 : vector<128x128xf32>
    %slice3A_976 = vector.extract_strided_slice %mul3A_233 {offsets = [0, 384], sizes = [1, 128], strides = [1, 1]} : vector<1x512xf32> to vector<1x128xf32>
    %broadcast_in_dim3A_977 = vector.shape_cast %slice3A_976 : vector<1x128xf32> to vector<1x128xf32>
    %broadcast_in_dim3A_978 = vector.broadcast %broadcast_in_dim3A_977 : vector<1x128xf32> to vector<128x128xf32>
    %slice3A_979 = vector.extract_strided_slice %mul3A_241 {offsets = [0, 384], sizes = [1, 128], strides = [1, 1]} : vector<1x512xf32> to vector<1x128xf32>
    %broadcast_in_dim3A_980 = vector.shape_cast %slice3A_979 : vector<1x128xf32> to vector<1x128xf32>
    %broadcast_in_dim3A_981 = vector.broadcast %broadcast_in_dim3A_980 : vector<1x128xf32> to vector<128x128xf32>
    %select_n3A_982 = arith.select %lt3A_246, %broadcast_in_dim3A_978, %broadcast_in_dim3A_981 : vector<128x128xi1>, vector<128x128xf32>
    %mul3A_983 = arith.mulf %select_n3A_982, %add3A_975 : vector<128x128xf32>
    %add3A_984 = arith.addf %add3A_960, %mul3A_983 : vector<128x128xf32>
    %get3A_985 = arith.constant 5 : index
    %get3A_986 = arith.constant 0 : index
    %get3A_987 = arith.constant 0 : index
    %get3A_988 = vector.load %arg4[%get3A_985, %get3A_986, %get3A_987] : memref<8x128x128xf32, #tpu.memory_space<vmem>>, vector<1x128x128xf32>
    %get3A_989 = vector.shape_cast %get3A_988 : vector<1x128x128xf32> to vector<128x128xf32>
    %mul3A_990 = arith.mulf %select_n3A_862, %get3A_989 : vector<128x128xf32>
    %get3A_991 = arith.constant 5 : index
    %get3A_992 = arith.constant 0 : index
    %get3A_993 = arith.constant 0 : index
    %get3A_994 = vector.load %arg5[%get3A_991, %get3A_992, %get3A_993] : memref<8x128x128xf32, #tpu.memory_space<vmem>>, vector<1x128x128xf32>
    %get3A_995 = vector.shape_cast %get3A_994 : vector<1x128x128xf32> to vector<128x128xf32>
    %add3A_996 = arith.addf %mul3A_990, %get3A_995 : vector<128x128xf32>
    %tanh3A_997 = math.tanh %add3A_996 : vector<128x128xf32>
    %mul3A_998 = arith.mulf %add3A_996, %tanh3A_997 : vector<128x128xf32>
    %add3A_999 = arith.addf %add3A_996, %mul3A_998 : vector<128x128xf32>
    %slice3A_1000 = vector.extract_strided_slice %mul3A_234 {offsets = [0, 384], sizes = [1, 128], strides = [1, 1]} : vector<1x512xf32> to vector<1x128xf32>
    %broadcast_in_dim3A_1001 = vector.shape_cast %slice3A_1000 : vector<1x128xf32> to vector<1x128xf32>
    %broadcast_in_dim3A_1002 = vector.broadcast %broadcast_in_dim3A_1001 : vector<1x128xf32> to vector<128x128xf32>
    %slice3A_1003 = vector.extract_strided_slice %mul3A_242 {offsets = [0, 384], sizes = [1, 128], strides = [1, 1]} : vector<1x512xf32> to vector<1x128xf32>
    %broadcast_in_dim3A_1004 = vector.shape_cast %slice3A_1003 : vector<1x128xf32> to vector<1x128xf32>
    %broadcast_in_dim3A_1005 = vector.broadcast %broadcast_in_dim3A_1004 : vector<1x128xf32> to vector<128x128xf32>
    %select_n3A_1006 = arith.select %lt3A_246, %broadcast_in_dim3A_1002, %broadcast_in_dim3A_1005 : vector<128x128xi1>, vector<128x128xf32>
    %mul3A_1007 = arith.mulf %select_n3A_1006, %add3A_999 : vector<128x128xf32>
    %add3A_1008 = arith.addf %add3A_984, %mul3A_1007 : vector<128x128xf32>
    %get3A_1009 = arith.constant 6 : index
    %get3A_1010 = arith.constant 0 : index
    %get3A_1011 = arith.constant 0 : index
    %get3A_1012 = vector.load %arg4[%get3A_1009, %get3A_1010, %get3A_1011] : memref<8x128x128xf32, #tpu.memory_space<vmem>>, vector<1x128x128xf32>
    %get3A_1013 = vector.shape_cast %get3A_1012 : vector<1x128x128xf32> to vector<128x128xf32>
    %mul3A_1014 = arith.mulf %select_n3A_862, %get3A_1013 : vector<128x128xf32>
    %get3A_1015 = arith.constant 6 : index
    %get3A_1016 = arith.constant 0 : index
    %get3A_1017 = arith.constant 0 : index
    %get3A_1018 = vector.load %arg5[%get3A_1015, %get3A_1016, %get3A_1017] : memref<8x128x128xf32, #tpu.memory_space<vmem>>, vector<1x128x128xf32>
    %get3A_1019 = vector.shape_cast %get3A_1018 : vector<1x128x128xf32> to vector<128x128xf32>
    %add3A_1020 = arith.addf %mul3A_1014, %get3A_1019 : vector<128x128xf32>
    %tanh3A_1021 = math.tanh %add3A_1020 : vector<128x128xf32>
    %mul3A_1022 = arith.mulf %add3A_1020, %tanh3A_1021 : vector<128x128xf32>
    %add3A_1023 = arith.addf %add3A_1020, %mul3A_1022 : vector<128x128xf32>
    %slice3A_1024 = vector.extract_strided_slice %mul3A_235 {offsets = [0, 384], sizes = [1, 128], strides = [1, 1]} : vector<1x512xf32> to vector<1x128xf32>
    %broadcast_in_dim3A_1025 = vector.shape_cast %slice3A_1024 : vector<1x128xf32> to vector<1x128xf32>
    %broadcast_in_dim3A_1026 = vector.broadcast %broadcast_in_dim3A_1025 : vector<1x128xf32> to vector<128x128xf32>
    %slice3A_1027 = vector.extract_strided_slice %mul3A_243 {offsets = [0, 384], sizes = [1, 128], strides = [1, 1]} : vector<1x512xf32> to vector<1x128xf32>
    %broadcast_in_dim3A_1028 = vector.shape_cast %slice3A_1027 : vector<1x128xf32> to vector<1x128xf32>
    %broadcast_in_dim3A_1029 = vector.broadcast %broadcast_in_dim3A_1028 : vector<1x128xf32> to vector<128x128xf32>
    %select_n3A_1030 = arith.select %lt3A_246, %broadcast_in_dim3A_1026, %broadcast_in_dim3A_1029 : vector<128x128xi1>, vector<128x128xf32>
    %mul3A_1031 = arith.mulf %select_n3A_1030, %add3A_1023 : vector<128x128xf32>
    %add3A_1032 = arith.addf %add3A_1008, %mul3A_1031 : vector<128x128xf32>
    %get3A_1033 = arith.constant 7 : index
    %get3A_1034 = arith.constant 0 : index
    %get3A_1035 = arith.constant 0 : index
    %get3A_1036 = vector.load %arg4[%get3A_1033, %get3A_1034, %get3A_1035] : memref<8x128x128xf32, #tpu.memory_space<vmem>>, vector<1x128x128xf32>
    %get3A_1037 = vector.shape_cast %get3A_1036 : vector<1x128x128xf32> to vector<128x128xf32>
    %mul3A_1038 = arith.mulf %select_n3A_862, %get3A_1037 : vector<128x128xf32>
    %get3A_1039 = arith.constant 7 : index
    %get3A_1040 = arith.constant 0 : index
    %get3A_1041 = arith.constant 0 : index
    %get3A_1042 = vector.load %arg5[%get3A_1039, %get3A_1040, %get3A_1041] : memref<8x128x128xf32, #tpu.memory_space<vmem>>, vector<1x128x128xf32>
    %get3A_1043 = vector.shape_cast %get3A_1042 : vector<1x128x128xf32> to vector<128x128xf32>
    %add3A_1044 = arith.addf %mul3A_1038, %get3A_1043 : vector<128x128xf32>
    %tanh3A_1045 = math.tanh %add3A_1044 : vector<128x128xf32>
    %mul3A_1046 = arith.mulf %add3A_1044, %tanh3A_1045 : vector<128x128xf32>
    %add3A_1047 = arith.addf %add3A_1044, %mul3A_1046 : vector<128x128xf32>
    %slice3A_1048 = vector.extract_strided_slice %mul3A_236 {offsets = [0, 384], sizes = [1, 128], strides = [1, 1]} : vector<1x512xf32> to vector<1x128xf32>
    %broadcast_in_dim3A_1049 = vector.shape_cast %slice3A_1048 : vector<1x128xf32> to vector<1x128xf32>
    %broadcast_in_dim3A_1050 = vector.broadcast %broadcast_in_dim3A_1049 : vector<1x128xf32> to vector<128x128xf32>
    %slice3A_1051 = vector.extract_strided_slice %mul3A_244 {offsets = [0, 384], sizes = [1, 128], strides = [1, 1]} : vector<1x512xf32> to vector<1x128xf32>
    %broadcast_in_dim3A_1052 = vector.shape_cast %slice3A_1051 : vector<1x128xf32> to vector<1x128xf32>
    %broadcast_in_dim3A_1053 = vector.broadcast %broadcast_in_dim3A_1052 : vector<1x128xf32> to vector<128x128xf32>
    %select_n3A_1054 = arith.select %lt3A_246, %broadcast_in_dim3A_1050, %broadcast_in_dim3A_1053 : vector<128x128xi1>, vector<128x128xf32>
    %mul3A_1055 = arith.mulf %select_n3A_1054, %add3A_1047 : vector<128x128xf32>
    %add3A_1056 = arith.addf %add3A_1032, %mul3A_1055 : vector<128x128xf32>
    %transpose3A_1057 = tpu.transpose %add3A_1056, [1, 0] : vector<128x128xf32> -> vector<128x128xf32>
    %swap3A_1058 = arith.constant 384 : index
    %swap3A_1059 = arith.constant 0 : index
    %swap3A_1060 = vector.load %arg6[%swap3A_1058, %swap3A_1059] : memref<512x128xf32, #tpu.memory_space<vmem>>, vector<128x128xf32>
    tpu.vector_store %arg6[%swap3A_1058, %swap3A_1059], %transpose3A_1057 {strides = array<i32>} : memref<512x128xf32, #tpu.memory_space<vmem>>, vector<128x128xf32>,
    return
  }
  func.func @transform_0(%arg0: i32) -> (i32, i32, i32) {
    %c0_i32 = arith.constant 0 : i32
    %c0_i32_0 = arith.constant 0 : i32
    %c0_i32_1 = arith.constant 0 : i32
    return %arg0, %c0_i32, %c0_i32_0 : i32, i32, i32
  }
  func.func @transform_1(%arg0: i32) -> (i32, i32, i32) {
    %c0_i32 = arith.constant 0 : i32
    %c0_i32_0 = arith.constant 0 : i32
    %c0_i32_1 = arith.constant 0 : i32
    return %arg0, %c0_i32, %c0_i32_0 : i32, i32, i32
  }
  func.func @transform_2(%arg0: i32) -> (i32, i32) {
    %c0_i32 = arith.constant 0 : i32
    %c0_i32_0 = arith.constant 0 : i32
    %c0_i32_1 = arith.constant 0 : i32
    return %c0_i32, %c0_i32_0 : i32, i32
  }
  func.func @transform_3(%arg0: i32) -> (i32, i32, i32) {
    %c0_i32 = arith.constant 0 : i32
    %c0_i32_0 = arith.constant 0 : i32
    %c0_i32_1 = arith.constant 0 : i32
    %c0_i32_2 = arith.constant 0 : i32
    return %c0_i32, %c0_i32_0, %c0_i32_1 : i32, i32, i32
  }
  func.func @transform_4(%arg0: i32) -> (i32, i32, i32) {
    %c0_i32 = arith.constant 0 : i32
    %c0_i32_0 = arith.constant 0 : i32
    %c0_i32_1 = arith.constant 0 : i32
    %c0_i32_2 = arith.constant 0 : i32
    return %c0_i32, %c0_i32_0, %c0_i32_1 : i32, i32, i32
  }
  func.func @transform_5(%arg0: i32) -> (i32, i32) {
    %c0_i32 = arith.constant 0 : i32
    %c0_i32_0 = arith.constant 0 : i32
    return %arg0, %c0_i32 : i32, i32
  }
}

</mosaic_0001>

<sc_bundles>
// kernel: kernel.4.cloned.1.call-start
scs
__scs_entry_jumppad:
0x0: {  	(pc) =	sbr.rel $0x88, $3  }
0x1: {  	(tag) =	ssettag $0x0;
	lr =	simm.s32 $0x1  }
0x2: {  	[smem:$0x3F97] =	sst lr;
	_ =	strace $0xD0000000  }
0x3: {  	_ = 	snop  }
0x4: {  	_ = 	snop  }
0x5: {  	_ = 	snop  }
0x6: {  	_ = 	snop  }
0x7: {  	_ = 	snop  }
__scs_overlays_trampoline_lowered:
0x8: {  	[smem:$0x3FA6] =	sst s0  }
0x9: {  	[smem:$0x3FA7] =	sst s1  }
0xa: {  	[smem:$0x3FA8] =	sst s2  }
0xb: {  	[smem:$0x3FA9] =	sst s3  }
0xc: {  	[smem:$0x3FAA] =	sst s4  }
0xd: {  	[smem:$0x3FAB] =	sst s5  }
0xe: {  	[smem:$0x3FAC] =	sst s6  }
0xf: {  	[smem:$0x3FAD] =	sst s7  }
0x10: {  	[smem:$0x3FAE] =	sst s8  }
0x11: {  	[smem:$0x3FAF] =	sst s9;
	s0 =	simm.s32 @!p0 $0x0  }
0x12: {  	s1 =	sld [smem:$0x3F95];
	s0 =	simm.s32 @p0 $0x1  }
0x13: {  	[smem:$0x3FB0] =	sst s0;
	s0 =	simm.s32 @!p1 $0x0  }
0x14: {  	s2 =	sld [smem:$0x3F94];
	s0 =	simm.s32 @p1 $0x1  }
0x15: {  	[smem:$0x3FB1] =	sst s0;
	s0 =	simm.s32 @!p2 $0x0  }
0x16: {  	s3 =	sld [smem:$0x3FDB];
	s0 =	simm.s32 @p2 $0x1  }
0x17: {  	s4 =	simm.s32 $0x1BF5;
	[smem:$0x3FB3] =	sst s0  }
0x18: {  	s0 =	sld [smem:$0x3F96];
	_ =	swait.ge [sflag:s4], $0x0  }
0x19: {  	s7 =	sld [smem:$0x3F97]  }
0x1a: {  	s8 =	sadd.s32 $0xFFFFE003, lr  }
0x1b: {  	s9 =	sadd.s32 $0xFFFFFEF7, lr;
	s5 =	simm.s32 $0xFFFFFFFF;
	p2 =	slt.u32 s8, $0xFFFFF086  }
0x1c: {  	p1 =	slt.u32 s9, $0xF7A;
	s5 =	simm.s32 @!p2 $0x0  }
0x1d: {  	s5 =	simm.s32 @p1 $0x1;
	p0 =	seq.s32 s7, s2  }
0x1e: {  	s7 =	smul.u32 @!p0 $0xF7A, s2;
	p2 =	seq.s32 @!p0 s5, $0x0  }
0x1f: {  	s9 =	smul.u32 $0xF7A, s1;
	s8 =	simm.s32 @!p0 $0x1BF5;
	p2 =	por !p2, p0  }
0x20: {  	[sflag:s8] =	ssyncset.s32 @!p0 $0xFFFFF086;
	s6 =	sadd.s32 @!p0 s3, s7;
	s7 =	simm.s32 @!p0 $0x108  }
0x21: {  	s3 =	sadd.s32 s3, s9;
	s6 =	sadd.s32 @!p0 $0x88, s6;
	s7 =	simm.s32 @p2 $0x1082  }
0x22: {  	[simem:s7], [sflag:s8] =	dma.local @!p0 [hbm:s6], $0xF7A  }
0x23: {  	s9 =	sor.u32 $0xD0000000, s2;
	s6 =	simm.s32 $0x108;
	_ =	swait.ge @!p0 [sflag:s8], $0x0  }
0x24: {  	s3 =	sadd.s32 $0x88, s3;
	s6 =	simm.s32 @!p1 $0x1082;
	[sflag:s4] =	ssyncset.s32 $0xFFFFF086  }
0x25: {  	[simem:s6], [sflag:s4] =	dma.local [hbm:s3], $0xF7A  }
0x26: {  	[smem:$0x3F97] =	sst s1;
	(tag) =	ssettag s2;
	_ =	strace s9  }
0x27: {  	s1 =	sld [smem:$0x3FA7]  }
0x28: {  	s2 =	sld [smem:$0x3FA8]  }
0x29: {  	s4 =	sld [smem:$0x3FAA]  }
0x2a: {  	p0 =	seq.s32 s5, $0x0;
	s5 =	sld [smem:$0x3FAB]  }
0x2b: {  	s6 =	sld [smem:$0x3FAC]  }
0x2c: {  	s7 =	sld [smem:$0x3FAD]  }
0x2d: {  	s3 =	simm.s32 $0x108;
	s8 =	sld [smem:$0x3FAE]  }
0x2e: {  	s3 =	simm.s32 @!p0 $0x1082;
	s9 =	sld [smem:$0x3FAF]  }
0x2f: {  	lr =	sadd.s32 s0, s3;
	s0 =	sld [smem:$0x3FA6]  }
0x30: {  	s3 =	sld [smem:$0x3FA9]  }
0x31: {  	[smem:$0x3FB2] =	sst s10  }
0x32: {  	s10 =	sld [smem:$0x3FB0];
	_ =	sdelay $0x3  }
0x33: {  	p0 =	seq.s32 s10, $0x1;
	s10 =	sld [smem:$0x3FB2];
	_ =	sdelay $0x3  }
0x34: {  	[smem:$0x3FB2] =	sst s10  }
0x35: {  	s10 =	sld [smem:$0x3FB1];
	_ =	sdelay $0x3  }
0x36: {  	p1 =	seq.s32 s10, $0x1;
	s10 =	sld [smem:$0x3FB2];
	_ =	sdelay $0x3  }
0x37: {  	[smem:$0x3FB2] =	sst s10  }
0x38: {  	s10 =	sld [smem:$0x3FB3]  }
0x39: {  	_ = 	snop;
	(pc) =	sbr.ind lr, $3  }
0x3a: {  	_ = 	snop  }
0x3b: {  	_ = 	snop  }
0x3c: {  	p2 =	seq.s32 s10, $0x1;
	s10 =	sld [smem:$0x3FB2]  }
0x3d: {  	_ =	shalt  }
0x3e: {  	_ =	shalt  }
0x3f: {  	_ =	shalt  }
0x40: {  	_ =	shalt  }
0x41: {  	_ =	shalt  }
0x42: {  	_ =	shalt  }
0x43: {  	_ =	shalt  }
0x44: {  	_ =	shalt  }
0x45: {  	_ =	shalt  }
0x46: {  	_ =	shalt  }
0x47: {  	_ =	shalt  }
0x48: {  	_ =	shalt  }
0x49: {  	_ =	shalt  }
0x4a: {  	_ =	shalt  }
0x4b: {  	_ =	shalt  }
0x4c: {  	_ =	shalt  }
0x4d: {  	_ =	shalt  }
0x4e: {  	_ =	shalt  }
0x4f: {  	_ =	shalt  }
0x50: {  	_ =	shalt  }
0x51: {  	_ =	shalt  }
0x52: {  	_ =	shalt  }
0x53: {  	_ =	shalt  }
0x54: {  	_ =	shalt  }
0x55: {  	_ =	shalt  }
0x56: {  	_ =	shalt  }
0x57: {  	_ =	shalt  }
0x58: {  	_ =	shalt  }
0x59: {  	_ =	shalt  }
0x5a: {  	_ =	shalt  }
0x5b: {  	_ =	shalt  }
0x5c: {  	_ =	shalt  }
0x5d: {  	_ =	shalt  }
0x5e: {  	_ =	shalt  }
0x5f: {  	_ =	shalt  }
0x60: {  	_ =	shalt  }
0x61: {  	_ =	shalt  }
0x62: {  	_ =	shalt  }
0x63: {  	_ =	shalt  }
0x64: {  	_ =	shalt  }
0x65: {  	_ =	shalt  }
0x66: {  	_ =	shalt  }
0x67: {  	_ =	shalt  }
0x68: {  	_ =	shalt  }
0x69: {  	_ =	shalt  }
0x6a: {  	_ =	shalt  }
0x6b: {  	_ =	shalt  }
0x6c: {  	_ =	shalt  }
0x6d: {  	_ =	shalt  }
0x6e: {  	_ =	shalt  }
0x6f: {  	_ =	shalt  }
0x70: {  	_ =	shalt  }
0x71: {  	_ =	shalt  }
0x72: {  	_ =	shalt  }
0x73: {  	_ =	shalt  }
0x74: {  	_ =	shalt  }
0x75: {  	_ =	shalt  }
0x76: {  	_ =	shalt  }
0x77: {  	_ =	shalt  }
0x78: {  	_ =	shalt  }
0x79: {  	_ =	shalt  }
0x7a: {  	_ =	shalt  }
0x7b: {  	_ =	shalt  }
0x7c: {  	_ =	shalt  }
0x7d: {  	_ =	shalt  }
0x7e: {  	_ =	shalt  }
0x7f: {  	_ =	shalt  }
0x80: {  	_ =	shalt  }
0x81: {  	_ =	shalt  }
0x82: {  	_ =	shalt  }
0x83: {  	_ =	shalt  }
0x84: {  	_ =	shalt  }
0x85: {  	_ =	shalt  }
0x86: {  	_ =	shalt  }
0x87: {  	_ =	shalt  }
.Lfunc_end0:
.L_simem_size_0:
called_computation_lowered:
.L_overlay_start_0:
0x88: {  	s2 =	sld [smem:$0x3FD9]  }
0x89: {  	s3 =	sld [smem:$0x3FFE];
	_ =	sdelay $0x1  }
0x8a: {  	s1 =	srdreg.scid  }
0x8b: {  	s0 =	sand.u32 $0x1, s1  }
0x8c: {  	s17 =	sshll.u32 s0, $0xA;
	s2 =	sadd.s32 s3, s2  }
0x8d: {  	s2 =	sadd.s32 s2, s17  }
0x8e: {  	[smem:$0x3FBE] =	sst s2  }
0x8f: {  	_ = 	snop  }
0x90: {  	s2 =	sld [smem:$0x3FD0];
	(tm) =	ssettm $0x1  }
0x91: {  	s18 =	sld [smem:$0x3FFB];
	_ =	sdelay $0x3  }
0x92: {  	_ =	strace s18  }
0x93: {  	s3 =	sld [smem:$0x3FFC];
	_ =	sdelay $0x3  }
0x94: {  	_ =	strace s3  }
0x95: {  	s3 =	sld [smem:$0x3FFD];
	_ =	sdelay $0x3  }
0x96: {  	_ =	strace s3  }
0x97: {  	_ =	strace $0x8FFFFFFF  }
0x98: {  	s19 =	sld [smem:$0x3FDB];
	_ =	sdelay $0x1  }
0x99: {  	s4 =	simm.s32 $_scs_section_size  }
0x9a: {  	s5 =	simm.s32 $_size__tile_overlayer_lowered;
	s6 =	simm.s32 $_tile_overlayer_lowered  }
0x9b: {  	s22 =	simm.s32 $0x1BFF;
	s21 =	sshll.u32 s6, $0x1;
	s3 =	sadd.s32 s4, s19  }
0x9c: {  	s7 =	simm.s32 $0x0;
	s20 =	sshll.u32 s5, $0x1;
	s5 =	sadd.s32 s21, s3  }
0x9d: {  	[timem:s7], [sflag:s22] =	dma.local [hbm:s5], s20  }
0x9e: {  	_ =	swait.ge [sflag:s22], s20  }
0x9f: {  	s4 =	ssub.s32 $0x0, s20;
	[sflag:s22] =	ssyncset.done $0x0  }
0xa0: {  	[sflag:s22] =	ssyncadd.s32 s4;
	_ =	sdelay $0x1  }
0xa1: {  	s23 =	simm.s32 $0x1B8B  }
0xa2: {  	_ =	swait.ge [sflag:s23], $0x1  }
0xa3: {  	[sflag:s23] =	ssyncset.done $0x0  }
0xa4: {  	s25 =	simm.s32 $0x1B8E;
	s24 =	sld [smem:$0x3FFE];
	[sflag:s23] =	ssyncadd.s32 $0xFFFFFFFF  }
0xa5: {  	s26 =	simm.s32 $execute0_lowered;
	[smem:$0x3FD2] =	sst s25  }
0xa6: {  	s5 =	sshll.u32 s26, $0x1;
	_ =	strace $0x80000046;
	[dreg:$0x1] =	wrdreg $0xFFFFFFFF  }
0xa7: {  	s28 =	simm.s32 $_size_execute0_lowered;
	s3 =	sadd.s32 s3, s5;
	[dreg:$0x0] =	wrdreg $0x0  }
0xa8: {  	s5 =	sshll.u32 s28, $0x1;
	[dreg:$0x2] =	wrdreg s3  }
0xa9: {  	[dreg:$0x3] =	wrdreg s5  }
0xaa: {  	[dreg:$0x4] =	wrdreg $0xC0  }
0xab: {  	_ =	task [dreg:s7], $0x5FFFF  }
0xac: {  	[dreg:$0x1] =	wrdreg $0xFFFFFFFF  }
0xad: {  	[dreg:$0x0] =	wrdreg $0x60  }
0xae: {  	[dreg:$0x2] =	wrdreg s2  }
0xaf: {  	[dreg:$0x3] =	wrdreg s24  }
0xb0: {  	[dreg:$0x4] =	wrdreg $0x9  }
0xb1: {  	_ =	task.clear_ibuf [dreg:s7], $0x5FFFF;
	_ =	strace $0x90000046  }
0xb2: {  	s29 =	simm.s32 $0x9;
	_ =	strace $0x80000048  }
0xb3: {  	_ =	swait.ge [sflag:s29], $0x1  }
0xb4: {  	[sflag:s29] =	ssyncadd.s32 $0xFFFFFFFF  }
0xb5: {  	_ =	strace $0x90000048  }
0xb6: {  	_ =	sfence  }
0xb7: {  	s30 =	sld [smem:$0x0];
	_ =	sdelay $0x2  }
0xb8: {  	s31 =	sshll.u32 s1, $0xD;
	s1 =	sshrl.u32 s1, $0x2  }
0xb9: {  	s3 =	sand.u32 $0x4000, s31;
	s1 =	sadd.s32 s1, s30  }
0xba: {  	s0 =	sor.u32 s3, s0;
	s1 =	sshll.u32 s1, $0x11  }
0xbb: {  	s0 =	sor.u32 s1, s0  }
0xbc: {  	s0 =	sadd.s32 $0x8F2B, s0  }
0xbd: {  	[sflag:s0] =	ssyncadd.remote.s32 $0x1  }
0xbe: {  	_ =	sfence.sel $0xFFFF  }
0xbf: {  	[dreg:$0x0] =	wrdreg $0xFFFFFFFF;
	(pc) =	sbr.abs _section_cstart, $3  }
0xc0: {  	[dreg:$0x1] =	wrdreg $0xFFFFFFFF  }
0xc1: {  	_ =	task.clear_ibuf [dreg:s7], $0x2FFFF;
	_ =	strace $0x9FFFFFFF  }
0xc2: {  	(tm) =	ssettm $0x7FFFFFFF  }
0xc3: {  	_ =	shalt  }
tec
execute0_lowered:
.L_overlay_start_1:
0x0: {  	(tag) =	ssettag $0x1  }
0x1: {  	s4 =	rddreg [dreg:$0x0]  }
0x2: {  	s5 =	rddreg [dreg:$0x1];
	s2 =	srdreg.scid  }
0x3: {  	s0 =	rddreg [dreg:$0x2];
	s1 =	stileid.u32  }
0x4: {  	s11 =	simm.s32 $0xB80;
	s12 =	simm.s32 $0x0;
	s3 =	sand.u32 $0x1, s2  }
0x5: {  	s2 =	simm.s32 $0x0;
	s6 =	sshll.u32 s1, $0x9;
	s7 =	sshll.u32 s3, $0x8  }
0x6: {  	[smem:$0x7FF] =	sst s2;
	s8 =	ssub.s32 $0x2, s3;
	s3 =	sadd.s32 $0xC00, s5  }
0x7: {  	s6 =	sor.u32 s7, s6;
	_ =	strace $0x80000047;
	s10 =	sshrl.u32 s8, $0x1  }
0x8: {  	s7 =	sshrl.u32 s6, $0x3;
	s6 =	sshll.u32 s6, $0x4;
	s8 =	ssub.s32 s8, s10  }
0x9: {  	s10 =	simm.s32 $0xA00;
	s9 =	sadd.s32 s7, s5;
	s6 =	sadd.s32 s6, s5  }
0xa: {  	s4 =	sadd.s32 s4, s7;
	s7 =	smax.u32 s8, $0x1;
	s8 =	simm.s32 $0x1  }
0xb: {  	s5 =	sadd.s32 $0x800, s9;
	s6 =	sadd.s32 $0xE00, s6;
	s9 =	simm.s32 $0x880  }
.LBB2_1:
0xc: {  	[tilespmem:s2], [sflag:$0x1] =	stream.linear.gather [hbm4b:s3+s2], $0x880, $0x38;
	[tilespmem:$0x8B80] =	vst v63  }
0xd: {  	_ =	swait.ge [sflag:s8], $0x880  }
0xe: {  	[sflag:s8] =	ssyncset.done $0x0  }
0xf: {  	[sflag:s8] =	ssyncadd.s32 $0xFFFFF780  }
0x10: {  	[tilespmem:s9], [sflag:$0x1] =	stream.linear.gather [hbm4b:s4+s2], $0x100, $0x38;
	[tilespmem:$0x8B80] =	vst v63  }
0x11: {  	_ =	swait.ge [sflag:s8], $0x100  }
0x12: {  	[sflag:s8] =	ssyncset.done $0x0  }
0x13: {  	[sflag:s8] =	ssyncadd.s32 $0xFFFFFF00  }
0x14: {  	[tilespmem:s10], [sflag:$0x1] =	stream.linear.gather [hbm4b:s5+s2], $0x100, $0x38;
	[tilespmem:$0x8B80] =	vst v63  }
0x15: {  	_ =	swait.ge [sflag:s8], $0x100  }
0x16: {  	[sflag:s8] =	ssyncset.done $0x0  }
0x17: {  	s13 =	simm.s32 $0xBC0;
	s14 =	simm.s32 $0x0;
	[sflag:s8] =	ssyncadd.s32 $0xFFFFFF00  }
.LBB2_2:
0x18: {  	v1 =	vld [tilespmem:$0x0]  }
0x19: {  	s15 =	sshra.s32 s14, $0x2;
	v2 =	vld [tilespmem:$0x20]  }
0x1a: {  	v3 =	vld.msk [tilespmem:s15+$0x880 ss:$0x0], $0xffff  }
0x1b: {  	v0 =	vld.msk [tilespmem:s15+$0xA00 ss:$0x0], $0xffff  }
0x1c: {  	v4 =	vld [tilespmem:$0x10]  }
0x1d: {  	v5 =	vld [tilespmem:$0x30];
	_ =	sdelay $0x1  }
0x1e: {  	v1 =	vmul.f32 v1, v3  }
0x1f: {  	v2 =	vmul.f32 v2, v0  }
0x20: {  	v1 =	vadd.f32 v4, v1  }
0x21: {  	v2 =	vadd.f32 v5, v2  }
0x22: {  	(xrf0) =	vmax.scan.msk.f32 $0xffff, v1  }
0x23: {  	(xrf0) =	vmax.scan.msk.f32 $0xffff, v2;
	_ =	sdelay $0x4  }
0x24: {  	v30, _, _ =	vpop (xrf0)  }
0x25: {  	v4 =	vbroadcast v30, $0xF;
	v31, _, _ =	vpop (xrf0)  }
0x26: {  	v5 =	vbroadcast v31, $0xF  }
0x27: {  	v1 =	vsub.f32 v1, v4  }
0x28: {  	v2 =	vsub.f32 v2, v5  }
0x29: {  	v1 =	vmul.f32 $1.442695020e+00, v1  }
0x2a: {  	v2 =	vmul.f32 $1.442695020e+00, v2  }
0x2b: {  	(erf) = vpow2.f32 v1  }
0x2c: {  	(erf) = vpow2.f32 v2;
	_ =	sdelay $0x7  }
0x2d: {  	v32 =	vpop (erf)  }
0x2e: {  	v1 =	vpop (erf);
	(xrf2) =	vadd.scan.msk.f32 $0xffff, v32  }
0x2f: {  	(xrf2) =	vadd.scan.msk.f32 $0xffff, v1  }
0x30: {  	v33 =	vld [tilespmem:$0x40];
	_ =	sdelay $0x1  }
0x31: {  	v34 =	vld [tilespmem:$0x440];
	_ =	sdelay $0x2  }
0x32: {  	v2 =	vmul.f32 v33, v3;
	_ =	sdelay $0x1  }
0x33: {  	v5 =	vadd.f32 v34, v2  }
0x34: {  	v35, _, _ =	vpop (xrf2)  }
0x35: {  	v7 =	vsub.f32 $0.0e+00, v5;
	v2 =	vbroadcast v35, $0xF;
	v6, _, _ =	vpop (xrf2)  }
0x36: {  	v6 =	vbroadcast v6, $0xF  }
0x37: {  	v36 =	vmul.f32 $1.442695020e+00, v7;
	(erf) = vrcp.f32 v2  }
0x38: {  	v37 =	vld [tilespmem:$0xC0];
	(erf) = vrcp.f32 v6  }
0x39: {  	(erf) = vpow2.f32 v36;
	_ =	sdelay $0x1  }
0x3a: {  	v38 =	vld [tilespmem:$0x4C0];
	_ =	sdelay $0x1  }
0x3b: {  	v2 =	vmul.f32 v37, v3;
	_ =	sdelay $0x2  }
0x3c: {  	v6 =	vadd.f32 v38, v2;
	v39 =	vpop (erf)  }
0x3d: {  	v2 =	vpop (erf)  }
0x3e: {  	v9 =	vsub.f32 $0.0e+00, v6;
	v8 =	vpop (erf)  }
0x3f: {  	v8 =	vadd.f32 $1.000000000e+00, v8  }
0x40: {  	v9 =	vmul.f32 $1.442695020e+00, v9  }
0x41: {  	(erf) = vrcp.f32 v8  }
0x42: {  	v40 =	vld [tilespmem:$0x140];
	(erf) = vpow2.f32 v9;
	_ =	sdelay $0x1  }
0x43: {  	v41 =	vld [tilespmem:$0x540];
	_ =	sdelay $0x2  }
0x44: {  	v8 =	vmul.f32 v40, v3;
	_ =	sdelay $0x1  }
0x45: {  	v8 =	vadd.f32 v41, v8  }
0x46: {  	v42 =	vpop (erf)  }
0x47: {  	v11 =	vsub.f32 $0.0e+00, v8;
	v10 =	vpop (erf)  }
0x48: {  	v10 =	vadd.f32 $1.000000000e+00, v10  }
0x49: {  	v11 =	vmul.f32 $1.442695020e+00, v11  }
0x4a: {  	(erf) = vrcp.f32 v10  }
0x4b: {  	v43 =	vld [tilespmem:$0x1C0];
	(erf) = vpow2.f32 v11;
	_ =	sdelay $0x1  }
0x4c: {  	v44 =	vld [tilespmem:$0x5C0];
	_ =	sdelay $0x2  }
0x4d: {  	v10 =	vmul.f32 v43, v3;
	_ =	sdelay $0x1  }
0x4e: {  	v10 =	vadd.f32 v44, v10  }
0x4f: {  	v45 =	vpop (erf)  }
0x50: {  	v13 =	vsub.f32 $0.0e+00, v10;
	v12 =	vpop (erf)  }
0x51: {  	v12 =	vadd.f32 $1.000000000e+00, v12  }
0x52: {  	v13 =	vmul.f32 $1.442695020e+00, v13  }
0x53: {  	(erf) = vrcp.f32 v12  }
0x54: {  	v46 =	vld [tilespmem:$0x240];
	(erf) = vpow2.f32 v13;
	_ =	sdelay $0x1  }
0x55: {  	v47 =	vld [tilespmem:$0x640];
	_ =	sdelay $0x2  }
0x56: {  	v12 =	vmul.f32 v46, v3;
	_ =	sdelay $0x1  }
0x57: {  	v12 =	vadd.f32 v47, v12  }
0x58: {  	v48 =	vpop (erf)  }
0x59: {  	v15 =	vsub.f32 $0.0e+00, v12;
	v14 =	vpop (erf)  }
0x5a: {  	v14 =	vadd.f32 $1.000000000e+00, v14  }
0x5b: {  	v15 =	vmul.f32 $1.442695020e+00, v15  }
0x5c: {  	(erf) = vrcp.f32 v14  }
0x5d: {  	v49 =	vld [tilespmem:$0x2C0];
	(erf) = vpow2.f32 v15;
	_ =	sdelay $0x1  }
0x5e: {  	v50 =	vld [tilespmem:$0x6C0];
	_ =	sdelay $0x2  }
0x5f: {  	v14 =	vmul.f32 v49, v3;
	_ =	sdelay $0x1  }
0x60: {  	v14 =	vadd.f32 v50, v14  }
0x61: {  	v51 =	vpop (erf)  }
0x62: {  	v17 =	vsub.f32 $0.0e+00, v14;
	v16 =	vpop (erf)  }
0x63: {  	v16 =	vadd.f32 $1.000000000e+00, v16  }
0x64: {  	v17 =	vmul.f32 $1.442695020e+00, v17  }
0x65: {  	(erf) = vrcp.f32 v16  }
0x66: {  	v52 =	vld [tilespmem:$0x340];
	(erf) = vpow2.f32 v17;
	_ =	sdelay $0x1  }
0x67: {  	v53 =	vld [tilespmem:$0x740];
	_ =	sdelay $0x2  }
0x68: {  	v16 =	vmul.f32 v52, v3;
	_ =	sdelay $0x1  }
0x69: {  	v16 =	vadd.f32 v53, v16  }
0x6a: {  	v54 =	vpop (erf)  }
0x6b: {  	v19 =	vsub.f32 $0.0e+00, v16;
	v18 =	vpop (erf)  }
0x6c: {  	v18 =	vadd.f32 $1.000000000e+00, v18  }
0x6d: {  	v19 =	vmul.f32 $1.442695020e+00, v19  }
0x6e: {  	(erf) = vrcp.f32 v18  }
0x6f: {  	v55 =	vld [tilespmem:$0x3C0];
	(erf) = vpow2.f32 v19;
	_ =	sdelay $0x1  }
0x70: {  	v56 =	vld [tilespmem:$0x7C0];
	_ =	sdelay $0x2  }
0x71: {  	v18 =	vmul.f32 v55, v3;
	_ =	sdelay $0x1  }
0x72: {  	v18 =	vadd.f32 v56, v18  }
0x73: {  	v57 =	vpop (erf)  }
0x74: {  	v21 =	vsub.f32 $0.0e+00, v18;
	v20 =	vpop (erf)  }
0x75: {  	v20 =	vadd.f32 $1.000000000e+00, v20  }
0x76: {  	v21 =	vmul.f32 $1.442695020e+00, v21  }
0x77: {  	(erf) = vrcp.f32 v20  }
0x78: {  	(erf) = vpow2.f32 v21;
	_ =	sdelay $0x5  }
0x79: {  	v58 =	vmul.f32 v39, v32;
	_ =	sdelay $0x1  }
0x7a: {  	v4 =	vbroadcast v58, $0x0;
	v59 =	vmul.f32 v42, v5;
	v60 =	vpop (erf)  }
0x7b: {  	v5 =	vbroadcast v58, $0x1;
	v61 =	vmul.f32 v45, v6;
	v62 =	vpop (erf)  }
0x7c: {  	v7 =	vmul.f32 v4, v59;
	v63 =	vadd.f32 $1.000000000e+00, v62  }
0x7d: {  	v6 =	vbroadcast v58, $0x2;
	v9 =	vmul.f32 v61, v5  }
0x7e: {  	v22 =	vadd.f32 $0.0e+00, v7;
	v8 =	vmul.f32 v48, v8;
	(erf) = vrcp.f32 v63  }
0x7f: {  	v7 =	vbroadcast v58, $0x3  }
0x80: {  	v9 =	vadd.f32 v22, v9;
	v13 =	vmul.f32 v8, v6;
	v10 =	vmul.f32 v51, v10  }
0x81: {  	v8 =	vbroadcast v58, $0x4  }
0x82: {  	v11 =	vadd.f32 v13, v9;
	v10 =	vmul.f32 v10, v7;
	v12 =	vmul.f32 v54, v12  }
0x83: {  	v9 =	vbroadcast v58, $0x5  }
0x84: {  	v11 =	vadd.f32 v10, v11;
	v12 =	vmul.f32 v12, v8;
	v22 =	vmul.f32 v57, v14  }
0x85: {  	v10 =	vbroadcast v58, $0x6  }
0x86: {  	v12 =	vadd.f32 v12, v11;
	v13 =	vmul.f32 v22, v9;
	v23 =	vmul.f32 v60, v16  }
0x87: {  	v11 =	vbroadcast v58, $0x7;
	v24 =	vpop (erf)  }
0x88: {  	v12 =	vadd.f32 v13, v12;
	v25 =	vmul.f32 v23, v10;
	v26 =	vmul.f32 v24, v18;
	_ =	sdelay $0x1  }
0x89: {  	v12 =	vadd.f32 v25, v12;
	v27 =	vmul.f32 v26, v11;
	_ =	sdelay $0x1  }
0x8a: {  	v12 =	vadd.f32 v27, v12;
	_ =	sdelay $0x1  }
0x8b: {  	[tilespmem:s13+$0xFFFFFFC0] =	vst v12  }
0x8c: {  	v12 =	vld [tilespmem:$0x50];
	_ =	sdelay $0x1  }
0x8d: {  	v28 =	vld [tilespmem:$0x450];
	_ =	sdelay $0x2  }
0x8e: {  	v12 =	vmul.f32 v12, v3;
	_ =	sdelay $0x1  }
0x8f: {  	v12 =	vadd.f32 v28, v12;
	_ =	sdelay $0x1  }
0x90: {  	v13 =	vsub.f32 $0.0e+00, v12;
	_ =	sdelay $0x1  }
0x91: {  	v13 =	vmul.f32 $1.442695020e+00, v13;
	_ =	sdelay $0x1  }
0x92: {  	v29 =	vld [tilespmem:$0xD0];
	(erf) = vpow2.f32 v13;
	_ =	sdelay $0x1  }
0x93: {  	v30 =	vld [tilespmem:$0x4D0];
	_ =	sdelay $0x2  }
0x94: {  	v13 =	vmul.f32 v29, v3;
	_ =	sdelay $0x1  }
0x95: {  	v13 =	vadd.f32 v30, v13;
	_ =	sdelay $0x1  }
0x96: {  	v32 =	vsub.f32 $0.0e+00, v13;
	v31 =	vpop (erf)  }
0x97: {  	v14 =	vadd.f32 $1.000000000e+00, v31  }
0x98: {  	v15 =	vmul.f32 $1.442695020e+00, v32  }
0x99: {  	(erf) = vrcp.f32 v14  }
0x9a: {  	v33 =	vld [tilespmem:$0x150];
	(erf) = vpow2.f32 v15;
	_ =	sdelay $0x1  }
0x9b: {  	v34 =	vld [tilespmem:$0x550];
	_ =	sdelay $0x2  }
0x9c: {  	v14 =	vmul.f32 v33, v3;
	_ =	sdelay $0x1  }
0x9d: {  	v14 =	vadd.f32 v34, v14  }
0x9e: {  	v35 =	vpop (erf)  }
0x9f: {  	v37 =	vsub.f32 $0.0e+00, v14;
	v36 =	vpop (erf)  }
0xa0: {  	v16 =	vadd.f32 $1.000000000e+00, v36  }
0xa1: {  	v17 =	vmul.f32 $1.442695020e+00, v37  }
0xa2: {  	(erf) = vrcp.f32 v16  }
0xa3: {  	v38 =	vld [tilespmem:$0x1D0];
	(erf) = vpow2.f32 v17;
	_ =	sdelay $0x1  }
0xa4: {  	v39 =	vld [tilespmem:$0x5D0];
	_ =	sdelay $0x2  }
0xa5: {  	v16 =	vmul.f32 v38, v3;
	_ =	sdelay $0x1  }
0xa6: {  	v16 =	vadd.f32 v39, v16  }
0xa7: {  	v40 =	vpop (erf)  }
0xa8: {  	v42 =	vsub.f32 $0.0e+00, v16;
	v41 =	vpop (erf)  }
0xa9: {  	v18 =	vadd.f32 $1.000000000e+00, v41  }
0xaa: {  	v19 =	vmul.f32 $1.442695020e+00, v42  }
0xab: {  	(erf) = vrcp.f32 v18  }
0xac: {  	v43 =	vld [tilespmem:$0x250];
	(erf) = vpow2.f32 v19;
	_ =	sdelay $0x1  }
0xad: {  	v44 =	vld [tilespmem:$0x650];
	_ =	sdelay $0x2  }
0xae: {  	v18 =	vmul.f32 v43, v3;
	_ =	sdelay $0x1  }
0xaf: {  	v18 =	vadd.f32 v44, v18  }
0xb0: {  	v45 =	vpop (erf)  }
0xb1: {  	v47 =	vsub.f32 $0.0e+00, v18;
	v46 =	vpop (erf)  }
0xb2: {  	v20 =	vadd.f32 $1.000000000e+00, v46  }
0xb3: {  	v21 =	vmul.f32 $1.442695020e+00, v47  }
0xb4: {  	(erf) = vrcp.f32 v20  }
0xb5: {  	v48 =	vld [tilespmem:$0x2D0];
	(erf) = vpow2.f32 v21;
	_ =	sdelay $0x1  }
0xb6: {  	v49 =	vld [tilespmem:$0x6D0];
	_ =	sdelay $0x2  }
0xb7: {  	v20 =	vmul.f32 v48, v3;
	_ =	sdelay $0x1  }
0xb8: {  	v20 =	vadd.f32 v49, v20  }
0xb9: {  	v50 =	vpop (erf)  }
0xba: {  	v23 =	vsub.f32 $0.0e+00, v20;
	v51 =	vpop (erf)  }
0xbb: {  	v22 =	vadd.f32 $1.000000000e+00, v51  }
0xbc: {  	v23 =	vmul.f32 $1.442695020e+00, v23  }
0xbd: {  	(erf) = vrcp.f32 v22  }
0xbe: {  	v52 =	vld [tilespmem:$0x350];
	(erf) = vpow2.f32 v23;
	_ =	sdelay $0x1  }
0xbf: {  	v53 =	vld [tilespmem:$0x750];
	_ =	sdelay $0x2  }
0xc0: {  	v22 =	vmul.f32 v52, v3;
	_ =	sdelay $0x1  }
0xc1: {  	v22 =	vadd.f32 v53, v22  }
0xc2: {  	v54 =	vpop (erf)  }
0xc3: {  	v25 =	vsub.f32 $0.0e+00, v22;
	v24 =	vpop (erf)  }
0xc4: {  	v24 =	vadd.f32 $1.000000000e+00, v24  }
0xc5: {  	v25 =	vmul.f32 $1.442695020e+00, v25  }
0xc6: {  	(erf) = vrcp.f32 v24  }
0xc7: {  	v55 =	vld [tilespmem:$0x3D0];
	(erf) = vpow2.f32 v25;
	_ =	sdelay $0x1  }
0xc8: {  	v56 =	vld [tilespmem:$0x7D0];
	_ =	sdelay $0x2  }
0xc9: {  	v24 =	vmul.f32 v55, v3;
	_ =	sdelay $0x1  }
0xca: {  	v24 =	vadd.f32 v56, v24  }
0xcb: {  	v57 =	vpop (erf)  }
0xcc: {  	v27 =	vsub.f32 $0.0e+00, v24;
	v26 =	vpop (erf)  }
0xcd: {  	v26 =	vadd.f32 $1.000000000e+00, v26  }
0xce: {  	v27 =	vmul.f32 $1.442695020e+00, v27  }
0xcf: {  	(erf) = vrcp.f32 v26  }
0xd0: {  	(erf) = vpow2.f32 v27;
	_ =	sdelay $0x7  }
0xd1: {  	v12 =	vmul.f32 v35, v12;
	v58 =	vpop (erf)  }
0xd2: {  	v13 =	vmul.f32 v40, v13;
	v59 =	vpop (erf)  }
0xd3: {  	v12 =	vmul.f32 v12, v4;
	v17 =	vadd.f32 $1.000000000e+00, v59  }
0xd4: {  	v13 =	vmul.f32 v13, v5  }
0xd5: {  	v12 =	vadd.f32 $0.0e+00, v12;
	v14 =	vmul.f32 v45, v14;
	(erf) = vrcp.f32 v17;
	_ =	sdelay $0x1  }
0xd6: {  	v12 =	vadd.f32 v13, v12;
	v60 =	vmul.f32 v14, v6;
	v61 =	vmul.f32 v50, v16;
	_ =	sdelay $0x1  }
0xd7: {  	v12 =	vadd.f32 v60, v12;
	v62 =	vmul.f32 v61, v7;
	v63 =	vmul.f32 v54, v18;
	_ =	sdelay $0x1  }
0xd8: {  	v12 =	vadd.f32 v62, v12;
	v16 =	vmul.f32 v63, v8;
	v17 =	vmul.f32 v57, v20;
	_ =	sdelay $0x1  }
0xd9: {  	v12 =	vadd.f32 v16, v12;
	v19 =	vmul.f32 v58, v22;
	v18 =	vmul.f32 v17, v9  }
0xda: {  	v20 =	vpop (erf)  }
0xdb: {  	v21 =	vmul.f32 v19, v10;
	v12 =	vadd.f32 v18, v12;
	v22 =	vmul.f32 v20, v24;
	_ =	sdelay $0x1  }
0xdc: {  	v12 =	vadd.f32 v21, v12;
	v23 =	vmul.f32 v22, v11;
	_ =	sdelay $0x1  }
0xdd: {  	v12 =	vadd.f32 v23, v12;
	_ =	sdelay $0x1  }
0xde: {  	[tilespmem:s13+$0xFFFFFFD0] =	vst v12  }
0xdf: {  	v12 =	vld [tilespmem:$0x60];
	_ =	sdelay $0x1  }
0xe0: {  	v24 =	vld [tilespmem:$0x460];
	_ =	sdelay $0x2  }
0xe1: {  	v12 =	vmul.f32 v12, v3;
	_ =	sdelay $0x1  }
0xe2: {  	v12 =	vadd.f32 v24, v12;
	_ =	sdelay $0x1  }
0xe3: {  	v13 =	vsub.f32 $0.0e+00, v12;
	_ =	sdelay $0x1  }
0xe4: {  	v13 =	vmul.f32 $1.442695020e+00, v13;
	_ =	sdelay $0x1  }
0xe5: {  	v25 =	vld [tilespmem:$0xE0];
	(erf) = vpow2.f32 v13;
	_ =	sdelay $0x1  }
0xe6: {  	v26 =	vld [tilespmem:$0x4E0];
	_ =	sdelay $0x2  }
0xe7: {  	v13 =	vmul.f32 v25, v3;
	_ =	sdelay $0x1  }
0xe8: {  	v13 =	vadd.f32 v26, v13;
	_ =	sdelay $0x1  }
0xe9: {  	v28 =	vsub.f32 $0.0e+00, v13;
	v27 =	vpop (erf)  }
0xea: {  	v14 =	vadd.f32 $1.000000000e+00, v27  }
0xeb: {  	v15 =	vmul.f32 $1.442695020e+00, v28  }
0xec: {  	(erf) = vrcp.f32 v14  }
0xed: {  	v29 =	vld [tilespmem:$0x160];
	(erf) = vpow2.f32 v15;
	_ =	sdelay $0x1  }
0xee: {  	v30 =	vld [tilespmem:$0x560];
	_ =	sdelay $0x2  }
0xef: {  	v14 =	vmul.f32 v29, v3;
	_ =	sdelay $0x1  }
0xf0: {  	v14 =	vadd.f32 v30, v14  }
0xf1: {  	v31 =	vpop (erf)  }
0xf2: {  	v33 =	vsub.f32 $0.0e+00, v14;
	v32 =	vpop (erf)  }
0xf3: {  	v16 =	vadd.f32 $1.000000000e+00, v32  }
0xf4: {  	v17 =	vmul.f32 $1.442695020e+00, v33  }
0xf5: {  	(erf) = vrcp.f32 v16  }
0xf6: {  	v34 =	vld [tilespmem:$0x1E0];
	(erf) = vpow2.f32 v17;
	_ =	sdelay $0x1  }
0xf7: {  	v35 =	vld [tilespmem:$0x5E0];
	_ =	sdelay $0x2  }
0xf8: {  	v16 =	vmul.f32 v34, v3;
	_ =	sdelay $0x1  }
0xf9: {  	v16 =	vadd.f32 v35, v16  }
0xfa: {  	v36 =	vpop (erf)  }
0xfb: {  	v38 =	vsub.f32 $0.0e+00, v16;
	v37 =	vpop (erf)  }
0xfc: {  	v18 =	vadd.f32 $1.000000000e+00, v37  }
0xfd: {  	v19 =	vmul.f32 $1.442695020e+00, v38  }
0xfe: {  	(erf) = vrcp.f32 v18  }
0xff: {  	v39 =	vld [tilespmem:$0x260];
	(erf) = vpow2.f32 v19;
	_ =	sdelay $0x1  }
0x100: {  	v40 =	vld [tilespmem:$0x660];
	_ =	sdelay $0x2  }
0x101: {  	v18 =	vmul.f32 v39, v3;
	_ =	sdelay $0x1  }
0x102: {  	v18 =	vadd.f32 v40, v18  }
0x103: {  	v41 =	vpop (erf)  }
0x104: {  	v43 =	vsub.f32 $0.0e+00, v18;
	v42 =	vpop (erf)  }
0x105: {  	v20 =	vadd.f32 $1.000000000e+00, v42  }
0x106: {  	v21 =	vmul.f32 $1.442695020e+00, v43  }
0x107: {  	(erf) = vrcp.f32 v20  }
0x108: {  	v44 =	vld [tilespmem:$0x2E0];
	(erf) = vpow2.f32 v21;
	_ =	sdelay $0x1  }
0x109: {  	v45 =	vld [tilespmem:$0x6E0];
	_ =	sdelay $0x2  }
0x10a: {  	v20 =	vmul.f32 v44, v3;
	_ =	sdelay $0x1  }
0x10b: {  	v20 =	vadd.f32 v45, v20  }
0x10c: {  	v46 =	vpop (erf)  }
0x10d: {  	v48 =	vsub.f32 $0.0e+00, v20;
	v47 =	vpop (erf)  }
0x10e: {  	v22 =	vadd.f32 $1.000000000e+00, v47  }
0x10f: {  	v23 =	vmul.f32 $1.442695020e+00, v48  }
0x110: {  	(erf) = vrcp.f32 v22  }
0x111: {  	v49 =	vld [tilespmem:$0x360];
	(erf) = vpow2.f32 v23;
	_ =	sdelay $0x1  }
0x112: {  	v50 =	vld [tilespmem:$0x760];
	_ =	sdelay $0x2  }
0x113: {  	v22 =	vmul.f32 v49, v3;
	_ =	sdelay $0x1  }
0x114: {  	v22 =	vadd.f32 v50, v22  }
0x115: {  	v51 =	vpop (erf)  }
0x116: {  	v53 =	vsub.f32 $0.0e+00, v22;
	v52 =	vpop (erf)  }
0x117: {  	v24 =	vadd.f32 $1.000000000e+00, v52  }
0x118: {  	v25 =	vmul.f32 $1.442695020e+00, v53  }
0x119: {  	(erf) = vrcp.f32 v24  }
0x11a: {  	v54 =	vld [tilespmem:$0x3E0];
	(erf) = vpow2.f32 v25;
	_ =	sdelay $0x1  }
0x11b: {  	v55 =	vld [tilespmem:$0x7E0];
	_ =	sdelay $0x2  }
0x11c: {  	v24 =	vmul.f32 v54, v3;
	_ =	sdelay $0x1  }
0x11d: {  	v24 =	vadd.f32 v55, v24  }
0x11e: {  	v56 =	vpop (erf)  }
0x11f: {  	v58 =	vsub.f32 $0.0e+00, v24;
	v57 =	vpop (erf)  }
0x120: {  	v26 =	vadd.f32 $1.000000000e+00, v57  }
0x121: {  	v27 =	vmul.f32 $1.442695020e+00, v58  }
0x122: {  	(erf) = vrcp.f32 v26  }
0x123: {  	(erf) = vpow2.f32 v27;
	_ =	sdelay $0x7  }
0x124: {  	v12 =	vmul.f32 v31, v12;
	v59 =	vpop (erf)  }
0x125: {  	v13 =	vmul.f32 v36, v13;
	v60 =	vpop (erf)  }
0x126: {  	v12 =	vmul.f32 v12, v4;
	v17 =	vadd.f32 $1.000000000e+00, v60  }
0x127: {  	v13 =	vmul.f32 v13, v5  }
0x128: {  	v12 =	vadd.f32 $0.0e+00, v12;
	v14 =	vmul.f32 v41, v14;
	(erf) = vrcp.f32 v17;
	_ =	sdelay $0x1  }
0x129: {  	v12 =	vadd.f32 v13, v12;
	v61 =	vmul.f32 v14, v6;
	v62 =	vmul.f32 v46, v16;
	_ =	sdelay $0x1  }
0x12a: {  	v12 =	vadd.f32 v61, v12;
	v63 =	vmul.f32 v62, v7;
	v16 =	vmul.f32 v51, v18;
	_ =	sdelay $0x1  }
0x12b: {  	v12 =	vadd.f32 v63, v12;
	v18 =	vmul.f32 v56, v20;
	v17 =	vmul.f32 v16, v8;
	_ =	sdelay $0x1  }
0x12c: {  	v19 =	vmul.f32 v18, v9;
	v20 =	vmul.f32 v59, v22;
	v12 =	vadd.f32 v17, v12  }
0x12d: {  	v21 =	vpop (erf)  }
0x12e: {  	v22 =	vmul.f32 v20, v10;
	v12 =	vadd.f32 v19, v12;
	v23 =	vmul.f32 v21, v24;
	_ =	sdelay $0x1  }
0x12f: {  	v12 =	vadd.f32 v22, v12;
	v24 =	vmul.f32 v23, v11;
	_ =	sdelay $0x1  }
0x130: {  	v12 =	vadd.f32 v24, v12;
	_ =	sdelay $0x1  }
0x131: {  	[tilespmem:s13+$0xFFFFFFE0] =	vst v12  }
0x132: {  	v12 =	vld [tilespmem:$0x70];
	_ =	sdelay $0x1  }
0x133: {  	v25 =	vld [tilespmem:$0x470];
	_ =	sdelay $0x2  }
0x134: {  	v12 =	vmul.f32 v12, v3;
	_ =	sdelay $0x1  }
0x135: {  	v12 =	vadd.f32 v25, v12;
	_ =	sdelay $0x1  }
0x136: {  	v13 =	vsub.f32 $0.0e+00, v12;
	_ =	sdelay $0x1  }
0x137: {  	v13 =	vmul.f32 $1.442695020e+00, v13;
	_ =	sdelay $0x1  }
0x138: {  	v26 =	vld [tilespmem:$0xF0];
	(erf) = vpow2.f32 v13;
	_ =	sdelay $0x1  }
0x139: {  	v27 =	vld [tilespmem:$0x4F0];
	_ =	sdelay $0x2  }
0x13a: {  	v13 =	vmul.f32 v26, v3;
	_ =	sdelay $0x1  }
0x13b: {  	v13 =	vadd.f32 v27, v13;
	_ =	sdelay $0x1  }
0x13c: {  	v29 =	vsub.f32 $0.0e+00, v13;
	v28 =	vpop (erf)  }
0x13d: {  	v14 =	vadd.f32 $1.000000000e+00, v28  }
0x13e: {  	v15 =	vmul.f32 $1.442695020e+00, v29  }
0x13f: {  	(erf) = vrcp.f32 v14  }
0x140: {  	v30 =	vld [tilespmem:$0x170];
	(erf) = vpow2.f32 v15;
	_ =	sdelay $0x1  }
0x141: {  	v31 =	vld [tilespmem:$0x570];
	_ =	sdelay $0x2  }
0x142: {  	v14 =	vmul.f32 v30, v3;
	_ =	sdelay $0x1  }
0x143: {  	v14 =	vadd.f32 v31, v14  }
0x144: {  	v32 =	vpop (erf)  }
0x145: {  	v34 =	vsub.f32 $0.0e+00, v14;
	v33 =	vpop (erf)  }
0x146: {  	v16 =	vadd.f32 $1.000000000e+00, v33  }
0x147: {  	v17 =	vmul.f32 $1.442695020e+00, v34  }
0x148: {  	(erf) = vrcp.f32 v16  }
0x149: {  	v35 =	vld [tilespmem:$0x1F0];
	(erf) = vpow2.f32 v17;
	_ =	sdelay $0x1  }
0x14a: {  	v36 =	vld [tilespmem:$0x5F0];
	_ =	sdelay $0x2  }
0x14b: {  	v16 =	vmul.f32 v35, v3;
	_ =	sdelay $0x1  }
0x14c: {  	v16 =	vadd.f32 v36, v16  }
0x14d: {  	v37 =	vpop (erf)  }
0x14e: {  	v39 =	vsub.f32 $0.0e+00, v16;
	v38 =	vpop (erf)  }
0x14f: {  	v18 =	vadd.f32 $1.000000000e+00, v38  }
0x150: {  	v19 =	vmul.f32 $1.442695020e+00, v39  }
0x151: {  	(erf) = vrcp.f32 v18  }
0x152: {  	v40 =	vld [tilespmem:$0x270];
	(erf) = vpow2.f32 v19;
	_ =	sdelay $0x1  }
0x153: {  	v41 =	vld [tilespmem:$0x670];
	_ =	sdelay $0x2  }
0x154: {  	v18 =	vmul.f32 v40, v3;
	_ =	sdelay $0x1  }
0x155: {  	v18 =	vadd.f32 v41, v18  }
0x156: {  	v42 =	vpop (erf)  }
0x157: {  	v44 =	vsub.f32 $0.0e+00, v18;
	v43 =	vpop (erf)  }
0x158: {  	v20 =	vadd.f32 $1.000000000e+00, v43  }
0x159: {  	v21 =	vmul.f32 $1.442695020e+00, v44  }
0x15a: {  	(erf) = vrcp.f32 v20  }
0x15b: {  	v45 =	vld [tilespmem:$0x2F0];
	(erf) = vpow2.f32 v21;
	_ =	sdelay $0x1  }
0x15c: {  	v46 =	vld [tilespmem:$0x6F0];
	_ =	sdelay $0x2  }
0x15d: {  	v20 =	vmul.f32 v45, v3;
	_ =	sdelay $0x1  }
0x15e: {  	v20 =	vadd.f32 v46, v20  }
0x15f: {  	v47 =	vpop (erf)  }
0x160: {  	v49 =	vsub.f32 $0.0e+00, v20;
	v48 =	vpop (erf)  }
0x161: {  	v22 =	vadd.f32 $1.000000000e+00, v48  }
0x162: {  	v23 =	vmul.f32 $1.442695020e+00, v49  }
0x163: {  	(erf) = vrcp.f32 v22  }
0x164: {  	v50 =	vld [tilespmem:$0x370];
	(erf) = vpow2.f32 v23;
	_ =	sdelay $0x1  }
0x165: {  	v51 =	vld [tilespmem:$0x770];
	_ =	sdelay $0x2  }
0x166: {  	v22 =	vmul.f32 v50, v3;
	_ =	sdelay $0x1  }
0x167: {  	v22 =	vadd.f32 v51, v22  }
0x168: {  	v52 =	vpop (erf)  }
0x169: {  	v54 =	vsub.f32 $0.0e+00, v22;
	v53 =	vpop (erf)  }
0x16a: {  	v24 =	vadd.f32 $1.000000000e+00, v53  }
0x16b: {  	v25 =	vmul.f32 $1.442695020e+00, v54  }
0x16c: {  	(erf) = vrcp.f32 v24  }
0x16d: {  	v55 =	vld [tilespmem:$0x3F0];
	(erf) = vpow2.f32 v25;
	_ =	sdelay $0x1  }
0x16e: {  	v56 =	vld [tilespmem:$0x7F0];
	_ =	sdelay $0x2  }
0x16f: {  	v3 =	vmul.f32 v55, v3;
	_ =	sdelay $0x1  }
0x170: {  	v3 =	vadd.f32 v56, v3  }
0x171: {  	v57 =	vpop (erf)  }
0x172: {  	v59 =	vsub.f32 $0.0e+00, v3;
	v58 =	vpop (erf)  }
0x173: {  	v25 =	vadd.f32 $1.000000000e+00, v58  }
0x174: {  	v26 =	vmul.f32 $1.442695020e+00, v59  }
0x175: {  	(erf) = vrcp.f32 v25  }
0x176: {  	(erf) = vpow2.f32 v26;
	_ =	sdelay $0x7  }
0x177: {  	v12 =	vmul.f32 v32, v12;
	v60 =	vpop (erf)  }
0x178: {  	v13 =	vmul.f32 v37, v13;
	v61 =	vpop (erf)  }
0x179: {  	v4 =	vmul.f32 v12, v4;
	v62 =	vadd.f32 $1.000000000e+00, v61  }
0x17a: {  	v5 =	vmul.f32 v13, v5  }
0x17b: {  	v4 =	vadd.f32 $0.0e+00, v4;
	v63 =	vmul.f32 v42, v14;
	(erf) = vrcp.f32 v62;
	_ =	sdelay $0x1  }
0x17c: {  	v4 =	vadd.f32 v5, v4;
	v17 =	vmul.f32 v63, v6;
	v19 =	vmul.f32 v47, v16;
	_ =	sdelay $0x1  }
0x17d: {  	v4 =	vadd.f32 v17, v4;
	v21 =	vmul.f32 v19, v7;
	v23 =	vmul.f32 v52, v18;
	_ =	sdelay $0x1  }
0x17e: {  	v4 =	vadd.f32 v21, v4;
	v25 =	vmul.f32 v23, v8;
	v26 =	vmul.f32 v57, v20;
	_ =	sdelay $0x1  }
0x17f: {  	v4 =	vadd.f32 v25, v4;
	v27 =	vmul.f32 v26, v9;
	v28 =	vmul.f32 v60, v22  }
0x180: {  	v29 =	vpop (erf)  }
0x181: {  	v4 =	vadd.f32 v27, v4;
	v30 =	vmul.f32 v28, v10;
	v3 =	vmul.f32 v29, v3;
	_ =	sdelay $0x1  }
0x182: {  	v4 =	vadd.f32 v30, v4;
	v3 =	vmul.f32 v3, v11;
	_ =	sdelay $0x1  }
0x183: {  	v3 =	vadd.f32 v3, v4;
	_ =	sdelay $0x1  }
0x184: {  	[tilespmem:s13+$0xFFFFFFF0] =	vst v3  }
0x185: {  	v3 =	vld [tilespmem:$0x80];
	_ =	sdelay $0x1  }
0x186: {  	v31 =	vld [tilespmem:$0x480];
	_ =	sdelay $0x2  }
0x187: {  	v3 =	vmul.f32 v3, v0;
	_ =	sdelay $0x1  }
0x188: {  	v3 =	vadd.f32 v31, v3;
	_ =	sdelay $0x1  }
0x189: {  	v4 =	vsub.f32 $0.0e+00, v3;
	_ =	sdelay $0x1  }
0x18a: {  	v4 =	vmul.f32 $1.442695020e+00, v4;
	_ =	sdelay $0x1  }
0x18b: {  	v32 =	vld [tilespmem:$0x100];
	(erf) = vpow2.f32 v4;
	_ =	sdelay $0x1  }
0x18c: {  	v33 =	vld [tilespmem:$0x500];
	_ =	sdelay $0x2  }
0x18d: {  	v4 =	vmul.f32 v32, v0;
	_ =	sdelay $0x1  }
0x18e: {  	v4 =	vadd.f32 v33, v4;
	_ =	sdelay $0x1  }
0x18f: {  	v35 =	vsub.f32 $0.0e+00, v4;
	v34 =	vpop (erf)  }
0x190: {  	v5 =	vadd.f32 $1.000000000e+00, v34  }
0x191: {  	v6 =	vmul.f32 $1.442695020e+00, v35  }
0x192: {  	(erf) = vrcp.f32 v5  }
0x193: {  	v36 =	vld [tilespmem:$0x180];
	(erf) = vpow2.f32 v6;
	_ =	sdelay $0x1  }
0x194: {  	v37 =	vld [tilespmem:$0x580];
	_ =	sdelay $0x2  }
0x195: {  	v5 =	vmul.f32 v36, v0;
	_ =	sdelay $0x1  }
0x196: {  	v5 =	vadd.f32 v37, v5  }
0x197: {  	v38 =	vpop (erf)  }
0x198: {  	v40 =	vsub.f32 $0.0e+00, v5;
	v39 =	vpop (erf)  }
0x199: {  	v7 =	vadd.f32 $1.000000000e+00, v39  }
0x19a: {  	v8 =	vmul.f32 $1.442695020e+00, v40  }
0x19b: {  	(erf) = vrcp.f32 v7  }
0x19c: {  	v41 =	vld [tilespmem:$0x200];
	(erf) = vpow2.f32 v8;
	_ =	sdelay $0x1  }
0x19d: {  	v42 =	vld [tilespmem:$0x600];
	_ =	sdelay $0x2  }
0x19e: {  	v7 =	vmul.f32 v41, v0;
	_ =	sdelay $0x1  }
0x19f: {  	v7 =	vadd.f32 v42, v7  }
0x1a0: {  	v43 =	vpop (erf)  }
0x1a1: {  	v45 =	vsub.f32 $0.0e+00, v7;
	v44 =	vpop (erf)  }
0x1a2: {  	v9 =	vadd.f32 $1.000000000e+00, v44  }
0x1a3: {  	v10 =	vmul.f32 $1.442695020e+00, v45  }
0x1a4: {  	(erf) = vrcp.f32 v9  }
0x1a5: {  	v46 =	vld [tilespmem:$0x280];
	(erf) = vpow2.f32 v10;
	_ =	sdelay $0x1  }
0x1a6: {  	v47 =	vld [tilespmem:$0x680];
	_ =	sdelay $0x2  }
0x1a7: {  	v9 =	vmul.f32 v46, v0;
	_ =	sdelay $0x1  }
0x1a8: {  	v9 =	vadd.f32 v47, v9  }
0x1a9: {  	v48 =	vpop (erf)  }
0x1aa: {  	v50 =	vsub.f32 $0.0e+00, v9;
	v49 =	vpop (erf)  }
0x1ab: {  	v11 =	vadd.f32 $1.000000000e+00, v49  }
0x1ac: {  	v12 =	vmul.f32 $1.442695020e+00, v50  }
0x1ad: {  	(erf) = vrcp.f32 v11  }
0x1ae: {  	v51 =	vld [tilespmem:$0x300];
	(erf) = vpow2.f32 v12;
	_ =	sdelay $0x1  }
0x1af: {  	v52 =	vld [tilespmem:$0x700];
	_ =	sdelay $0x2  }
0x1b0: {  	v11 =	vmul.f32 v51, v0;
	_ =	sdelay $0x1  }
0x1b1: {  	v11 =	vadd.f32 v52, v11  }
0x1b2: {  	v53 =	vpop (erf)  }
0x1b3: {  	v55 =	vsub.f32 $0.0e+00, v11;
	v54 =	vpop (erf)  }
0x1b4: {  	v13 =	vadd.f32 $1.000000000e+00, v54  }
0x1b5: {  	v14 =	vmul.f32 $1.442695020e+00, v55  }
0x1b6: {  	(erf) = vrcp.f32 v13  }
0x1b7: {  	v56 =	vld [tilespmem:$0x380];
	(erf) = vpow2.f32 v14;
	_ =	sdelay $0x1  }
0x1b8: {  	v57 =	vld [tilespmem:$0x780];
	_ =	sdelay $0x2  }
0x1b9: {  	v13 =	vmul.f32 v56, v0;
	_ =	sdelay $0x1  }
0x1ba: {  	v13 =	vadd.f32 v57, v13  }
0x1bb: {  	v58 =	vpop (erf)  }
0x1bc: {  	v60 =	vsub.f32 $0.0e+00, v13;
	v59 =	vpop (erf)  }
0x1bd: {  	v15 =	vadd.f32 $1.000000000e+00, v59  }
0x1be: {  	v16 =	vmul.f32 $1.442695020e+00, v60  }
0x1bf: {  	(erf) = vrcp.f32 v15  }
0x1c0: {  	v61 =	vld [tilespmem:$0x400];
	(erf) = vpow2.f32 v16;
	_ =	sdelay $0x1  }
0x1c1: {  	v62 =	vld [tilespmem:$0x800];
	_ =	sdelay $0x2  }
0x1c2: {  	v15 =	vmul.f32 v61, v0;
	_ =	sdelay $0x1  }
0x1c3: {  	v15 =	vadd.f32 v62, v15  }
0x1c4: {  	v63 =	vpop (erf)  }
0x1c5: {  	v22 =	vsub.f32 $0.0e+00, v15;
	v21 =	vpop (erf)  }
0x1c6: {  	v17 =	vadd.f32 $1.000000000e+00, v21  }
0x1c7: {  	v18 =	vmul.f32 $1.442695020e+00, v22  }
0x1c8: {  	(erf) = vrcp.f32 v17  }
0x1c9: {  	(erf) = vpow2.f32 v18;
	_ =	sdelay $0x5  }
0x1ca: {  	v23 =	vmul.f32 v2, v1;
	_ =	sdelay $0x1  }
0x1cb: {  	v1 =	vbroadcast v23, $0x0;
	v3 =	vmul.f32 v38, v3;
	v24 =	vpop (erf)  }
0x1cc: {  	v2 =	vbroadcast v23, $0x1;
	v4 =	vmul.f32 v43, v4;
	v25 =	vpop (erf)  }
0x1cd: {  	v26 =	vmul.f32 v3, v1;
	v6 =	vadd.f32 $1.000000000e+00, v25  }
0x1ce: {  	v3 =	vbroadcast v23, $0x2;
	v27 =	vmul.f32 v4, v2  }
0x1cf: {  	v8 =	vadd.f32 $0.0e+00, v26;
	v5 =	vmul.f32 v48, v5;
	(erf) = vrcp.f32 v6  }
0x1d0: {  	v4 =	vbroadcast v23, $0x3  }
0x1d1: {  	v28 =	vadd.f32 v27, v8;
	v29 =	vmul.f32 v5, v3;
	v7 =	vmul.f32 v53, v7  }
0x1d2: {  	v5 =	vbroadcast v23, $0x4;
	v9 =	vmul.f32 v58, v9  }
0x1d3: {  	v8 =	vadd.f32 v29, v28;
	v7 =	vmul.f32 v7, v4  }
0x1d4: {  	v9 =	vmul.f32 v9, v5  }
0x1d5: {  	v8 =	vadd.f32 v7, v8;
	v30 =	vmul.f32 v63, v11;
	v6 =	vbroadcast v23, $0x5  }
0x1d6: {  	v7 =	vbroadcast v23, $0x6  }
0x1d7: {  	v9 =	vadd.f32 v9, v8;
	v31 =	vmul.f32 v24, v13;
	v10 =	vmul.f32 v30, v6  }
0x1d8: {  	v8 =	vbroadcast v23, $0x7;
	v32 =	vpop (erf)  }
0x1d9: {  	v33 =	vmul.f32 v31, v7;
	v9 =	vadd.f32 v10, v9;
	v34 =	vmul.f32 v32, v15;
	_ =	sdelay $0x1  }
0x1da: {  	v9 =	vadd.f32 v33, v9;
	v35 =	vmul.f32 v34, v8;
	_ =	sdelay $0x1  }
0x1db: {  	v9 =	vadd.f32 v35, v9;
	_ =	sdelay $0x1  }
0x1dc: {  	[tilespmem:s13+$0x0] =	vst v9  }
0x1dd: {  	v9 =	vld [tilespmem:$0x90];
	_ =	sdelay $0x1  }
0x1de: {  	v36 =	vld [tilespmem:$0x490];
	_ =	sdelay $0x2  }
0x1df: {  	v9 =	vmul.f32 v9, v0;
	_ =	sdelay $0x1  }
0x1e0: {  	v9 =	vadd.f32 v36, v9;
	_ =	sdelay $0x1  }
0x1e1: {  	v10 =	vsub.f32 $0.0e+00, v9;
	_ =	sdelay $0x1  }
0x1e2: {  	v10 =	vmul.f32 $1.442695020e+00, v10;
	_ =	sdelay $0x1  }
0x1e3: {  	v37 =	vld [tilespmem:$0x110];
	(erf) = vpow2.f32 v10;
	_ =	sdelay $0x1  }
0x1e4: {  	v38 =	vld [tilespmem:$0x510];
	_ =	sdelay $0x2  }
0x1e5: {  	v10 =	vmul.f32 v37, v0;
	_ =	sdelay $0x1  }
0x1e6: {  	v10 =	vadd.f32 v38, v10;
	_ =	sdelay $0x1  }
0x1e7: {  	v40 =	vsub.f32 $0.0e+00, v10;
	v39 =	vpop (erf)  }
0x1e8: {  	v11 =	vadd.f32 $1.000000000e+00, v39  }
0x1e9: {  	v12 =	vmul.f32 $1.442695020e+00, v40  }
0x1ea: {  	(erf) = vrcp.f32 v11  }
0x1eb: {  	v41 =	vld [tilespmem:$0x190];
	(erf) = vpow2.f32 v12;
	_ =	sdelay $0x1  }
0x1ec: {  	v42 =	vld [tilespmem:$0x590];
	_ =	sdelay $0x2  }
0x1ed: {  	v11 =	vmul.f32 v41, v0;
	_ =	sdelay $0x1  }
0x1ee: {  	v11 =	vadd.f32 v42, v11  }
0x1ef: {  	v43 =	vpop (erf)  }
0x1f0: {  	v45 =	vsub.f32 $0.0e+00, v11;
	v44 =	vpop (erf)  }
0x1f1: {  	v13 =	vadd.f32 $1.000000000e+00, v44  }
0x1f2: {  	v14 =	vmul.f32 $1.442695020e+00, v45  }
0x1f3: {  	(erf) = vrcp.f32 v13  }
0x1f4: {  	v46 =	vld [tilespmem:$0x210];
	(erf) = vpow2.f32 v14;
	_ =	sdelay $0x1  }
0x1f5: {  	v47 =	vld [tilespmem:$0x610];
	_ =	sdelay $0x2  }
0x1f6: {  	v13 =	vmul.f32 v46, v0;
	_ =	sdelay $0x1  }
0x1f7: {  	v13 =	vadd.f32 v47, v13  }
0x1f8: {  	v48 =	vpop (erf)  }
0x1f9: {  	v50 =	vsub.f32 $0.0e+00, v13;
	v49 =	vpop (erf)  }
0x1fa: {  	v15 =	vadd.f32 $1.000000000e+00, v49  }
0x1fb: {  	v16 =	vmul.f32 $1.442695020e+00, v50  }
0x1fc: {  	(erf) = vrcp.f32 v15  }
0x1fd: {  	v51 =	vld [tilespmem:$0x290];
	(erf) = vpow2.f32 v16;
	_ =	sdelay $0x1  }
0x1fe: {  	v52 =	vld [tilespmem:$0x690];
	_ =	sdelay $0x2  }
0x1ff: {  	v15 =	vmul.f32 v51, v0;
	_ =	sdelay $0x1  }
0x200: {  	v15 =	vadd.f32 v52, v15  }
0x201: {  	v53 =	vpop (erf)  }
0x202: {  	v55 =	vsub.f32 $0.0e+00, v15;
	v54 =	vpop (erf)  }
0x203: {  	v17 =	vadd.f32 $1.000000000e+00, v54  }
0x204: {  	v18 =	vmul.f32 $1.442695020e+00, v55  }
0x205: {  	(erf) = vrcp.f32 v17  }
0x206: {  	v56 =	vld [tilespmem:$0x310];
	(erf) = vpow2.f32 v18;
	_ =	sdelay $0x1  }
0x207: {  	v57 =	vld [tilespmem:$0x710];
	_ =	sdelay $0x2  }
0x208: {  	v17 =	vmul.f32 v56, v0;
	_ =	sdelay $0x1  }
0x209: {  	v17 =	vadd.f32 v57, v17  }
0x20a: {  	v58 =	vpop (erf)  }
0x20b: {  	v60 =	vsub.f32 $0.0e+00, v17;
	v59 =	vpop (erf)  }
0x20c: {  	v19 =	vadd.f32 $1.000000000e+00, v59  }
0x20d: {  	v20 =	vmul.f32 $1.442695020e+00, v60  }
0x20e: {  	(erf) = vrcp.f32 v19  }
0x20f: {  	v61 =	vld [tilespmem:$0x390];
	(erf) = vpow2.f32 v20;
	_ =	sdelay $0x1  }
0x210: {  	v62 =	vld [tilespmem:$0x790];
	_ =	sdelay $0x2  }
0x211: {  	v19 =	vmul.f32 v61, v0;
	_ =	sdelay $0x1  }
0x212: {  	v19 =	vadd.f32 v62, v19  }
0x213: {  	v63 =	vpop (erf)  }
0x214: {  	v26 =	vsub.f32 $0.0e+00, v19;
	v25 =	vpop (erf)  }
0x215: {  	v21 =	vadd.f32 $1.000000000e+00, v25  }
0x216: {  	v22 =	vmul.f32 $1.442695020e+00, v26  }
0x217: {  	(erf) = vrcp.f32 v21  }
0x218: {  	v27 =	vld [tilespmem:$0x410];
	(erf) = vpow2.f32 v22;
	_ =	sdelay $0x1  }
0x219: {  	v28 =	vld [tilespmem:$0x810];
	_ =	sdelay $0x2  }
0x21a: {  	v21 =	vmul.f32 v27, v0;
	_ =	sdelay $0x1  }
0x21b: {  	v21 =	vadd.f32 v28, v21  }
0x21c: {  	v29 =	vpop (erf)  }
0x21d: {  	v31 =	vsub.f32 $0.0e+00, v21;
	v30 =	vpop (erf)  }
0x21e: {  	v23 =	vadd.f32 $1.000000000e+00, v30  }
0x21f: {  	v24 =	vmul.f32 $1.442695020e+00, v31  }
0x220: {  	(erf) = vrcp.f32 v23  }
0x221: {  	(erf) = vpow2.f32 v24;
	_ =	sdelay $0x7  }
0x222: {  	v9 =	vmul.f32 v43, v9;
	v32 =	vpop (erf)  }
0x223: {  	v10 =	vmul.f32 v48, v10;
	v33 =	vpop (erf)  }
0x224: {  	v9 =	vmul.f32 v9, v1;
	v14 =	vadd.f32 $1.000000000e+00, v33  }
0x225: {  	v10 =	vmul.f32 v10, v2  }
0x226: {  	v9 =	vadd.f32 $0.0e+00, v9;
	v11 =	vmul.f32 v53, v11;
	(erf) = vrcp.f32 v14;
	_ =	sdelay $0x1  }
0x227: {  	v9 =	vadd.f32 v10, v9;
	v34 =	vmul.f32 v11, v3;
	v35 =	vmul.f32 v58, v13;
	_ =	sdelay $0x1  }
0x228: {  	v9 =	vadd.f32 v34, v9;
	v36 =	vmul.f32 v35, v4;
	v37 =	vmul.f32 v63, v15;
	_ =	sdelay $0x1  }
0x229: {  	v9 =	vadd.f32 v36, v9;
	v38 =	vmul.f32 v37, v5;
	v39 =	vmul.f32 v29, v17;
	_ =	sdelay $0x1  }
0x22a: {  	v9 =	vadd.f32 v38, v9;
	v40 =	vmul.f32 v39, v6;
	v41 =	vmul.f32 v32, v19  }
0x22b: {  	v42 =	vpop (erf)  }
0x22c: {  	v9 =	vadd.f32 v40, v9;
	v43 =	vmul.f32 v41, v7;
	v44 =	vmul.f32 v42, v21;
	_ =	sdelay $0x1  }
0x22d: {  	v9 =	vadd.f32 v43, v9;
	v45 =	vmul.f32 v44, v8;
	_ =	sdelay $0x1  }
0x22e: {  	v9 =	vadd.f32 v45, v9;
	_ =	sdelay $0x1  }
0x22f: {  	[tilespmem:s13+$0x10] =	vst v9  }
0x230: {  	v9 =	vld [tilespmem:$0xA0];
	_ =	sdelay $0x1  }
0x231: {  	v46 =	vld [tilespmem:$0x4A0];
	_ =	sdelay $0x2  }
0x232: {  	v9 =	vmul.f32 v9, v0;
	_ =	sdelay $0x1  }
0x233: {  	v9 =	vadd.f32 v46, v9;
	_ =	sdelay $0x1  }
0x234: {  	v10 =	vsub.f32 $0.0e+00, v9;
	_ =	sdelay $0x1  }
0x235: {  	v10 =	vmul.f32 $1.442695020e+00, v10;
	_ =	sdelay $0x1  }
0x236: {  	v47 =	vld [tilespmem:$0x120];
	(erf) = vpow2.f32 v10;
	_ =	sdelay $0x1  }
0x237: {  	v48 =	vld [tilespmem:$0x520];
	_ =	sdelay $0x2  }
0x238: {  	v10 =	vmul.f32 v47, v0;
	_ =	sdelay $0x1  }
0x239: {  	v10 =	vadd.f32 v48, v10;
	_ =	sdelay $0x1  }
0x23a: {  	v50 =	vsub.f32 $0.0e+00, v10;
	v49 =	vpop (erf)  }
0x23b: {  	v11 =	vadd.f32 $1.000000000e+00, v49  }
0x23c: {  	v12 =	vmul.f32 $1.442695020e+00, v50  }
0x23d: {  	(erf) = vrcp.f32 v11  }
0x23e: {  	v51 =	vld [tilespmem:$0x1A0];
	(erf) = vpow2.f32 v12;
	_ =	sdelay $0x1  }
0x23f: {  	v52 =	vld [tilespmem:$0x5A0];
	_ =	sdelay $0x2  }
0x240: {  	v11 =	vmul.f32 v51, v0;
	_ =	sdelay $0x1  }
0x241: {  	v11 =	vadd.f32 v52, v11  }
0x242: {  	v53 =	vpop (erf)  }
0x243: {  	v55 =	vsub.f32 $0.0e+00, v11;
	v54 =	vpop (erf)  }
0x244: {  	v13 =	vadd.f32 $1.000000000e+00, v54  }
0x245: {  	v14 =	vmul.f32 $1.442695020e+00, v55  }
0x246: {  	(erf) = vrcp.f32 v13  }
0x247: {  	v56 =	vld [tilespmem:$0x220];
	(erf) = vpow2.f32 v14;
	_ =	sdelay $0x1  }
0x248: {  	v57 =	vld [tilespmem:$0x620];
	_ =	sdelay $0x2  }
0x249: {  	v13 =	vmul.f32 v56, v0;
	_ =	sdelay $0x1  }
0x24a: {  	v13 =	vadd.f32 v57, v13  }
0x24b: {  	v58 =	vpop (erf)  }
0x24c: {  	v60 =	vsub.f32 $0.0e+00, v13;
	v59 =	vpop (erf)  }
0x24d: {  	v15 =	vadd.f32 $1.000000000e+00, v59  }
0x24e: {  	v16 =	vmul.f32 $1.442695020e+00, v60  }
0x24f: {  	(erf) = vrcp.f32 v15  }
0x250: {  	v61 =	vld [tilespmem:$0x2A0];
	(erf) = vpow2.f32 v16;
	_ =	sdelay $0x1  }
0x251: {  	v62 =	vld [tilespmem:$0x6A0];
	_ =	sdelay $0x2  }
0x252: {  	v15 =	vmul.f32 v61, v0;
	_ =	sdelay $0x1  }
0x253: {  	v15 =	vadd.f32 v62, v15  }
0x254: {  	v63 =	vpop (erf)  }
0x255: {  	v26 =	vsub.f32 $0.0e+00, v15;
	v25 =	vpop (erf)  }
0x256: {  	v17 =	vadd.f32 $1.000000000e+00, v25  }
0x257: {  	v18 =	vmul.f32 $1.442695020e+00, v26  }
0x258: {  	(erf) = vrcp.f32 v17  }
0x259: {  	v27 =	vld [tilespmem:$0x320];
	(erf) = vpow2.f32 v18;
	_ =	sdelay $0x1  }
0x25a: {  	v28 =	vld [tilespmem:$0x720];
	_ =	sdelay $0x2  }
0x25b: {  	v17 =	vmul.f32 v27, v0;
	_ =	sdelay $0x1  }
0x25c: {  	v17 =	vadd.f32 v28, v17  }
0x25d: {  	v29 =	vpop (erf)  }
0x25e: {  	v31 =	vsub.f32 $0.0e+00, v17;
	v30 =	vpop (erf)  }
0x25f: {  	v19 =	vadd.f32 $1.000000000e+00, v30  }
0x260: {  	v20 =	vmul.f32 $1.442695020e+00, v31  }
0x261: {  	(erf) = vrcp.f32 v19  }
0x262: {  	v32 =	vld [tilespmem:$0x3A0];
	(erf) = vpow2.f32 v20;
	_ =	sdelay $0x1  }
0x263: {  	v33 =	vld [tilespmem:$0x7A0];
	_ =	sdelay $0x2  }
0x264: {  	v19 =	vmul.f32 v32, v0;
	_ =	sdelay $0x1  }
0x265: {  	v19 =	vadd.f32 v33, v19  }
0x266: {  	v34 =	vpop (erf)  }
0x267: {  	v36 =	vsub.f32 $0.0e+00, v19;
	v35 =	vpop (erf)  }
0x268: {  	v21 =	vadd.f32 $1.000000000e+00, v35  }
0x269: {  	v22 =	vmul.f32 $1.442695020e+00, v36  }
0x26a: {  	(erf) = vrcp.f32 v21  }
0x26b: {  	v37 =	vld [tilespmem:$0x420];
	(erf) = vpow2.f32 v22;
	_ =	sdelay $0x1  }
0x26c: {  	v38 =	vld [tilespmem:$0x820];
	_ =	sdelay $0x2  }
0x26d: {  	v21 =	vmul.f32 v37, v0;
	_ =	sdelay $0x1  }
0x26e: {  	v21 =	vadd.f32 v38, v21  }
0x26f: {  	v39 =	vpop (erf)  }
0x270: {  	v41 =	vsub.f32 $0.0e+00, v21;
	v40 =	vpop (erf)  }
0x271: {  	v23 =	vadd.f32 $1.000000000e+00, v40  }
0x272: {  	v24 =	vmul.f32 $1.442695020e+00, v41  }
0x273: {  	(erf) = vrcp.f32 v23  }
0x274: {  	(erf) = vpow2.f32 v24;
	_ =	sdelay $0x7  }
0x275: {  	v9 =	vmul.f32 v53, v9;
	v42 =	vpop (erf)  }
0x276: {  	v10 =	vmul.f32 v58, v10;
	v43 =	vpop (erf)  }
0x277: {  	v9 =	vmul.f32 v9, v1;
	v14 =	vadd.f32 $1.000000000e+00, v43  }
0x278: {  	v10 =	vmul.f32 v10, v2  }
0x279: {  	v9 =	vadd.f32 $0.0e+00, v9;
	v11 =	vmul.f32 v63, v11;
	(erf) = vrcp.f32 v14;
	_ =	sdelay $0x1  }
0x27a: {  	v9 =	vadd.f32 v10, v9;
	v44 =	vmul.f32 v11, v3;
	v45 =	vmul.f32 v29, v13;
	_ =	sdelay $0x1  }
0x27b: {  	v9 =	vadd.f32 v44, v9;
	v46 =	vmul.f32 v45, v4;
	v47 =	vmul.f32 v34, v15;
	_ =	sdelay $0x1  }
0x27c: {  	v9 =	vadd.f32 v46, v9;
	v48 =	vmul.f32 v47, v5;
	v49 =	vmul.f32 v39, v17;
	_ =	sdelay $0x1  }
0x27d: {  	v9 =	vadd.f32 v48, v9;
	v50 =	vmul.f32 v49, v6;
	v51 =	vmul.f32 v42, v19  }
0x27e: {  	v52 =	vpop (erf)  }
0x27f: {  	v9 =	vadd.f32 v50, v9;
	v53 =	vmul.f32 v51, v7;
	v54 =	vmul.f32 v52, v21;
	_ =	sdelay $0x1  }
0x280: {  	v9 =	vadd.f32 v53, v9;
	v55 =	vmul.f32 v54, v8;
	_ =	sdelay $0x1  }
0x281: {  	v9 =	vadd.f32 v55, v9;
	_ =	sdelay $0x1  }
0x282: {  	[tilespmem:s13+$0x20] =	vst v9  }
0x283: {  	v9 =	vld [tilespmem:$0xB0];
	_ =	sdelay $0x1  }
0x284: {  	v56 =	vld [tilespmem:$0x4B0];
	_ =	sdelay $0x2  }
0x285: {  	v9 =	vmul.f32 v9, v0;
	_ =	sdelay $0x1  }
0x286: {  	v9 =	vadd.f32 v56, v9;
	_ =	sdelay $0x1  }
0x287: {  	v10 =	vsub.f32 $0.0e+00, v9;
	_ =	sdelay $0x1  }
0x288: {  	v10 =	vmul.f32 $1.442695020e+00, v10;
	_ =	sdelay $0x1  }
0x289: {  	v57 =	vld [tilespmem:$0x130];
	(erf) = vpow2.f32 v10;
	_ =	sdelay $0x1  }
0x28a: {  	v58 =	vld [tilespmem:$0x530];
	_ =	sdelay $0x2  }
0x28b: {  	v10 =	vmul.f32 v57, v0;
	_ =	sdelay $0x1  }
0x28c: {  	v10 =	vadd.f32 v58, v10;
	_ =	sdelay $0x1  }
0x28d: {  	v60 =	vsub.f32 $0.0e+00, v10;
	v59 =	vpop (erf)  }
0x28e: {  	v11 =	vadd.f32 $1.000000000e+00, v59  }
0x28f: {  	v12 =	vmul.f32 $1.442695020e+00, v60  }
0x290: {  	(erf) = vrcp.f32 v11  }
0x291: {  	v61 =	vld [tilespmem:$0x1B0];
	(erf) = vpow2.f32 v12;
	_ =	sdelay $0x1  }
0x292: {  	v62 =	vld [tilespmem:$0x5B0];
	_ =	sdelay $0x2  }
0x293: {  	v11 =	vmul.f32 v61, v0;
	_ =	sdelay $0x1  }
0x294: {  	v11 =	vadd.f32 v62, v11  }
0x295: {  	v63 =	vpop (erf)  }
0x296: {  	v25 =	vsub.f32 $0.0e+00, v11;
	v24 =	vpop (erf)  }
0x297: {  	v13 =	vadd.f32 $1.000000000e+00, v24  }
0x298: {  	v14 =	vmul.f32 $1.442695020e+00, v25  }
0x299: {  	(erf) = vrcp.f32 v13  }
0x29a: {  	v26 =	vld [tilespmem:$0x230];
	(erf) = vpow2.f32 v14;
	_ =	sdelay $0x1  }
0x29b: {  	v27 =	vld [tilespmem:$0x630];
	_ =	sdelay $0x2  }
0x29c: {  	v13 =	vmul.f32 v26, v0;
	_ =	sdelay $0x1  }
0x29d: {  	v13 =	vadd.f32 v27, v13  }
0x29e: {  	v28 =	vpop (erf)  }
0x29f: {  	v30 =	vsub.f32 $0.0e+00, v13;
	v29 =	vpop (erf)  }
0x2a0: {  	v15 =	vadd.f32 $1.000000000e+00, v29  }
0x2a1: {  	v16 =	vmul.f32 $1.442695020e+00, v30  }
0x2a2: {  	(erf) = vrcp.f32 v15  }
0x2a3: {  	v31 =	vld [tilespmem:$0x2B0];
	(erf) = vpow2.f32 v16;
	_ =	sdelay $0x1  }
0x2a4: {  	v32 =	vld [tilespmem:$0x6B0];
	_ =	sdelay $0x2  }
0x2a5: {  	v15 =	vmul.f32 v31, v0;
	_ =	sdelay $0x1  }
0x2a6: {  	v15 =	vadd.f32 v32, v15  }
0x2a7: {  	v33 =	vpop (erf)  }
0x2a8: {  	v35 =	vsub.f32 $0.0e+00, v15;
	v34 =	vpop (erf)  }
0x2a9: {  	v17 =	vadd.f32 $1.000000000e+00, v34  }
0x2aa: {  	v18 =	vmul.f32 $1.442695020e+00, v35  }
0x2ab: {  	(erf) = vrcp.f32 v17  }
0x2ac: {  	v36 =	vld [tilespmem:$0x330];
	(erf) = vpow2.f32 v18;
	_ =	sdelay $0x1  }
0x2ad: {  	v37 =	vld [tilespmem:$0x730];
	_ =	sdelay $0x2  }
0x2ae: {  	v17 =	vmul.f32 v36, v0;
	_ =	sdelay $0x1  }
0x2af: {  	v17 =	vadd.f32 v37, v17  }
0x2b0: {  	v38 =	vpop (erf)  }
0x2b1: {  	v40 =	vsub.f32 $0.0e+00, v17;
	v39 =	vpop (erf)  }
0x2b2: {  	v19 =	vadd.f32 $1.000000000e+00, v39  }
0x2b3: {  	v20 =	vmul.f32 $1.442695020e+00, v40  }
0x2b4: {  	(erf) = vrcp.f32 v19  }
0x2b5: {  	v41 =	vld [tilespmem:$0x3B0];
	(erf) = vpow2.f32 v20;
	_ =	sdelay $0x1  }
0x2b6: {  	v42 =	vld [tilespmem:$0x7B0];
	_ =	sdelay $0x2  }
0x2b7: {  	v19 =	vmul.f32 v41, v0;
	_ =	sdelay $0x1  }
0x2b8: {  	v19 =	vadd.f32 v42, v19  }
0x2b9: {  	v43 =	vpop (erf)  }
0x2ba: {  	v45 =	vsub.f32 $0.0e+00, v19;
	v44 =	vpop (erf)  }
0x2bb: {  	v21 =	vadd.f32 $1.000000000e+00, v44  }
0x2bc: {  	v22 =	vmul.f32 $1.442695020e+00, v45  }
0x2bd: {  	(erf) = vrcp.f32 v21  }
0x2be: {  	v46 =	vld [tilespmem:$0x430];
	(erf) = vpow2.f32 v22;
	_ =	sdelay $0x1  }
0x2bf: {  	v47 =	vld [tilespmem:$0x830];
	_ =	sdelay $0x2  }
0x2c0: {  	v0 =	vmul.f32 v46, v0;
	_ =	sdelay $0x1  }
0x2c1: {  	v0 =	vadd.f32 v47, v0  }
0x2c2: {  	v48 =	vpop (erf)  }
0x2c3: {  	v50 =	vsub.f32 $0.0e+00, v0;
	v49 =	vpop (erf)  }
0x2c4: {  	v22 =	vadd.f32 $1.000000000e+00, v49  }
0x2c5: {  	v23 =	vmul.f32 $1.442695020e+00, v50  }
0x2c6: {  	(erf) = vrcp.f32 v22  }
0x2c7: {  	(erf) = vpow2.f32 v23;
	_ =	sdelay $0x7  }
0x2c8: {  	v9 =	vmul.f32 v63, v9;
	v22 =	vpop (erf)  }
0x2c9: {  	v10 =	vmul.f32 v28, v10;
	v51 =	vpop (erf)  }
0x2ca: {  	v1 =	vmul.f32 v9, v1;
	v52 =	vadd.f32 $1.000000000e+00, v51  }
0x2cb: {  	v2 =	vmul.f32 v10, v2  }
0x2cc: {  	v1 =	vadd.f32 $0.0e+00, v1;
	v53 =	vmul.f32 v33, v11;
	(erf) = vrcp.f32 v52;
	_ =	sdelay $0x1  }
0x2cd: {  	v1 =	vadd.f32 v2, v1;
	v54 =	vmul.f32 v53, v3;
	v55 =	vmul.f32 v38, v13;
	_ =	sdelay $0x1  }
0x2ce: {  	v1 =	vadd.f32 v54, v1;
	v56 =	vmul.f32 v55, v4;
	v57 =	vmul.f32 v43, v15;
	_ =	sdelay $0x1  }
0x2cf: {  	v1 =	vadd.f32 v56, v1;
	v58 =	vmul.f32 v57, v5;
	v59 =	vmul.f32 v48, v17;
	_ =	sdelay $0x1  }
0x2d0: {  	v1 =	vadd.f32 v58, v1;
	v60 =	vmul.f32 v59, v6;
	v61 =	vmul.f32 v22, v19  }
0x2d1: {  	v62 =	vpop (erf)  }
0x2d2: {  	v1 =	vadd.f32 v60, v1;
	v63 =	vmul.f32 v61, v7;
	v0 =	vmul.f32 v62, v0  }
0x2d3: {  	p0 =	sne.s32 s14, $0x3FC  }
.Ltmp0:
0x2d4: {  	v1 =	vadd.f32 v63, v1;
	v0 =	vmul.f32 v0, v8;
	(pc) =	sbr.rel @p0 .LBB2_2-.Ltmp0, $3  }
0x2d5: {  	_ = 	snop  }
0x2d6: {  	v0 =	vadd.f32 v0, v1;
	_ =	sdelay $0x1  }
0x2d7: {  	s14 =	sadd.s32 $0x4, s14;
	[tilespmem:s13+$0x30] =	vst v0;
	s13 =	sadd.s32 $0x80, s13  }
0x2d8: {  	s12 =	sadd.s32 $0x1, s12  }
0x2d9: {  	p0 =	sne.s32 s12, s7  }
.Ltmp1:
0x2da: {  	_ = 	snop;
	(pc) =	sbr.rel @p0 .LBB2_1-.Ltmp1, $4  }
0x2db: {  	[hbm4b:s6+s2] =	stream.linear.scatter [tilespmem:s11], [sflag:$0x1], $0x8000, $0x38;
	[tilespmem:$0x8B80] =	vst v63  }
0x2dc: {  	_ =	swait.ge [sflag:s8], $0x8000  }
0x2dd: {  	[sflag:s8] =	ssyncset.done $0x0  }
0x2de: {  	[sflag:s8] =	ssyncadd.s32 $0xFFFF8000  }
0x2df: {  	_ =	sfence.sel $0x180000  }
0x2e0: {  	[bflag:$0x0] =	sbarrier.arrive $0xFFFF  }
0x2e1: {  	p0 =	sne.s32 s1, $0x0;
	_ =	strace $0x90000047  }
0x2e2: {  	s0 =	sadd.s32 @!p0 $0x100000, s0;
	[bflag:$0x2] =	sbarrier.arrive $0xFFFF  }
0x2e3: {  	[sflag:s0] =	ssyncadd.tile.s32 @!p0 $0x1;
	_ =	shalt  }
.Lfunc_end2:
_tile_overlayer_lowered:
.L_overlay_start_2:
0x2e4: {  	(tag) =	ssettag $0x2  }
0x2e5: {  	s0 =	rddreg [dreg:$0x0];
	s2 =	stileid.u32  }
0x2e6: {  	s1 =	rddreg [dreg:$0x1];
	p0 =	sne.s32 s2, $0x0  }
0x2e7: {  	s3 =	rddreg [dreg:$0x2];
	[bflag:$0x3] =	sbarrier.arrive $0xFFFF;
	s2 =	simm.s32 @!p0 $0x1C01  }
0x2e8: {  	[timem:s3], [sflag:s2] =	dma.local @!p0 [hbm:s0], s1  }
0x2e9: {  	s0 =	simm.s32 @!p0 $0x1  }
0x2ea: {  	_ =	swait.ge @!p0 [sflag:s0], s1  }
0x2eb: {  	s1 =	ssub.s32 @!p0 $0x0, s1;
	[sflag:s0] =	ssyncset.done @!p0 $0x0  }
0x2ec: {  	[sflag:s0] =	ssyncadd.s32 @!p0 s1  }
0x2ed: {  	[bflag:$0x3] =	sbarrier.arrive $0xFFFF  }
0x2ee: {  	_ =	shalt  }

</sc_bundles>
